<compile_context>
chip_gen: v7x
topology: tpu7x:2x2x1
jax: 0.10.2.dev20260603
libtpu: 0.0.44.dev20260713+nightly
codegen_flags: <defaults>
</compile_context>

<pallas_src>
import functools
import jax
import jax.numpy as jnp
from jax import lax
from jax.experimental import pallas as pl
from jax.experimental.pallas import tpu as pltpu
from jax.experimental.pallas import tpu_sc as plsc

A = 5
H1 = 10
H2 = 50
L = 200
D = 64
B = 1024
NU = 100000

_NC = 2
_NS = 16
_NW = _NC * _NS
_BPW = B // _NW
_LA = 112
_LB = L - _LA


def _sc_ids_body(uid_hbm, iid_hbm, userDocF_hbm, itemDocF_hbm, idx_hbm,
                 ids_v, pos_v, gA_v, gB_v, idxA_v, idxB_v, semA, semB):
    wid = lax.axis_index("s") * _NC + lax.axis_index("c")
    base = wid * _BPW

    for c in range(12):
        pos_v[pl.ds(c * 16, 16)] = (lax.iota(jnp.int32, 16) + c * 16) * NU
    pos_v[pl.ds(184, 16)] = (lax.iota(jnp.int32, 16) + 184) * NU
    lane16 = lax.iota(jnp.int32, 16) * 0

    def do_side(bid_hbm, docF_hbm, side_off):
        pltpu.sync_copy(bid_hbm.at[pl.ds(base, _BPW)], ids_v)

        def conv_body(r, carry):
            ubc = plsc.load_gather(ids_v, [lane16 + r])
            for c in range(_LA // 16):
                idxA_v[pl.ds(c * 16, 16)] = pos_v[pl.ds(c * 16, 16)] + ubc
            for (soff, doff) in ((112, 0), (128, 16), (144, 32), (160, 48),
                                 (176, 64), (184, 72)):
                idxB_v[pl.ds(doff, 16)] = pos_v[pl.ds(soff, 16)] + ubc
            cpA = pltpu.async_copy(docF_hbm.at[idxA_v], gA_v, semA)
            cpB = pltpu.async_copy(docF_hbm.at[idxB_v], gB_v, semB)
            cpA.wait()
            cpB.wait()
            for c in range(_LA // 16):
                idxA_v[pl.ds(c * 16, 16)] = (
                    gA_v[pl.ds(c * 16, 16)].astype(jnp.int32))
            for c in range(5):
                idxB_v[pl.ds(c * 16, 16)] = (
                    gB_v[pl.ds(c * 16, 16)].astype(jnp.int32))
            idxB_v[pl.ds(72, 16)] = gB_v[pl.ds(72, 16)].astype(jnp.int32)
            off = (side_off + base + r) * L
            pltpu.sync_copy(idxA_v, idx_hbm.at[pl.ds(off, _LA)])
            pltpu.sync_copy(idxB_v, idx_hbm.at[pl.ds(off + _LA, _LB)])
            return carry
        lax.fori_loop(0, _BPW, conv_body, 0)

    do_side(uid_hbm, userDocF_hbm, 0)
    do_side(iid_hbm, itemDocF_hbm, B)


DP = 128


def _sc_emb_body(idx_hbm, wEmbed_hbm, uOut_hbm, iOut_hbm,
                 idxA_v, idxB_v, embA_v, embB_v, semA, semB):
    wid = lax.axis_index("s") * _NC + lax.axis_index("c")
    base = wid * _BPW

    def do_side(side_off, out_hbm):
        def gather_body(r, carry):
            off = (side_off + base + r) * L
            pltpu.sync_copy(idx_hbm.at[pl.ds(off, _LA)], idxA_v)
            pltpu.sync_copy(idx_hbm.at[pl.ds(off + _LA, _LB)], idxB_v)
            cpA = pltpu.async_copy(wEmbed_hbm.at[idxA_v], embA_v, semA)
            cpB = pltpu.async_copy(wEmbed_hbm.at[idxB_v], embB_v, semB)
            cpA.wait()
            cpB.wait()
            pltpu.sync_copy(embA_v, out_hbm.at[base + r, pl.ds(0, _LA)])
            pltpu.sync_copy(embB_v, out_hbm.at[base + r, pl.ds(_LA, _LB)])
            return carry
        lax.fori_loop(0, _BPW, gather_body, 0)

    do_side(0, uOut_hbm)
    do_side(B, iOut_hbm)


def _sc_gather(batch_uid, batch_iid, userDoc, itemDoc, wEmbed):
    mesh = plsc.VectorSubcoreMesh(core_axis_name="c", subcore_axis_name="s",
                                  num_cores=_NC, num_subcores=_NS)
    idx_flat = pl.kernel(
        _sc_ids_body,
        out_type=jax.ShapeDtypeStruct((2 * B * L,), jnp.int32),
        mesh=mesh,
        scratch_types=[
            pltpu.VMEM((_BPW,), jnp.int32),
            pltpu.VMEM((L,), jnp.int32),
            pltpu.VMEM((_LA,), jnp.float32),
            pltpu.VMEM((_LB,), jnp.float32),
            pltpu.VMEM((_LA,), jnp.int32),
            pltpu.VMEM((_LB,), jnp.int32),
            pltpu.SemaphoreType.DMA,
            pltpu.SemaphoreType.DMA,
        ],
        compiler_params=pltpu.CompilerParams(use_tc_tiling_on_sc=False,
                                             needs_layout_passes=False),
    )(batch_uid, batch_iid,
      userDoc.T.reshape(-1), itemDoc.T.reshape(-1))

    out_t = (jax.ShapeDtypeStruct((B, L, DP), jnp.float32),
             jax.ShapeDtypeStruct((B, L, DP), jnp.float32))
    return pl.kernel(
        _sc_emb_body,
        out_type=out_t,
        mesh=mesh,
        scratch_types=[
            pltpu.VMEM((_LA,), jnp.int32),
            pltpu.VMEM((_LB,), jnp.int32),
            pltpu.VMEM((_LA, DP), jnp.float32),
            pltpu.VMEM((_LB, DP), jnp.float32),
            pltpu.SemaphoreType.DMA,
            pltpu.SemaphoreType.DMA,
        ],
        compiler_params=pltpu.CompilerParams(use_tc_tiling_on_sc=True),
    )(idx_flat, wEmbed)


def _dense_kernel(uEmb_ref, iEmb_ref, aspQ_ref, aspProj_ref, W_a_ref, W_u_ref,
                  W_i_ref, w_hu_ref, w_hi_ref, bu_ref, bi_ref, b0_ref, out_ref):
    Bt = uEmb_ref.shape[0]
    BtL = Bt * L
    c00 = (((0,), (0,)), ((), ()))
    seg = (jax.lax.broadcasted_iota(jnp.int32, (BtL, Bt), 0) // L
           == jax.lax.broadcasted_iota(jnp.int32, (BtL, Bt), 1)
           ).astype(jnp.float32)
    aspProj = aspProj_ref[...]

    def side(emb_ref):
        e2 = emb_ref[...].reshape(BtL, DP)
        lt = jnp.dot(e2, aspQ_ref[...])
        m = jnp.max(lt, axis=0, keepdims=True)
        ev = jnp.exp(lt - m)
        den = jax.lax.dot_general(seg, ev, c00)
        denRow = jnp.dot(seg, 1.0 / den)
        attn = ev * denRow
        asps = []
        for a in range(A):
            wseg = seg * attn[:, a:a + 1]
            ctx = jax.lax.dot_general(wseg, e2, c00)
            asps.append(jnp.dot(ctx, aspProj[a]))
        return asps

    uAsp = side(uEmb_ref)
    iAsp = side(iEmb_ref)

    W_a = W_a_ref[...]
    W_u = W_u_ref[...]
    W_i = W_i_ref[...]
    uW = [jnp.dot(uAsp[a], W_a) for a in range(A)]
    S = [[jax.nn.relu(jnp.sum(uW[a] * iAsp[c], axis=1)) for c in range(A)]
         for a in range(A)]
    uProj = [jnp.dot(uAsp[a], W_u) for a in range(A)]
    iProj = [jnp.dot(iAsp[c], W_i) for c in range(A)]

    w_hu = w_hu_ref[0, :]
    w_hi = w_hi_ref[0, :]
    hu = []
    hi = []
    for a in range(A):
        Hu_a = jax.nn.relu(uProj[a] + sum(S[a][c][:, None] * iProj[c] for c in range(A)))
        hu.append(jnp.sum(Hu_a * w_hu[None, :], axis=1))
    for c in range(A):
        Hi_c = jax.nn.relu(iProj[c] + sum(S[a][c][:, None] * uProj[a] for a in range(A)))
        hi.append(jnp.sum(Hi_c * w_hi[None, :], axis=1))

    def softmax5(xs):
        m = xs[0]
        for x in xs[1:]:
            m = jnp.maximum(m, x)
        es = [jnp.exp(x - m) for x in xs]
        tot = sum(es)
        return [e / tot for e in es]

    uImpt = softmax5(hu)
    iImpt = softmax5(hi)
    inter = [jnp.sum(uAsp[a] * iAsp[a], axis=1) for a in range(A)]
    rating = sum(uImpt[a] * iImpt[a] * inter[a] for a in range(A))
    out_ref[...] = (rating[:, None] + bu_ref[...] + bi_ref[...] + b0_ref[0, 0])


def _dense_pallas(uEmb, iEmb, aspQ, aspProj, W_a, W_u, W_i, w_hu, w_hi,
                  bu, bi, b0, *, block_b=32, interpret=False):
    nb = uEmb.shape[0]
    grid = (nb // block_b,)
    emb_spec = pl.BlockSpec((block_b, L, DP), lambda i: (i, 0, 0))
    full = lambda *shape: pl.BlockSpec(shape, lambda i: (0,) * len(shape))
    col_spec = pl.BlockSpec((block_b, 1), lambda i: (i, 0))
    return pl.pallas_call(
        _dense_kernel,
        grid=grid,
        in_specs=[
            emb_spec, emb_spec,
            full(DP, A), full(A, DP, H1),
            full(H1, H1), full(H1, H2), full(H1, H2),
            full(1, H2), full(1, H2),
            col_spec, col_spec, full(1, 1),
        ],
        out_specs=col_spec,
        out_shape=jax.ShapeDtypeStruct((nb, 1), jnp.float32),
        compiler_params=None if interpret else pltpu.CompilerParams(
            vmem_limit_bytes=100 * 1024 * 1024),
        interpret=interpret,
    )(uEmb, iEmb, aspQ, aspProj, W_a, W_u, W_i, w_hu, w_hi, bu, bi, b0)


@jax.jit
def _kernel_impl(batch_uid, batch_iid, userDoc, itemDoc, wEmbed, aspProj,
                 aspEmbed, W_a, W_u, W_i, w_hu, w_hi, b_u, b_i, b0):
    uids = batch_uid.astype(jnp.int32)
    iids = batch_iid.astype(jnp.int32)
    wPad = jnp.pad(wEmbed, ((0, 0), (0, DP - D)))
    uEmb, iEmb = _sc_gather(uids, iids, userDoc, itemDoc, wPad)
    aspQT = jnp.pad(jnp.einsum('adh,ah->da', aspProj, aspEmbed),
                    ((0, DP - D), (0, 0)))
    aspProjP = jnp.pad(aspProj, ((0, 0), (0, DP - D), (0, 0)))
    bu = jnp.take(b_u, uids)[:, None]
    bi = jnp.take(b_i, iids)[:, None]
    return _dense_pallas(uEmb, iEmb, aspQT, aspProjP, W_a, W_u, W_i,
                         w_hu[None, :], w_hi[None, :], bu, bi,
                         b0.reshape(1, 1))


def kernel(batch_uid, batch_iid, userDoc, itemDoc, wEmbed, aspProj, aspEmbed,
           W_a, W_u, W_i, w_hu, w_hi, b_u, b_i, b0):
    return _kernel_impl(batch_uid, batch_iid, userDoc, itemDoc, wEmbed,
                        aspProj, aspEmbed, W_a, W_u, W_i, w_hu, w_hi,
                        b_u, b_i, b0)

# --- scband reference (transcript-rebuilt; emitter-appended) ---
"""Pipeline reference for scband-msanr-71588514890423 (READ-ONLY COPY).

The authoritative reference and input builder live on the scoring server;
editing this copy changes nothing except your own understanding.
"""

import jax, jax.numpy as jnp
import numpy as np

NUM_USERS = 100000
NUM_ITEMS = 100000
MAX_DOC_LEN = 200
VOCAB = 100000
D = 64
A = 5
H1 = 10
H2 = 50
B = 1024


def setup_inputs(seed: int = 0) -> dict:
    key = jax.random.key(seed)
    ks = jax.random.split(key, 16)
    batch_uid = jax.random.randint(ks[0], (B,), 0, NUM_USERS)
    batch_iid = jax.random.randint(ks[1], (B,), 0, NUM_ITems := NUM_ITEMS)
    # frozen doc tables: each row stores word ids (as floats, matching torch nn.Embedding usage)
    userDoc = jax.random.randint(ks[2], (NUM_USERS, MAX_DOC_LEN), 0, VOCAB).astype(jnp.float32)
    itemDoc = jax.random.randint(ks[3], (NUM_ITEMS, MAX_DOC_LEN), 0, VOCAB).astype(jnp.float32)
    # frozen word embedding table
    wEmbed = jax.random.normal(ks[4], (VOCAB, D), dtype=jnp.float32) * 0.1
    # ARL params (aspect projection + aspect attention query per aspect)
    aspProj = jax.random.normal(ks[5], (A, D, H1), dtype=jnp.float32) * 0.05
    aspEmbed = jax.random.normal(ks[6], (A, H1), dtype=jnp.float32) * 0.05
    # RatingPred (aspect importance co-attention) params
    W_a = jax.random.normal(ks[7], (H1, H1), dtype=jnp.float32) * 0.05
    W_u = jax.random.normal(ks[8], (H1, H2), dtype=jnp.float32) * 0.05
    W_i = jax.random.normal(ks[9], (H1, H2), dtype=jnp.float32) * 0.05
    w_hu = jax.random.normal(ks[10], (H2,), dtype=jnp.float32) * 0.05
    w_hi = jax.random.normal(ks[11], (H2,), dtype=jnp.float32) * 0.05
    b_u = jax.random.normal(ks[12], (NUM_USERS,), dtype=jnp.float32) * 0.01
    b_i = jax.random.normal(ks[13], (NUM_ITEMS,), dtype=jnp.float32) * 0.01
    b0 = jnp.zeros((), dtype=jnp.float32)
    return {
        'batch_uid': batch_uid, 'batch_iid': batch_iid,
        'userDoc': userDoc, 'itemDoc': itemDoc, 'wEmbed': wEmbed,
        'aspProj': aspProj, 'aspEmbed': aspEmbed,
        'W_a': W_a, 'W_u': W_u, 'W_i': W_i,
        'w_hu': w_hu, 'w_hi': w_hi,
        'b_u': b_u, 'b_i': b_i, 'b0': b0,
    }


def _arl(docEmbed, aspProj, aspEmbed):
    # docEmbed: [B, L, D] -> per-aspect projection [B, A, L, H1]
    proj = jnp.einsum('bld,adh->balh', docEmbed, aspProj)
    logits = jnp.einsum('balh,ah->bal', proj, aspEmbed)
    attn = jax.nn.softmax(logits, axis=-1)
    aspDoc = jnp.einsum('bal,balh->bah', attn, proj)
    return attn, aspDoc


def reference(batch_uid, batch_iid, userDoc, itemDoc, wEmbed, aspProj, aspEmbed,
              W_a, W_u, W_i, w_hu, w_hi, b_u, b_i, b0):
    # embedding lookups (the dominant, memory-bound ops)
    batch_userDoc = jnp.take(userDoc, batch_uid, axis=0)          # [B, L] float word ids
    batch_itemDoc = jnp.take(itemDoc, batch_iid, axis=0)          # [B, L]
    uDocEmbed = jnp.take(wEmbed, batch_userDoc.astype(jnp.int32), axis=0)  # [B, L, D]
    iDocEmbed = jnp.take(wEmbed, batch_itemDoc.astype(jnp.int32), axis=0)  # [B, L, D]
    # aspect representation learning
    _, userAsp = _arl(uDocEmbed, aspProj, aspEmbed)   # [B, A, H1]
    _, itemAsp = _arl(iDocEmbed, aspProj, aspEmbed)   # [B, A, H1]
    # aspect importance estimation (co-attention)
    S = jax.nn.relu(jnp.einsum('bah,hk,bck->bac', userAsp, W_a, itemAsp))   # [B, A, A]
    uProj = jnp.einsum('bah,hk->bak', userAsp, W_u)
    iProj = jnp.einsum('bch,hk->bck', itemAsp, W_i)
    Hu = jax.nn.relu(uProj + jnp.einsum('bac,bck->bak', S, iProj))
    Hi = jax.nn.relu(iProj + jnp.einsum('bac,bak->bck', S, uProj))
    uImpt = jax.nn.softmax(jnp.einsum('bak,k->ba', Hu, w_hu), axis=1)   # [B, A]
    iImpt = jax.nn.softmax(jnp.einsum('bck,k->bc', Hi, w_hi), axis=1)   # [B, A]
    inter = jnp.sum(userAsp * itemAsp, axis=-1)                         # [B, A]
    rating = (jnp.sum(uImpt * iImpt * inter, axis=1, keepdims=True)
              + jnp.take(b_u, batch_uid)[:, None]
              + jnp.take(b_i, batch_iid)[:, None]
              + b0)
    return rating

if __name__ == "__main__":
    import jax
    _d = setup_inputs()
    print(jax.jit(kernel)(*tuple(_d.values())))

</pallas_src>

<mosaic_0001>
#map = affine_map<(d0, d1) -> (0)>
#map1 = affine_map<(d0, d1) -> (0, 0)>
#map2 = affine_map<(d0, d1) -> (0, 0, 0)>
module attributes {stable_mosaic.version = 14 : i64} {
  func.func @_sc_emb_body(%arg0: i32, %arg1: i32, %arg2: memref<409600xi32, #tpu.memory_space<hbm>>, %arg3: memref<100000x128xf32, #tpu.memory_space<hbm>>, %arg4: memref<1024x200x128xf32, #tpu.memory_space<hbm>>, %arg5: memref<1024x200x128xf32, #tpu.memory_space<hbm>>, %arg6: memref<112xi32, #tpu.memory_space<vmem>>, %arg7: memref<88xi32, #tpu.memory_space<vmem>>, %arg8: memref<112x128xf32, #tpu.memory_space<vmem>>, %arg9: memref<88x128xf32, #tpu.memory_space<vmem>>, %arg10: memref<!tpu.dma_semaphore, #tpu.memory_space<semaphore_mem>>, %arg11: memref<!tpu.dma_semaphore, #tpu.memory_space<semaphore_mem>>) attributes {dimension_semantics = [#tpu.dimension_semantics<core_parallel>, #tpu.dimension_semantics<subcore_parallel>], iteration_bounds = array<i64: 2, 16>, scalar_prefetch = 0 : i64, scratch_operands = 6 : i64, tpu.core_type = #tpu.core_type<sc_vector_subcore>, window_params = [{transform_indices = #map}, {transform_indices = #map1}, {transform_indices = #map2}, {transform_indices = #map2}]} {
    %mul3A = arith.constant 2 : i32
    %mul3A_0 = arith.muli %arg1, %mul3A : i32
    %add3A = arith.addi %mul3A_0, %arg0 : i32
    %mul3A_1 = arith.constant 32 : i32
    %mul3A_2 = arith.muli %add3A, %mul3A_1 : i32
    %scan3A = arith.constant 0 : i32
    %scan3A_3 = arith.constant 0 : i32
    %scan3A_4 = arith.constant 32 : i32
    %scan3A_5 = arith.addi %scan3A_3, %scan3A_4 : i32
    %scan3A_6 = arith.constant 1 : i32
    scf.for %scan3A_14 = %scan3A_3 to %scan3A_5 step %scan3A_6  : i32 {
      %add3A_15 = arith.constant 0 : i32
      %add3A_16 = arith.addi %add3A_15, %mul3A_2 : i32
      %add3A_17 = arith.addi %add3A_16, %scan3A_14 : i32
      %mul3A_18 = arith.constant 200 : i32
      %mul3A_19 = arith.muli %add3A_17, %mul3A_18 : i32
      "tpu.region"() ({
        %run_scoped3A = tpu.sem_alloc : memref<!tpu.dma_semaphore, #tpu.memory_space<semaphore_mem>>
        %dma_start3A_34 = tpu.memref_slice %arg2[%mul3A_19] : memref<409600xi32, #tpu.memory_space<hbm>> -> memref<112xi32, #tpu.memory_space<hbm>>
        %dma_start3A_35 = tpu.memref_slice %arg2[%mul3A_19] : memref<409600xi32, #tpu.memory_space<hbm>> -> memref<112xi32, #tpu.memory_space<hbm>>
        tpu.enqueue_dma source(%dma_start3A_35 : memref<112xi32, #tpu.memory_space<hbm>>) target(%arg6 : memref<112xi32, #tpu.memory_space<vmem>>) target_semaphore(%run_scoped3A : memref<!tpu.dma_semaphore, #tpu.memory_space<semaphore_mem>>)
        %dma_wait3A_36 = tpu.memref_slice %arg2[%mul3A_19] : memref<409600xi32, #tpu.memory_space<hbm>> -> memref<112xi32, #tpu.memory_space<hbm>>
        %dma_wait3A_37 = tpu.memref_slice %arg2[%mul3A_19] : memref<409600xi32, #tpu.memory_space<hbm>> -> memref<112xi32, #tpu.memory_space<hbm>>
        tpu.wait_dma2 semaphore(%run_scoped3A : memref<!tpu.dma_semaphore, #tpu.memory_space<semaphore_mem>>) src(%dma_wait3A_37 : memref<112xi32, #tpu.memory_space<hbm>>) dst(%arg6 : memref<112xi32, #tpu.memory_space<vmem>>)
        tpu.yield
      }) : () -> ()
      %add3A_20 = arith.constant 112 : i32
      %add3A_21 = arith.addi %mul3A_19, %add3A_20 : i32
      "tpu.region"() ({
        %run_scoped3A = tpu.sem_alloc : memref<!tpu.dma_semaphore, #tpu.memory_space<semaphore_mem>>
        %dma_start3A_34 = tpu.memref_slice %arg2[%add3A_21] : memref<409600xi32, #tpu.memory_space<hbm>> -> memref<88xi32, #tpu.memory_space<hbm>>
        %dma_start3A_35 = tpu.memref_slice %arg2[%add3A_21] : memref<409600xi32, #tpu.memory_space<hbm>> -> memref<88xi32, #tpu.memory_space<hbm>>
        tpu.enqueue_dma source(%dma_start3A_35 : memref<88xi32, #tpu.memory_space<hbm>>) target(%arg7 : memref<88xi32, #tpu.memory_space<vmem>>) target_semaphore(%run_scoped3A : memref<!tpu.dma_semaphore, #tpu.memory_space<semaphore_mem>>)
        %dma_wait3A_36 = tpu.memref_slice %arg2[%add3A_21] : memref<409600xi32, #tpu.memory_space<hbm>> -> memref<88xi32, #tpu.memory_space<hbm>>
        %dma_wait3A_37 = tpu.memref_slice %arg2[%add3A_21] : memref<409600xi32, #tpu.memory_space<hbm>> -> memref<88xi32, #tpu.memory_space<hbm>>
        tpu.wait_dma2 semaphore(%run_scoped3A : memref<!tpu.dma_semaphore, #tpu.memory_space<semaphore_mem>>) src(%dma_wait3A_37 : memref<88xi32, #tpu.memory_space<hbm>>) dst(%arg7 : memref<88xi32, #tpu.memory_space<vmem>>)
        tpu.yield
      }) : () -> ()
      %dma_start3A = arith.constant 0 : i32
      %dma_start3A_22 = arith.constant 0 : i32
      %dma_start3A_23 = tpu.memref_slice %arg3[%dma_start3A, %dma_start3A_22] : memref<100000x128xf32, #tpu.memory_space<hbm>> -> memref<100000x128xf32, #tpu.memory_space<hbm>>
      tpu.enqueue_indirect_dma source(%dma_start3A_23 : memref<100000x128xf32, #tpu.memory_space<hbm>>) target(%arg8 : memref<112x128xf32, #tpu.memory_space<vmem>>) offsets(%arg6 : memref<112xi32, #tpu.memory_space<vmem>>) semaphore(%arg10 : memref<!tpu.dma_semaphore, #tpu.memory_space<semaphore_mem>>)
      %dma_start3A_24 = arith.constant 0 : i32
      %dma_start3A_25 = arith.constant 0 : i32
      %dma_start3A_26 = tpu.memref_slice %arg3[%dma_start3A_24, %dma_start3A_25] : memref<100000x128xf32, #tpu.memory_space<hbm>> -> memref<100000x128xf32, #tpu.memory_space<hbm>>
      tpu.enqueue_indirect_dma source(%dma_start3A_26 : memref<100000x128xf32, #tpu.memory_space<hbm>>) target(%arg9 : memref<88x128xf32, #tpu.memory_space<vmem>>) offsets(%arg7 : memref<88xi32, #tpu.memory_space<vmem>>) semaphore(%arg11 : memref<!tpu.dma_semaphore, #tpu.memory_space<semaphore_mem>>)
      %dma_wait3A = arith.constant 0 : i32
      %dma_wait3A_27 = arith.constant 0 : i32
      %dma_wait3A_28 = tpu.memref_slice %arg3[%dma_wait3A, %dma_wait3A_27] : memref<100000x128xf32, #tpu.memory_space<hbm>> -> memref<100000x128xf32, #tpu.memory_space<hbm>>
      tpu.wait_indirect_dma semaphore(%arg10 : memref<!tpu.dma_semaphore, #tpu.memory_space<semaphore_mem>>) src(%dma_wait3A_28 : memref<100000x128xf32, #tpu.memory_space<hbm>>) dst(%arg8 : memref<112x128xf32, #tpu.memory_space<vmem>>)
      %dma_wait3A_29 = arith.constant 0 : i32
      %dma_wait3A_30 = arith.constant 0 : i32
      %dma_wait3A_31 = tpu.memref_slice %arg3[%dma_wait3A_29, %dma_wait3A_30] : memref<100000x128xf32, #tpu.memory_space<hbm>> -> memref<100000x128xf32, #tpu.memory_space<hbm>>
      tpu.wait_indirect_dma semaphore(%arg11 : memref<!tpu.dma_semaphore, #tpu.memory_space<semaphore_mem>>) src(%dma_wait3A_31 : memref<100000x128xf32, #tpu.memory_space<hbm>>) dst(%arg9 : memref<88x128xf32, #tpu.memory_space<vmem>>)
      %add3A_32 = arith.addi %mul3A_2, %scan3A_14 : i32
      "tpu.region"() ({
        %run_scoped3A = tpu.sem_alloc : memref<!tpu.dma_semaphore, #tpu.memory_space<semaphore_mem>>
        %dma_start3A_34 = arith.constant 0 : i32
        %dma_start3A_35 = arith.constant 0 : i32
        %dma_start3A_36 = tpu.memref_slice %arg4[%add3A_32, %dma_start3A_34, %dma_start3A_35] : memref<1024x200x128xf32, #tpu.memory_space<hbm>> -> memref<1x112x128xf32, #tpu.memory_space<hbm>>
        %dma_start3A_37 = tpu.memref_squeeze %dma_start3A_36 : memref<1x112x128xf32, #tpu.memory_space<hbm>> -> memref<112x128xf32, #tpu.memory_space<hbm>>
        %dma_start3A_38 = arith.constant 0 : i32
        %dma_start3A_39 = arith.constant 0 : i32
        %dma_start3A_40 = tpu.memref_slice %arg4[%add3A_32, %dma_start3A_38, %dma_start3A_39] : memref<1024x200x128xf32, #tpu.memory_space<hbm>> -> memref<1x112x128xf32, #tpu.memory_space<hbm>>
        %dma_start3A_41 = tpu.memref_squeeze %dma_start3A_40 : memref<1x112x128xf32, #tpu.memory_space<hbm>> -> memref<112x128xf32, #tpu.memory_space<hbm>>
        tpu.enqueue_dma source(%arg8 : memref<112x128xf32, #tpu.memory_space<vmem>>) target(%dma_start3A_41 : memref<112x128xf32, #tpu.memory_space<hbm>>) target_semaphore(%run_scoped3A : memref<!tpu.dma_semaphore, #tpu.memory_space<semaphore_mem>>)
        %dma_wait3A_42 = arith.constant 0 : i32
        %dma_wait3A_43 = arith.constant 0 : i32
        %dma_wait3A_44 = tpu.memref_slice %arg4[%add3A_32, %dma_wait3A_42, %dma_wait3A_43] : memref<1024x200x128xf32, #tpu.memory_space<hbm>> -> memref<1x112x128xf32, #tpu.memory_space<hbm>>
        %dma_wait3A_45 = tpu.memref_squeeze %dma_wait3A_44 : memref<1x112x128xf32, #tpu.memory_space<hbm>> -> memref<112x128xf32, #tpu.memory_space<hbm>>
        %dma_wait3A_46 = arith.constant 0 : i32
        %dma_wait3A_47 = arith.constant 0 : i32
        %dma_wait3A_48 = tpu.memref_slice %arg4[%add3A_32, %dma_wait3A_46, %dma_wait3A_47] : memref<1024x200x128xf32, #tpu.memory_space<hbm>> -> memref<1x112x128xf32, #tpu.memory_space<hbm>>
        %dma_wait3A_49 = tpu.memref_squeeze %dma_wait3A_48 : memref<1x112x128xf32, #tpu.memory_space<hbm>> -> memref<112x128xf32, #tpu.memory_space<hbm>>
        tpu.wait_dma2 semaphore(%run_scoped3A : memref<!tpu.dma_semaphore, #tpu.memory_space<semaphore_mem>>) src(%arg8 : memref<112x128xf32, #tpu.memory_space<vmem>>) dst(%dma_wait3A_49 : memref<112x128xf32, #tpu.memory_space<hbm>>)
        tpu.yield
      }) : () -> ()
      %add3A_33 = arith.addi %mul3A_2, %scan3A_14 : i32
      "tpu.region"() ({
        %run_scoped3A = tpu.sem_alloc : memref<!tpu.dma_semaphore, #tpu.memory_space<semaphore_mem>>
        %dma_start3A_34 = arith.constant 112 : i32
        %dma_start3A_35 = arith.constant 0 : i32
        %dma_start3A_36 = tpu.memref_slice %arg4[%add3A_33, %dma_start3A_34, %dma_start3A_35] : memref<1024x200x128xf32, #tpu.memory_space<hbm>> -> memref<1x88x128xf32, #tpu.memory_space<hbm>>
        %dma_start3A_37 = tpu.memref_squeeze %dma_start3A_36 : memref<1x88x128xf32, #tpu.memory_space<hbm>> -> memref<88x128xf32, #tpu.memory_space<hbm>>
        %dma_start3A_38 = arith.constant 112 : i32
        %dma_start3A_39 = arith.constant 0 : i32
        %dma_start3A_40 = tpu.memref_slice %arg4[%add3A_33, %dma_start3A_38, %dma_start3A_39] : memref<1024x200x128xf32, #tpu.memory_space<hbm>> -> memref<1x88x128xf32, #tpu.memory_space<hbm>>
        %dma_start3A_41 = tpu.memref_squeeze %dma_start3A_40 : memref<1x88x128xf32, #tpu.memory_space<hbm>> -> memref<88x128xf32, #tpu.memory_space<hbm>>
        tpu.enqueue_dma source(%arg9 : memref<88x128xf32, #tpu.memory_space<vmem>>) target(%dma_start3A_41 : memref<88x128xf32, #tpu.memory_space<hbm>>) target_semaphore(%run_scoped3A : memref<!tpu.dma_semaphore, #tpu.memory_space<semaphore_mem>>)
        %dma_wait3A_42 = arith.constant 112 : i32
        %dma_wait3A_43 = arith.constant 0 : i32
        %dma_wait3A_44 = tpu.memref_slice %arg4[%add3A_33, %dma_wait3A_42, %dma_wait3A_43] : memref<1024x200x128xf32, #tpu.memory_space<hbm>> -> memref<1x88x128xf32, #tpu.memory_space<hbm>>
        %dma_wait3A_45 = tpu.memref_squeeze %dma_wait3A_44 : memref<1x88x128xf32, #tpu.memory_space<hbm>> -> memref<88x128xf32, #tpu.memory_space<hbm>>
        %dma_wait3A_46 = arith.constant 112 : i32
        %dma_wait3A_47 = arith.constant 0 : i32
        %dma_wait3A_48 = tpu.memref_slice %arg4[%add3A_33, %dma_wait3A_46, %dma_wait3A_47] : memref<1024x200x128xf32, #tpu.memory_space<hbm>> -> memref<1x88x128xf32, #tpu.memory_space<hbm>>
        %dma_wait3A_49 = tpu.memref_squeeze %dma_wait3A_48 : memref<1x88x128xf32, #tpu.memory_space<hbm>> -> memref<88x128xf32, #tpu.memory_space<hbm>>
        tpu.wait_dma2 semaphore(%run_scoped3A : memref<!tpu.dma_semaphore, #tpu.memory_space<semaphore_mem>>) src(%arg9 : memref<88x128xf32, #tpu.memory_space<vmem>>) dst(%dma_wait3A_49 : memref<88x128xf32, #tpu.memory_space<hbm>>)
        tpu.yield
      }) : () -> ()
    }
    %scan3A_7 = arith.constant 32 : i32
    %scan3A_8 = arith.constant 0 : i32
    %scan3A_9 = arith.constant 0 : i32
    %scan3A_10 = arith.constant 32 : i32
    %scan3A_11 = arith.addi %scan3A_9, %scan3A_10 : i32
    %scan3A_12 = arith.constant 1 : i32
    scf.for %scan3A_14 = %scan3A_9 to %scan3A_11 step %scan3A_12  : i32 {
      %add3A_15 = arith.constant 1024 : i32
      %add3A_16 = arith.addi %add3A_15, %mul3A_2 : i32
      %add3A_17 = arith.addi %add3A_16, %scan3A_14 : i32
      %mul3A_18 = arith.constant 200 : i32
      %mul3A_19 = arith.muli %add3A_17, %mul3A_18 : i32
      "tpu.region"() ({
        %run_scoped3A = tpu.sem_alloc : memref<!tpu.dma_semaphore, #tpu.memory_space<semaphore_mem>>
        %dma_start3A_34 = tpu.memref_slice %arg2[%mul3A_19] : memref<409600xi32, #tpu.memory_space<hbm>> -> memref<112xi32, #tpu.memory_space<hbm>>
        %dma_start3A_35 = tpu.memref_slice %arg2[%mul3A_19] : memref<409600xi32, #tpu.memory_space<hbm>> -> memref<112xi32, #tpu.memory_space<hbm>>
        tpu.enqueue_dma source(%dma_start3A_35 : memref<112xi32, #tpu.memory_space<hbm>>) target(%arg6 : memref<112xi32, #tpu.memory_space<vmem>>) target_semaphore(%run_scoped3A : memref<!tpu.dma_semaphore, #tpu.memory_space<semaphore_mem>>)
        %dma_wait3A_36 = tpu.memref_slice %arg2[%mul3A_19] : memref<409600xi32, #tpu.memory_space<hbm>> -> memref<112xi32, #tpu.memory_space<hbm>>
        %dma_wait3A_37 = tpu.memref_slice %arg2[%mul3A_19] : memref<409600xi32, #tpu.memory_space<hbm>> -> memref<112xi32, #tpu.memory_space<hbm>>
        tpu.wait_dma2 semaphore(%run_scoped3A : memref<!tpu.dma_semaphore, #tpu.memory_space<semaphore_mem>>) src(%dma_wait3A_37 : memref<112xi32, #tpu.memory_space<hbm>>) dst(%arg6 : memref<112xi32, #tpu.memory_space<vmem>>)
        tpu.yield
      }) : () -> ()
      %add3A_20 = arith.constant 112 : i32
      %add3A_21 = arith.addi %mul3A_19, %add3A_20 : i32
      "tpu.region"() ({
        %run_scoped3A = tpu.sem_alloc : memref<!tpu.dma_semaphore, #tpu.memory_space<semaphore_mem>>
        %dma_start3A_34 = tpu.memref_slice %arg2[%add3A_21] : memref<409600xi32, #tpu.memory_space<hbm>> -> memref<88xi32, #tpu.memory_space<hbm>>
        %dma_start3A_35 = tpu.memref_slice %arg2[%add3A_21] : memref<409600xi32, #tpu.memory_space<hbm>> -> memref<88xi32, #tpu.memory_space<hbm>>
        tpu.enqueue_dma source(%dma_start3A_35 : memref<88xi32, #tpu.memory_space<hbm>>) target(%arg7 : memref<88xi32, #tpu.memory_space<vmem>>) target_semaphore(%run_scoped3A : memref<!tpu.dma_semaphore, #tpu.memory_space<semaphore_mem>>)
        %dma_wait3A_36 = tpu.memref_slice %arg2[%add3A_21] : memref<409600xi32, #tpu.memory_space<hbm>> -> memref<88xi32, #tpu.memory_space<hbm>>
        %dma_wait3A_37 = tpu.memref_slice %arg2[%add3A_21] : memref<409600xi32, #tpu.memory_space<hbm>> -> memref<88xi32, #tpu.memory_space<hbm>>
        tpu.wait_dma2 semaphore(%run_scoped3A : memref<!tpu.dma_semaphore, #tpu.memory_space<semaphore_mem>>) src(%dma_wait3A_37 : memref<88xi32, #tpu.memory_space<hbm>>) dst(%arg7 : memref<88xi32, #tpu.memory_space<vmem>>)
        tpu.yield
      }) : () -> ()
      %dma_start3A = arith.constant 0 : i32
      %dma_start3A_22 = arith.constant 0 : i32
      %dma_start3A_23 = tpu.memref_slice %arg3[%dma_start3A, %dma_start3A_22] : memref<100000x128xf32, #tpu.memory_space<hbm>> -> memref<100000x128xf32, #tpu.memory_space<hbm>>
      tpu.enqueue_indirect_dma source(%dma_start3A_23 : memref<100000x128xf32, #tpu.memory_space<hbm>>) target(%arg8 : memref<112x128xf32, #tpu.memory_space<vmem>>) offsets(%arg6 : memref<112xi32, #tpu.memory_space<vmem>>) semaphore(%arg10 : memref<!tpu.dma_semaphore, #tpu.memory_space<semaphore_mem>>)
      %dma_start3A_24 = arith.constant 0 : i32
      %dma_start3A_25 = arith.constant 0 : i32
      %dma_start3A_26 = tpu.memref_slice %arg3[%dma_start3A_24, %dma_start3A_25] : memref<100000x128xf32, #tpu.memory_space<hbm>> -> memref<100000x128xf32, #tpu.memory_space<hbm>>
      tpu.enqueue_indirect_dma source(%dma_start3A_26 : memref<100000x128xf32, #tpu.memory_space<hbm>>) target(%arg9 : memref<88x128xf32, #tpu.memory_space<vmem>>) offsets(%arg7 : memref<88xi32, #tpu.memory_space<vmem>>) semaphore(%arg11 : memref<!tpu.dma_semaphore, #tpu.memory_space<semaphore_mem>>)
      %dma_wait3A = arith.constant 0 : i32
      %dma_wait3A_27 = arith.constant 0 : i32
      %dma_wait3A_28 = tpu.memref_slice %arg3[%dma_wait3A, %dma_wait3A_27] : memref<100000x128xf32, #tpu.memory_space<hbm>> -> memref<100000x128xf32, #tpu.memory_space<hbm>>
      tpu.wait_indirect_dma semaphore(%arg10 : memref<!tpu.dma_semaphore, #tpu.memory_space<semaphore_mem>>) src(%dma_wait3A_28 : memref<100000x128xf32, #tpu.memory_space<hbm>>) dst(%arg8 : memref<112x128xf32, #tpu.memory_space<vmem>>)
      %dma_wait3A_29 = arith.constant 0 : i32
      %dma_wait3A_30 = arith.constant 0 : i32
      %dma_wait3A_31 = tpu.memref_slice %arg3[%dma_wait3A_29, %dma_wait3A_30] : memref<100000x128xf32, #tpu.memory_space<hbm>> -> memref<100000x128xf32, #tpu.memory_space<hbm>>
      tpu.wait_indirect_dma semaphore(%arg11 : memref<!tpu.dma_semaphore, #tpu.memory_space<semaphore_mem>>) src(%dma_wait3A_31 : memref<100000x128xf32, #tpu.memory_space<hbm>>) dst(%arg9 : memref<88x128xf32, #tpu.memory_space<vmem>>)
      %add3A_32 = arith.addi %mul3A_2, %scan3A_14 : i32
      "tpu.region"() ({
        %run_scoped3A = tpu.sem_alloc : memref<!tpu.dma_semaphore, #tpu.memory_space<semaphore_mem>>
        %dma_start3A_34 = arith.constant 0 : i32
        %dma_start3A_35 = arith.constant 0 : i32
        %dma_start3A_36 = tpu.memref_slice %arg5[%add3A_32, %dma_start3A_34, %dma_start3A_35] : memref<1024x200x128xf32, #tpu.memory_space<hbm>> -> memref<1x112x128xf32, #tpu.memory_space<hbm>>
        %dma_start3A_37 = tpu.memref_squeeze %dma_start3A_36 : memref<1x112x128xf32, #tpu.memory_space<hbm>> -> memref<112x128xf32, #tpu.memory_space<hbm>>
        %dma_start3A_38 = arith.constant 0 : i32
        %dma_start3A_39 = arith.constant 0 : i32
        %dma_start3A_40 = tpu.memref_slice %arg5[%add3A_32, %dma_start3A_38, %dma_start3A_39] : memref<1024x200x128xf32, #tpu.memory_space<hbm>> -> memref<1x112x128xf32, #tpu.memory_space<hbm>>
        %dma_start3A_41 = tpu.memref_squeeze %dma_start3A_40 : memref<1x112x128xf32, #tpu.memory_space<hbm>> -> memref<112x128xf32, #tpu.memory_space<hbm>>
        tpu.enqueue_dma source(%arg8 : memref<112x128xf32, #tpu.memory_space<vmem>>) target(%dma_start3A_41 : memref<112x128xf32, #tpu.memory_space<hbm>>) target_semaphore(%run_scoped3A : memref<!tpu.dma_semaphore, #tpu.memory_space<semaphore_mem>>)
        %dma_wait3A_42 = arith.constant 0 : i32
        %dma_wait3A_43 = arith.constant 0 : i32
        %dma_wait3A_44 = tpu.memref_slice %arg5[%add3A_32, %dma_wait3A_42, %dma_wait3A_43] : memref<1024x200x128xf32, #tpu.memory_space<hbm>> -> memref<1x112x128xf32, #tpu.memory_space<hbm>>
        %dma_wait3A_45 = tpu.memref_squeeze %dma_wait3A_44 : memref<1x112x128xf32, #tpu.memory_space<hbm>> -> memref<112x128xf32, #tpu.memory_space<hbm>>
        %dma_wait3A_46 = arith.constant 0 : i32
        %dma_wait3A_47 = arith.constant 0 : i32
        %dma_wait3A_48 = tpu.memref_slice %arg5[%add3A_32, %dma_wait3A_46, %dma_wait3A_47] : memref<1024x200x128xf32, #tpu.memory_space<hbm>> -> memref<1x112x128xf32, #tpu.memory_space<hbm>>
        %dma_wait3A_49 = tpu.memref_squeeze %dma_wait3A_48 : memref<1x112x128xf32, #tpu.memory_space<hbm>> -> memref<112x128xf32, #tpu.memory_space<hbm>>
        tpu.wait_dma2 semaphore(%run_scoped3A : memref<!tpu.dma_semaphore, #tpu.memory_space<semaphore_mem>>) src(%arg8 : memref<112x128xf32, #tpu.memory_space<vmem>>) dst(%dma_wait3A_49 : memref<112x128xf32, #tpu.memory_space<hbm>>)
        tpu.yield
      }) : () -> ()
      %add3A_33 = arith.addi %mul3A_2, %scan3A_14 : i32
      "tpu.region"() ({
        %run_scoped3A = tpu.sem_alloc : memref<!tpu.dma_semaphore, #tpu.memory_space<semaphore_mem>>
        %dma_start3A_34 = arith.constant 112 : i32
        %dma_start3A_35 = arith.constant 0 : i32
        %dma_start3A_36 = tpu.memref_slice %arg5[%add3A_33, %dma_start3A_34, %dma_start3A_35] : memref<1024x200x128xf32, #tpu.memory_space<hbm>> -> memref<1x88x128xf32, #tpu.memory_space<hbm>>
        %dma_start3A_37 = tpu.memref_squeeze %dma_start3A_36 : memref<1x88x128xf32, #tpu.memory_space<hbm>> -> memref<88x128xf32, #tpu.memory_space<hbm>>
        %dma_start3A_38 = arith.constant 112 : i32
        %dma_start3A_39 = arith.constant 0 : i32
        %dma_start3A_40 = tpu.memref_slice %arg5[%add3A_33, %dma_start3A_38, %dma_start3A_39] : memref<1024x200x128xf32, #tpu.memory_space<hbm>> -> memref<1x88x128xf32, #tpu.memory_space<hbm>>
        %dma_start3A_41 = tpu.memref_squeeze %dma_start3A_40 : memref<1x88x128xf32, #tpu.memory_space<hbm>> -> memref<88x128xf32, #tpu.memory_space<hbm>>
        tpu.enqueue_dma source(%arg9 : memref<88x128xf32, #tpu.memory_space<vmem>>) target(%dma_start3A_41 : memref<88x128xf32, #tpu.memory_space<hbm>>) target_semaphore(%run_scoped3A : memref<!tpu.dma_semaphore, #tpu.memory_space<semaphore_mem>>)
        %dma_wait3A_42 = arith.constant 112 : i32
        %dma_wait3A_43 = arith.constant 0 : i32
        %dma_wait3A_44 = tpu.memref_slice %arg5[%add3A_33, %dma_wait3A_42, %dma_wait3A_43] : memref<1024x200x128xf32, #tpu.memory_space<hbm>> -> memref<1x88x128xf32, #tpu.memory_space<hbm>>
        %dma_wait3A_45 = tpu.memref_squeeze %dma_wait3A_44 : memref<1x88x128xf32, #tpu.memory_space<hbm>> -> memref<88x128xf32, #tpu.memory_space<hbm>>
        %dma_wait3A_46 = arith.constant 112 : i32
        %dma_wait3A_47 = arith.constant 0 : i32
        %dma_wait3A_48 = tpu.memref_slice %arg5[%add3A_33, %dma_wait3A_46, %dma_wait3A_47] : memref<1024x200x128xf32, #tpu.memory_space<hbm>> -> memref<1x88x128xf32, #tpu.memory_space<hbm>>
        %dma_wait3A_49 = tpu.memref_squeeze %dma_wait3A_48 : memref<1x88x128xf32, #tpu.memory_space<hbm>> -> memref<88x128xf32, #tpu.memory_space<hbm>>
        tpu.wait_dma2 semaphore(%run_scoped3A : memref<!tpu.dma_semaphore, #tpu.memory_space<semaphore_mem>>) src(%arg9 : memref<88x128xf32, #tpu.memory_space<vmem>>) dst(%dma_wait3A_49 : memref<88x128xf32, #tpu.memory_space<hbm>>)
        tpu.yield
      }) : () -> ()
    }
    %scan3A_13 = arith.constant 32 : i32
    return
  }
}

#map = affine_map<(d0, d1) -> (0)>
module attributes {stable_mosaic.version = 14 : i64} {
  func.func @_sc_ids_body(%arg0: i32, %arg1: i32, %arg2: memref<1024xi32, #tpu.memory_space<hbm>>, %arg3: memref<1024xi32, #tpu.memory_space<hbm>>, %arg4: memref<20000000xf32, #tpu.memory_space<hbm>>, %arg5: memref<20000000xf32, #tpu.memory_space<hbm>>, %arg6: memref<409600xi32, #tpu.memory_space<hbm>>, %arg7: memref<32xi32, #tpu.memory_space<vmem>>, %arg8: memref<200xi32, #tpu.memory_space<vmem>>, %arg9: memref<112xf32, #tpu.memory_space<vmem>>, %arg10: memref<88xf32, #tpu.memory_space<vmem>>, %arg11: memref<112xi32, #tpu.memory_space<vmem>>, %arg12: memref<88xi32, #tpu.memory_space<vmem>>, %arg13: memref<!tpu.dma_semaphore, #tpu.memory_space<semaphore_mem>>, %arg14: memref<!tpu.dma_semaphore, #tpu.memory_space<semaphore_mem>>) attributes {dimension_semantics = [#tpu.dimension_semantics<core_parallel>, #tpu.dimension_semantics<subcore_parallel>], iteration_bounds = array<i64: 2, 16>, scalar_prefetch = 0 : i64, scratch_operands = 8 : i64, tpu.core_type = #tpu.core_type<sc_vector_subcore>, window_params = [{transform_indices = #map}, {transform_indices = #map}, {transform_indices = #map}, {transform_indices = #map}, {transform_indices = #map}]} {
    %mul3A = arith.constant 2 : i32
    %mul3A_0 = arith.muli %arg1, %mul3A : i32
    %add3A = arith.addi %mul3A_0, %arg0 : i32
    %mul3A_1 = arith.constant 32 : i32
    %mul3A_2 = arith.muli %add3A, %mul3A_1 : i32
    %iota3A = tpu.iota {dimensions = array<i32: 0>} : vector<16xi32>
    %add3A_3 = arith.constant 0 : i32
    %add3A_4 = vector.broadcast %add3A_3 : i32 to vector<16xi32>
    %add3A_5 = arith.addi %iota3A, %add3A_4 : vector<16xi32>
    %mul3A_6 = arith.constant 100000 : i32
    %mul3A_7 = vector.broadcast %mul3A_6 : i32 to vector<16xi32>
    %mul3A_8 = arith.muli %add3A_5, %mul3A_7 : vector<16xi32>
    %swap3A = arith.constant 0 : index
    %swap3A_9 = tpu.vector_load %arg8[%swap3A] {strides = array<i32>} : memref<200xi32, #tpu.memory_space<vmem>>, vector<16xi32>,
    tpu.vector_store %arg8[%swap3A], %mul3A_8 {strides = array<i32>} : memref<200xi32, #tpu.memory_space<vmem>>, vector<16xi32>,
    %iota3A_10 = tpu.iota {dimensions = array<i32: 0>} : vector<16xi32>
    %add3A_11 = arith.constant 16 : i32
    %add3A_12 = vector.broadcast %add3A_11 : i32 to vector<16xi32>
    %add3A_13 = arith.addi %iota3A_10, %add3A_12 : vector<16xi32>
    %mul3A_14 = arith.constant 100000 : i32
    %mul3A_15 = vector.broadcast %mul3A_14 : i32 to vector<16xi32>
    %mul3A_16 = arith.muli %add3A_13, %mul3A_15 : vector<16xi32>
    %swap3A_17 = arith.constant 16 : index
    %swap3A_18 = tpu.vector_load %arg8[%swap3A_17] {strides = array<i32>} : memref<200xi32, #tpu.memory_space<vmem>>, vector<16xi32>,
    tpu.vector_store %arg8[%swap3A_17], %mul3A_16 {strides = array<i32>} : memref<200xi32, #tpu.memory_space<vmem>>, vector<16xi32>,
    %iota3A_19 = tpu.iota {dimensions = array<i32: 0>} : vector<16xi32>
    %add3A_20 = arith.constant 32 : i32
    %add3A_21 = vector.broadcast %add3A_20 : i32 to vector<16xi32>
    %add3A_22 = arith.addi %iota3A_19, %add3A_21 : vector<16xi32>
    %mul3A_23 = arith.constant 100000 : i32
    %mul3A_24 = vector.broadcast %mul3A_23 : i32 to vector<16xi32>
    %mul3A_25 = arith.muli %add3A_22, %mul3A_24 : vector<16xi32>
    %swap3A_26 = arith.constant 32 : index
    %swap3A_27 = tpu.vector_load %arg8[%swap3A_26] {strides = array<i32>} : memref<200xi32, #tpu.memory_space<vmem>>, vector<16xi32>,
    tpu.vector_store %arg8[%swap3A_26], %mul3A_25 {strides = array<i32>} : memref<200xi32, #tpu.memory_space<vmem>>, vector<16xi32>,
    %iota3A_28 = tpu.iota {dimensions = array<i32: 0>} : vector<16xi32>
    %add3A_29 = arith.constant 48 : i32
    %add3A_30 = vector.broadcast %add3A_29 : i32 to vector<16xi32>
    %add3A_31 = arith.addi %iota3A_28, %add3A_30 : vector<16xi32>
    %mul3A_32 = arith.constant 100000 : i32
    %mul3A_33 = vector.broadcast %mul3A_32 : i32 to vector<16xi32>
    %mul3A_34 = arith.muli %add3A_31, %mul3A_33 : vector<16xi32>
    %swap3A_35 = arith.constant 48 : index
    %swap3A_36 = tpu.vector_load %arg8[%swap3A_35] {strides = array<i32>} : memref<200xi32, #tpu.memory_space<vmem>>, vector<16xi32>,
    tpu.vector_store %arg8[%swap3A_35], %mul3A_34 {strides = array<i32>} : memref<200xi32, #tpu.memory_space<vmem>>, vector<16xi32>,
    %iota3A_37 = tpu.iota {dimensions = array<i32: 0>} : vector<16xi32>
    %add3A_38 = arith.constant 64 : i32
    %add3A_39 = vector.broadcast %add3A_38 : i32 to vector<16xi32>
    %add3A_40 = arith.addi %iota3A_37, %add3A_39 : vector<16xi32>
    %mul3A_41 = arith.constant 100000 : i32
    %mul3A_42 = vector.broadcast %mul3A_41 : i32 to vector<16xi32>
    %mul3A_43 = arith.muli %add3A_40, %mul3A_42 : vector<16xi32>
    %swap3A_44 = arith.constant 64 : index
    %swap3A_45 = tpu.vector_load %arg8[%swap3A_44] {strides = array<i32>} : memref<200xi32, #tpu.memory_space<vmem>>, vector<16xi32>,
    tpu.vector_store %arg8[%swap3A_44], %mul3A_43 {strides = array<i32>} : memref<200xi32, #tpu.memory_space<vmem>>, vector<16xi32>,
    %iota3A_46 = tpu.iota {dimensions = array<i32: 0>} : vector<16xi32>
    %add3A_47 = arith.constant 80 : i32
    %add3A_48 = vector.broadcast %add3A_47 : i32 to vector<16xi32>
    %add3A_49 = arith.addi %iota3A_46, %add3A_48 : vector<16xi32>
    %mul3A_50 = arith.constant 100000 : i32
    %mul3A_51 = vector.broadcast %mul3A_50 : i32 to vector<16xi32>
    %mul3A_52 = arith.muli %add3A_49, %mul3A_51 : vector<16xi32>
    %swap3A_53 = arith.constant 80 : index
    %swap3A_54 = tpu.vector_load %arg8[%swap3A_53] {strides = array<i32>} : memref<200xi32, #tpu.memory_space<vmem>>, vector<16xi32>,
    tpu.vector_store %arg8[%swap3A_53], %mul3A_52 {strides = array<i32>} : memref<200xi32, #tpu.memory_space<vmem>>, vector<16xi32>,
    %iota3A_55 = tpu.iota {dimensions = array<i32: 0>} : vector<16xi32>
    %add3A_56 = arith.constant 96 : i32
    %add3A_57 = vector.broadcast %add3A_56 : i32 to vector<16xi32>
    %add3A_58 = arith.addi %iota3A_55, %add3A_57 : vector<16xi32>
    %mul3A_59 = arith.constant 100000 : i32
    %mul3A_60 = vector.broadcast %mul3A_59 : i32 to vector<16xi32>
    %mul3A_61 = arith.muli %add3A_58, %mul3A_60 : vector<16xi32>
    %swap3A_62 = arith.constant 96 : index
    %swap3A_63 = tpu.vector_load %arg8[%swap3A_62] {strides = array<i32>} : memref<200xi32, #tpu.memory_space<vmem>>, vector<16xi32>,
    tpu.vector_store %arg8[%swap3A_62], %mul3A_61 {strides = array<i32>} : memref<200xi32, #tpu.memory_space<vmem>>, vector<16xi32>,
    %iota3A_64 = tpu.iota {dimensions = array<i32: 0>} : vector<16xi32>
    %add3A_65 = arith.constant 112 : i32
    %add3A_66 = vector.broadcast %add3A_65 : i32 to vector<16xi32>
    %add3A_67 = arith.addi %iota3A_64, %add3A_66 : vector<16xi32>
    %mul3A_68 = arith.constant 100000 : i32
    %mul3A_69 = vector.broadcast %mul3A_68 : i32 to vector<16xi32>
    %mul3A_70 = arith.muli %add3A_67, %mul3A_69 : vector<16xi32>
    %swap3A_71 = arith.constant 112 : index
    %swap3A_72 = tpu.vector_load %arg8[%swap3A_71] {strides = array<i32>} : memref<200xi32, #tpu.memory_space<vmem>>, vector<16xi32>,
    tpu.vector_store %arg8[%swap3A_71], %mul3A_70 {strides = array<i32>} : memref<200xi32, #tpu.memory_space<vmem>>, vector<16xi32>,
    %iota3A_73 = tpu.iota {dimensions = array<i32: 0>} : vector<16xi32>
    %add3A_74 = arith.constant 128 : i32
    %add3A_75 = vector.broadcast %add3A_74 : i32 to vector<16xi32>
    %add3A_76 = arith.addi %iota3A_73, %add3A_75 : vector<16xi32>
    %mul3A_77 = arith.constant 100000 : i32
    %mul3A_78 = vector.broadcast %mul3A_77 : i32 to vector<16xi32>
    %mul3A_79 = arith.muli %add3A_76, %mul3A_78 : vector<16xi32>
    %swap3A_80 = arith.constant 128 : index
    %swap3A_81 = tpu.vector_load %arg8[%swap3A_80] {strides = array<i32>} : memref<200xi32, #tpu.memory_space<vmem>>, vector<16xi32>,
    tpu.vector_store %arg8[%swap3A_80], %mul3A_79 {strides = array<i32>} : memref<200xi32, #tpu.memory_space<vmem>>, vector<16xi32>,
    %iota3A_82 = tpu.iota {dimensions = array<i32: 0>} : vector<16xi32>
    %add3A_83 = arith.constant 144 : i32
    %add3A_84 = vector.broadcast %add3A_83 : i32 to vector<16xi32>
    %add3A_85 = arith.addi %iota3A_82, %add3A_84 : vector<16xi32>
    %mul3A_86 = arith.constant 100000 : i32
    %mul3A_87 = vector.broadcast %mul3A_86 : i32 to vector<16xi32>
    %mul3A_88 = arith.muli %add3A_85, %mul3A_87 : vector<16xi32>
    %swap3A_89 = arith.constant 144 : index
    %swap3A_90 = tpu.vector_load %arg8[%swap3A_89] {strides = array<i32>} : memref<200xi32, #tpu.memory_space<vmem>>, vector<16xi32>,
    tpu.vector_store %arg8[%swap3A_89], %mul3A_88 {strides = array<i32>} : memref<200xi32, #tpu.memory_space<vmem>>, vector<16xi32>,
    %iota3A_91 = tpu.iota {dimensions = array<i32: 0>} : vector<16xi32>
    %add3A_92 = arith.constant 160 : i32
    %add3A_93 = vector.broadcast %add3A_92 : i32 to vector<16xi32>
    %add3A_94 = arith.addi %iota3A_91, %add3A_93 : vector<16xi32>
    %mul3A_95 = arith.constant 100000 : i32
    %mul3A_96 = vector.broadcast %mul3A_95 : i32 to vector<16xi32>
    %mul3A_97 = arith.muli %add3A_94, %mul3A_96 : vector<16xi32>
    %swap3A_98 = arith.constant 160 : index
    %swap3A_99 = tpu.vector_load %arg8[%swap3A_98] {strides = array<i32>} : memref<200xi32, #tpu.memory_space<vmem>>, vector<16xi32>,
    tpu.vector_store %arg8[%swap3A_98], %mul3A_97 {strides = array<i32>} : memref<200xi32, #tpu.memory_space<vmem>>, vector<16xi32>,
    %iota3A_100 = tpu.iota {dimensions = array<i32: 0>} : vector<16xi32>
    %add3A_101 = arith.constant 176 : i32
    %add3A_102 = vector.broadcast %add3A_101 : i32 to vector<16xi32>
    %add3A_103 = arith.addi %iota3A_100, %add3A_102 : vector<16xi32>
    %mul3A_104 = arith.constant 100000 : i32
    %mul3A_105 = vector.broadcast %mul3A_104 : i32 to vector<16xi32>
    %mul3A_106 = arith.muli %add3A_103, %mul3A_105 : vector<16xi32>
    %swap3A_107 = arith.constant 176 : index
    %swap3A_108 = tpu.vector_load %arg8[%swap3A_107] {strides = array<i32>} : memref<200xi32, #tpu.memory_space<vmem>>, vector<16xi32>,
    tpu.vector_store %arg8[%swap3A_107], %mul3A_106 {strides = array<i32>} : memref<200xi32, #tpu.memory_space<vmem>>, vector<16xi32>,
    %iota3A_109 = tpu.iota {dimensions = array<i32: 0>} : vector<16xi32>
    %add3A_110 = arith.constant 184 : i32
    %add3A_111 = vector.broadcast %add3A_110 : i32 to vector<16xi32>
    %add3A_112 = arith.addi %iota3A_109, %add3A_111 : vector<16xi32>
    %mul3A_113 = arith.constant 100000 : i32
    %mul3A_114 = vector.broadcast %mul3A_113 : i32 to vector<16xi32>
    %mul3A_115 = arith.muli %add3A_112, %mul3A_114 : vector<16xi32>
    %swap3A_116 = arith.constant 184 : index
    %swap3A_117 = tpu.vector_load %arg8[%swap3A_116] {strides = array<i32>} : memref<200xi32, #tpu.memory_space<vmem>>, vector<16xi32>,
    tpu.vector_store %arg8[%swap3A_116], %mul3A_115 {strides = array<i32>} : memref<200xi32, #tpu.memory_space<vmem>>, vector<16xi32>,
    %iota3A_118 = tpu.iota {dimensions = array<i32: 0>} : vector<16xi32>
    %mul3A_119 = arith.constant 0 : i32
    %mul3A_120 = vector.broadcast %mul3A_119 : i32 to vector<16xi32>
    %mul3A_121 = arith.muli %iota3A_118, %mul3A_120 : vector<16xi32>
    "tpu.region"() ({
      %run_scoped3A = tpu.sem_alloc : memref<!tpu.dma_semaphore, #tpu.memory_space<semaphore_mem>>
      %dma_start3A = tpu.memref_slice %arg2[%mul3A_2] : memref<1024xi32, #tpu.memory_space<hbm>> -> memref<32xi32, #tpu.memory_space<hbm>>
      %dma_start3A_133 = tpu.memref_slice %arg2[%mul3A_2] : memref<1024xi32, #tpu.memory_space<hbm>> -> memref<32xi32, #tpu.memory_space<hbm>>
      tpu.enqueue_dma source(%dma_start3A_133 : memref<32xi32, #tpu.memory_space<hbm>>) target(%arg7 : memref<32xi32, #tpu.memory_space<vmem>>) target_semaphore(%run_scoped3A : memref<!tpu.dma_semaphore, #tpu.memory_space<semaphore_mem>>)
      %dma_wait3A = tpu.memref_slice %arg2[%mul3A_2] : memref<1024xi32, #tpu.memory_space<hbm>> -> memref<32xi32, #tpu.memory_space<hbm>>
      %dma_wait3A_134 = tpu.memref_slice %arg2[%mul3A_2] : memref<1024xi32, #tpu.memory_space<hbm>> -> memref<32xi32, #tpu.memory_space<hbm>>
      tpu.wait_dma2 semaphore(%run_scoped3A : memref<!tpu.dma_semaphore, #tpu.memory_space<semaphore_mem>>) src(%dma_wait3A_134 : memref<32xi32, #tpu.memory_space<hbm>>) dst(%arg7 : memref<32xi32, #tpu.memory_space<vmem>>)
      tpu.yield
    }) : () -> ()
    %scan3A = arith.constant 0 : i32
    %scan3A_122 = arith.constant 0 : i32
    %scan3A_123 = arith.constant 32 : i32
    %scan3A_124 = arith.addi %scan3A_122, %scan3A_123 : i32
    %scan3A_125 = arith.constant 1 : i32
    scf.for %scan3A_133 = %scan3A_122 to %scan3A_124 step %scan3A_125  : i32 {
      %add3A_134 = vector.broadcast %scan3A_133 : i32 to vector<16xi32>
      %add3A_135 = arith.addi %mul3A_121, %add3A_134 : vector<16xi32>
      %gather3A = tpu.vector_load_idx %arg7[%add3A_135] : memref<32xi32, #tpu.memory_space<vmem>>[vector<16xi32>], vector<16xi32>,
      %get3A = arith.constant 0 : index
      %get3A_136 = tpu.vector_load %arg8[%get3A] {strides = array<i32>} : memref<200xi32, #tpu.memory_space<vmem>>, vector<16xi32>,
      %add3A_137 = arith.addi %get3A_136, %gather3A : vector<16xi32>
      %swap3A_138 = arith.constant 0 : index
      %swap3A_139 = tpu.vector_load %arg11[%swap3A_138] {strides = array<i32>} : memref<112xi32, #tpu.memory_space<vmem>>, vector<16xi32>,
      tpu.vector_store %arg11[%swap3A_138], %add3A_137 {strides = array<i32>} : memref<112xi32, #tpu.memory_space<vmem>>, vector<16xi32>,
      %get3A_140 = arith.constant 16 : index
      %get3A_141 = tpu.vector_load %arg8[%get3A_140] {strides = array<i32>} : memref<200xi32, #tpu.memory_space<vmem>>, vector<16xi32>,
      %add3A_142 = arith.addi %get3A_141, %gather3A : vector<16xi32>
      %swap3A_143 = arith.constant 16 : index
      %swap3A_144 = tpu.vector_load %arg11[%swap3A_143] {strides = array<i32>} : memref<112xi32, #tpu.memory_space<vmem>>, vector<16xi32>,
      tpu.vector_store %arg11[%swap3A_143], %add3A_142 {strides = array<i32>} : memref<112xi32, #tpu.memory_space<vmem>>, vector<16xi32>,
      %get3A_145 = arith.constant 32 : index
      %get3A_146 = tpu.vector_load %arg8[%get3A_145] {strides = array<i32>} : memref<200xi32, #tpu.memory_space<vmem>>, vector<16xi32>,
      %add3A_147 = arith.addi %get3A_146, %gather3A : vector<16xi32>
      %swap3A_148 = arith.constant 32 : index
      %swap3A_149 = tpu.vector_load %arg11[%swap3A_148] {strides = array<i32>} : memref<112xi32, #tpu.memory_space<vmem>>, vector<16xi32>,
      tpu.vector_store %arg11[%swap3A_148], %add3A_147 {strides = array<i32>} : memref<112xi32, #tpu.memory_space<vmem>>, vector<16xi32>,
      %get3A_150 = arith.constant 48 : index
      %get3A_151 = tpu.vector_load %arg8[%get3A_150] {strides = array<i32>} : memref<200xi32, #tpu.memory_space<vmem>>, vector<16xi32>,
      %add3A_152 = arith.addi %get3A_151, %gather3A : vector<16xi32>
      %swap3A_153 = arith.constant 48 : index
      %swap3A_154 = tpu.vector_load %arg11[%swap3A_153] {strides = array<i32>} : memref<112xi32, #tpu.memory_space<vmem>>, vector<16xi32>,
      tpu.vector_store %arg11[%swap3A_153], %add3A_152 {strides = array<i32>} : memref<112xi32, #tpu.memory_space<vmem>>, vector<16xi32>,
      %get3A_155 = arith.constant 64 : index
      %get3A_156 = tpu.vector_load %arg8[%get3A_155] {strides = array<i32>} : memref<200xi32, #tpu.memory_space<vmem>>, vector<16xi32>,
      %add3A_157 = arith.addi %get3A_156, %gather3A : vector<16xi32>
      %swap3A_158 = arith.constant 64 : index
      %swap3A_159 = tpu.vector_load %arg11[%swap3A_158] {strides = array<i32>} : memref<112xi32, #tpu.memory_space<vmem>>, vector<16xi32>,
      tpu.vector_store %arg11[%swap3A_158], %add3A_157 {strides = array<i32>} : memref<112xi32, #tpu.memory_space<vmem>>, vector<16xi32>,
      %get3A_160 = arith.constant 80 : index
      %get3A_161 = tpu.vector_load %arg8[%get3A_160] {strides = array<i32>} : memref<200xi32, #tpu.memory_space<vmem>>, vector<16xi32>,
      %add3A_162 = arith.addi %get3A_161, %gather3A : vector<16xi32>
      %swap3A_163 = arith.constant 80 : index
      %swap3A_164 = tpu.vector_load %arg11[%swap3A_163] {strides = array<i32>} : memref<112xi32, #tpu.memory_space<vmem>>, vector<16xi32>,
      tpu.vector_store %arg11[%swap3A_163], %add3A_162 {strides = array<i32>} : memref<112xi32, #tpu.memory_space<vmem>>, vector<16xi32>,
      %get3A_165 = arith.constant 96 : index
      %get3A_166 = tpu.vector_load %arg8[%get3A_165] {strides = array<i32>} : memref<200xi32, #tpu.memory_space<vmem>>, vector<16xi32>,
      %add3A_167 = arith.addi %get3A_166, %gather3A : vector<16xi32>
      %swap3A_168 = arith.constant 96 : index
      %swap3A_169 = tpu.vector_load %arg11[%swap3A_168] {strides = array<i32>} : memref<112xi32, #tpu.memory_space<vmem>>, vector<16xi32>,
      tpu.vector_store %arg11[%swap3A_168], %add3A_167 {strides = array<i32>} : memref<112xi32, #tpu.memory_space<vmem>>, vector<16xi32>,
      %get3A_170 = arith.constant 112 : index
      %get3A_171 = tpu.vector_load %arg8[%get3A_170] {strides = array<i32>} : memref<200xi32, #tpu.memory_space<vmem>>, vector<16xi32>,
      %add3A_172 = arith.addi %get3A_171, %gather3A : vector<16xi32>
      %swap3A_173 = arith.constant 0 : index
      %swap3A_174 = tpu.vector_load %arg12[%swap3A_173] {strides = array<i32>} : memref<88xi32, #tpu.memory_space<vmem>>, vector<16xi32>,
      tpu.vector_store %arg12[%swap3A_173], %add3A_172 {strides = array<i32>} : memref<88xi32, #tpu.memory_space<vmem>>, vector<16xi32>,
      %get3A_175 = arith.constant 128 : index
      %get3A_176 = tpu.vector_load %arg8[%get3A_175] {strides = array<i32>} : memref<200xi32, #tpu.memory_space<vmem>>, vector<16xi32>,
      %add3A_177 = arith.addi %get3A_176, %gather3A : vector<16xi32>
      %swap3A_178 = arith.constant 16 : index
      %swap3A_179 = tpu.vector_load %arg12[%swap3A_178] {strides = array<i32>} : memref<88xi32, #tpu.memory_space<vmem>>, vector<16xi32>,
      tpu.vector_store %arg12[%swap3A_178], %add3A_177 {strides = array<i32>} : memref<88xi32, #tpu.memory_space<vmem>>, vector<16xi32>,
      %get3A_180 = arith.constant 144 : index
      %get3A_181 = tpu.vector_load %arg8[%get3A_180] {strides = array<i32>} : memref<200xi32, #tpu.memory_space<vmem>>, vector<16xi32>,
      %add3A_182 = arith.addi %get3A_181, %gather3A : vector<16xi32>
      %swap3A_183 = arith.constant 32 : index
      %swap3A_184 = tpu.vector_load %arg12[%swap3A_183] {strides = array<i32>} : memref<88xi32, #tpu.memory_space<vmem>>, vector<16xi32>,
      tpu.vector_store %arg12[%swap3A_183], %add3A_182 {strides = array<i32>} : memref<88xi32, #tpu.memory_space<vmem>>, vector<16xi32>,
      %get3A_185 = arith.constant 160 : index
      %get3A_186 = tpu.vector_load %arg8[%get3A_185] {strides = array<i32>} : memref<200xi32, #tpu.memory_space<vmem>>, vector<16xi32>,
      %add3A_187 = arith.addi %get3A_186, %gather3A : vector<16xi32>
      %swap3A_188 = arith.constant 48 : index
      %swap3A_189 = tpu.vector_load %arg12[%swap3A_188] {strides = array<i32>} : memref<88xi32, #tpu.memory_space<vmem>>, vector<16xi32>,
      tpu.vector_store %arg12[%swap3A_188], %add3A_187 {strides = array<i32>} : memref<88xi32, #tpu.memory_space<vmem>>, vector<16xi32>,
      %get3A_190 = arith.constant 176 : index
      %get3A_191 = tpu.vector_load %arg8[%get3A_190] {strides = array<i32>} : memref<200xi32, #tpu.memory_space<vmem>>, vector<16xi32>,
      %add3A_192 = arith.addi %get3A_191, %gather3A : vector<16xi32>
      %swap3A_193 = arith.constant 64 : index
      %swap3A_194 = tpu.vector_load %arg12[%swap3A_193] {strides = array<i32>} : memref<88xi32, #tpu.memory_space<vmem>>, vector<16xi32>,
      tpu.vector_store %arg12[%swap3A_193], %add3A_192 {strides = array<i32>} : memref<88xi32, #tpu.memory_space<vmem>>, vector<16xi32>,
      %get3A_195 = arith.constant 184 : index
      %get3A_196 = tpu.vector_load %arg8[%get3A_195] {strides = array<i32>} : memref<200xi32, #tpu.memory_space<vmem>>, vector<16xi32>,
      %add3A_197 = arith.addi %get3A_196, %gather3A : vector<16xi32>
      %swap3A_198 = arith.constant 72 : index
      %swap3A_199 = tpu.vector_load %arg12[%swap3A_198] {strides = array<i32>} : memref<88xi32, #tpu.memory_space<vmem>>, vector<16xi32>,
      tpu.vector_store %arg12[%swap3A_198], %add3A_197 {strides = array<i32>} : memref<88xi32, #tpu.memory_space<vmem>>, vector<16xi32>,
      %dma_start3A = arith.constant 0 : i32
      %dma_start3A_200 = tpu.memref_slice %arg4[%dma_start3A] : memref<20000000xf32, #tpu.memory_space<hbm>> -> memref<20000000xf32, #tpu.memory_space<hbm>>
      tpu.enqueue_indirect_dma source(%dma_start3A_200 : memref<20000000xf32, #tpu.memory_space<hbm>>) target(%arg9 : memref<112xf32, #tpu.memory_space<vmem>>) offsets(%arg11 : memref<112xi32, #tpu.memory_space<vmem>>) semaphore(%arg13 : memref<!tpu.dma_semaphore, #tpu.memory_space<semaphore_mem>>)
      %dma_start3A_201 = arith.constant 0 : i32
      %dma_start3A_202 = tpu.memref_slice %arg4[%dma_start3A_201] : memref<20000000xf32, #tpu.memory_space<hbm>> -> memref<20000000xf32, #tpu.memory_space<hbm>>
      tpu.enqueue_indirect_dma source(%dma_start3A_202 : memref<20000000xf32, #tpu.memory_space<hbm>>) target(%arg10 : memref<88xf32, #tpu.memory_space<vmem>>) offsets(%arg12 : memref<88xi32, #tpu.memory_space<vmem>>) semaphore(%arg14 : memref<!tpu.dma_semaphore, #tpu.memory_space<semaphore_mem>>)
      %dma_wait3A = arith.constant 0 : i32
      %dma_wait3A_203 = tpu.memref_slice %arg4[%dma_wait3A] : memref<20000000xf32, #tpu.memory_space<hbm>> -> memref<20000000xf32, #tpu.memory_space<hbm>>
      tpu.wait_indirect_dma semaphore(%arg13 : memref<!tpu.dma_semaphore, #tpu.memory_space<semaphore_mem>>) src(%dma_wait3A_203 : memref<20000000xf32, #tpu.memory_space<hbm>>) dst(%arg9 : memref<112xf32, #tpu.memory_space<vmem>>)
      %dma_wait3A_204 = arith.constant 0 : i32
      %dma_wait3A_205 = tpu.memref_slice %arg4[%dma_wait3A_204] : memref<20000000xf32, #tpu.memory_space<hbm>> -> memref<20000000xf32, #tpu.memory_space<hbm>>
      tpu.wait_indirect_dma semaphore(%arg14 : memref<!tpu.dma_semaphore, #tpu.memory_space<semaphore_mem>>) src(%dma_wait3A_205 : memref<20000000xf32, #tpu.memory_space<hbm>>) dst(%arg10 : memref<88xf32, #tpu.memory_space<vmem>>)
      %get3A_206 = arith.constant 0 : index
      %get3A_207 = tpu.vector_load %arg9[%get3A_206] {strides = array<i32>} : memref<112xf32, #tpu.memory_space<vmem>>, vector<16xf32>,
      %convert_element_type3A = arith.fptosi %get3A_207 : vector<16xf32> to vector<16xi32>
      %swap3A_208 = arith.constant 0 : index
      %swap3A_209 = tpu.vector_load %arg11[%swap3A_208] {strides = array<i32>} : memref<112xi32, #tpu.memory_space<vmem>>, vector<16xi32>,
      tpu.vector_store %arg11[%swap3A_208], %convert_element_type3A {strides = array<i32>} : memref<112xi32, #tpu.memory_space<vmem>>, vector<16xi32>,
      %get3A_210 = arith.constant 16 : index
      %get3A_211 = tpu.vector_load %arg9[%get3A_210] {strides = array<i32>} : memref<112xf32, #tpu.memory_space<vmem>>, vector<16xf32>,
      %convert_element_type3A_212 = arith.fptosi %get3A_211 : vector<16xf32> to vector<16xi32>
      %swap3A_213 = arith.constant 16 : index
      %swap3A_214 = tpu.vector_load %arg11[%swap3A_213] {strides = array<i32>} : memref<112xi32, #tpu.memory_space<vmem>>, vector<16xi32>,
      tpu.vector_store %arg11[%swap3A_213], %convert_element_type3A_212 {strides = array<i32>} : memref<112xi32, #tpu.memory_space<vmem>>, vector<16xi32>,
      %get3A_215 = arith.constant 32 : index
      %get3A_216 = tpu.vector_load %arg9[%get3A_215] {strides = array<i32>} : memref<112xf32, #tpu.memory_space<vmem>>, vector<16xf32>,
      %convert_element_type3A_217 = arith.fptosi %get3A_216 : vector<16xf32> to vector<16xi32>
      %swap3A_218 = arith.constant 32 : index
      %swap3A_219 = tpu.vector_load %arg11[%swap3A_218] {strides = array<i32>} : memref<112xi32, #tpu.memory_space<vmem>>, vector<16xi32>,
      tpu.vector_store %arg11[%swap3A_218], %convert_element_type3A_217 {strides = array<i32>} : memref<112xi32, #tpu.memory_space<vmem>>, vector<16xi32>,
      %get3A_220 = arith.constant 48 : index
      %get3A_221 = tpu.vector_load %arg9[%get3A_220] {strides = array<i32>} : memref<112xf32, #tpu.memory_space<vmem>>, vector<16xf32>,
      %convert_element_type3A_222 = arith.fptosi %get3A_221 : vector<16xf32> to vector<16xi32>
      %swap3A_223 = arith.constant 48 : index
      %swap3A_224 = tpu.vector_load %arg11[%swap3A_223] {strides = array<i32>} : memref<112xi32, #tpu.memory_space<vmem>>, vector<16xi32>,
      tpu.vector_store %arg11[%swap3A_223], %convert_element_type3A_222 {strides = array<i32>} : memref<112xi32, #tpu.memory_space<vmem>>, vector<16xi32>,
      %get3A_225 = arith.constant 64 : index
      %get3A_226 = tpu.vector_load %arg9[%get3A_225] {strides = array<i32>} : memref<112xf32, #tpu.memory_space<vmem>>, vector<16xf32>,
      %convert_element_type3A_227 = arith.fptosi %get3A_226 : vector<16xf32> to vector<16xi32>
      %swap3A_228 = arith.constant 64 : index
      %swap3A_229 = tpu.vector_load %arg11[%swap3A_228] {strides = array<i32>} : memref<112xi32, #tpu.memory_space<vmem>>, vector<16xi32>,
      tpu.vector_store %arg11[%swap3A_228], %convert_element_type3A_227 {strides = array<i32>} : memref<112xi32, #tpu.memory_space<vmem>>, vector<16xi32>,
      %get3A_230 = arith.constant 80 : index
      %get3A_231 = tpu.vector_load %arg9[%get3A_230] {strides = array<i32>} : memref<112xf32, #tpu.memory_space<vmem>>, vector<16xf32>,
      %convert_element_type3A_232 = arith.fptosi %get3A_231 : vector<16xf32> to vector<16xi32>
      %swap3A_233 = arith.constant 80 : index
      %swap3A_234 = tpu.vector_load %arg11[%swap3A_233] {strides = array<i32>} : memref<112xi32, #tpu.memory_space<vmem>>, vector<16xi32>,
      tpu.vector_store %arg11[%swap3A_233], %convert_element_type3A_232 {strides = array<i32>} : memref<112xi32, #tpu.memory_space<vmem>>, vector<16xi32>,
      %get3A_235 = arith.constant 96 : index
      %get3A_236 = tpu.vector_load %arg9[%get3A_235] {strides = array<i32>} : memref<112xf32, #tpu.memory_space<vmem>>, vector<16xf32>,
      %convert_element_type3A_237 = arith.fptosi %get3A_236 : vector<16xf32> to vector<16xi32>
      %swap3A_238 = arith.constant 96 : index
      %swap3A_239 = tpu.vector_load %arg11[%swap3A_238] {strides = array<i32>} : memref<112xi32, #tpu.memory_space<vmem>>, vector<16xi32>,
      tpu.vector_store %arg11[%swap3A_238], %convert_element_type3A_237 {strides = array<i32>} : memref<112xi32, #tpu.memory_space<vmem>>, vector<16xi32>,
      %get3A_240 = arith.constant 0 : index
      %get3A_241 = tpu.vector_load %arg10[%get3A_240] {strides = array<i32>} : memref<88xf32, #tpu.memory_space<vmem>>, vector<16xf32>,
      %convert_element_type3A_242 = arith.fptosi %get3A_241 : vector<16xf32> to vector<16xi32>
      %swap3A_243 = arith.constant 0 : index
      %swap3A_244 = tpu.vector_load %arg12[%swap3A_243] {strides = array<i32>} : memref<88xi32, #tpu.memory_space<vmem>>, vector<16xi32>,
      tpu.vector_store %arg12[%swap3A_243], %convert_element_type3A_242 {strides = array<i32>} : memref<88xi32, #tpu.memory_space<vmem>>, vector<16xi32>,
      %get3A_245 = arith.constant 16 : index
      %get3A_246 = tpu.vector_load %arg10[%get3A_245] {strides = array<i32>} : memref<88xf32, #tpu.memory_space<vmem>>, vector<16xf32>,
      %convert_element_type3A_247 = arith.fptosi %get3A_246 : vector<16xf32> to vector<16xi32>
      %swap3A_248 = arith.constant 16 : index
      %swap3A_249 = tpu.vector_load %arg12[%swap3A_248] {strides = array<i32>} : memref<88xi32, #tpu.memory_space<vmem>>, vector<16xi32>,
      tpu.vector_store %arg12[%swap3A_248], %convert_element_type3A_247 {strides = array<i32>} : memref<88xi32, #tpu.memory_space<vmem>>, vector<16xi32>,
      %get3A_250 = arith.constant 32 : index
      %get3A_251 = tpu.vector_load %arg10[%get3A_250] {strides = array<i32>} : memref<88xf32, #tpu.memory_space<vmem>>, vector<16xf32>,
      %convert_element_type3A_252 = arith.fptosi %get3A_251 : vector<16xf32> to vector<16xi32>
      %swap3A_253 = arith.constant 32 : index
      %swap3A_254 = tpu.vector_load %arg12[%swap3A_253] {strides = array<i32>} : memref<88xi32, #tpu.memory_space<vmem>>, vector<16xi32>,
      tpu.vector_store %arg12[%swap3A_253], %convert_element_type3A_252 {strides = array<i32>} : memref<88xi32, #tpu.memory_space<vmem>>, vector<16xi32>,
      %get3A_255 = arith.constant 48 : index
      %get3A_256 = tpu.vector_load %arg10[%get3A_255] {strides = array<i32>} : memref<88xf32, #tpu.memory_space<vmem>>, vector<16xf32>,
      %convert_element_type3A_257 = arith.fptosi %get3A_256 : vector<16xf32> to vector<16xi32>
      %swap3A_258 = arith.constant 48 : index
      %swap3A_259 = tpu.vector_load %arg12[%swap3A_258] {strides = array<i32>} : memref<88xi32, #tpu.memory_space<vmem>>, vector<16xi32>,
      tpu.vector_store %arg12[%swap3A_258], %convert_element_type3A_257 {strides = array<i32>} : memref<88xi32, #tpu.memory_space<vmem>>, vector<16xi32>,
      %get3A_260 = arith.constant 64 : index
      %get3A_261 = tpu.vector_load %arg10[%get3A_260] {strides = array<i32>} : memref<88xf32, #tpu.memory_space<vmem>>, vector<16xf32>,
      %convert_element_type3A_262 = arith.fptosi %get3A_261 : vector<16xf32> to vector<16xi32>
      %swap3A_263 = arith.constant 64 : index
      %swap3A_264 = tpu.vector_load %arg12[%swap3A_263] {strides = array<i32>} : memref<88xi32, #tpu.memory_space<vmem>>, vector<16xi32>,
      tpu.vector_store %arg12[%swap3A_263], %convert_element_type3A_262 {strides = array<i32>} : memref<88xi32, #tpu.memory_space<vmem>>, vector<16xi32>,
      %get3A_265 = arith.constant 72 : index
      %get3A_266 = tpu.vector_load %arg10[%get3A_265] {strides = array<i32>} : memref<88xf32, #tpu.memory_space<vmem>>, vector<16xf32>,
      %convert_element_type3A_267 = arith.fptosi %get3A_266 : vector<16xf32> to vector<16xi32>
      %swap3A_268 = arith.constant 72 : index
      %swap3A_269 = tpu.vector_load %arg12[%swap3A_268] {strides = array<i32>} : memref<88xi32, #tpu.memory_space<vmem>>, vector<16xi32>,
      tpu.vector_store %arg12[%swap3A_268], %convert_element_type3A_267 {strides = array<i32>} : memref<88xi32, #tpu.memory_space<vmem>>, vector<16xi32>,
      %add3A_270 = arith.constant 0 : i32
      %add3A_271 = arith.addi %add3A_270, %mul3A_2 : i32
      %add3A_272 = arith.addi %add3A_271, %scan3A_133 : i32
      %mul3A_273 = arith.constant 200 : i32
      %mul3A_274 = arith.muli %add3A_272, %mul3A_273 : i32
      "tpu.region"() ({
        %run_scoped3A = tpu.sem_alloc : memref<!tpu.dma_semaphore, #tpu.memory_space<semaphore_mem>>
        %dma_start3A_277 = tpu.memref_slice %arg6[%mul3A_274] : memref<409600xi32, #tpu.memory_space<hbm>> -> memref<112xi32, #tpu.memory_space<hbm>>
        %dma_start3A_278 = tpu.memref_slice %arg6[%mul3A_274] : memref<409600xi32, #tpu.memory_space<hbm>> -> memref<112xi32, #tpu.memory_space<hbm>>
        tpu.enqueue_dma source(%arg11 : memref<112xi32, #tpu.memory_space<vmem>>) target(%dma_start3A_278 : memref<112xi32, #tpu.memory_space<hbm>>) target_semaphore(%run_scoped3A : memref<!tpu.dma_semaphore, #tpu.memory_space<semaphore_mem>>)
        %dma_wait3A_279 = tpu.memref_slice %arg6[%mul3A_274] : memref<409600xi32, #tpu.memory_space<hbm>> -> memref<112xi32, #tpu.memory_space<hbm>>
        %dma_wait3A_280 = tpu.memref_slice %arg6[%mul3A_274] : memref<409600xi32, #tpu.memory_space<hbm>> -> memref<112xi32, #tpu.memory_space<hbm>>
        tpu.wait_dma2 semaphore(%run_scoped3A : memref<!tpu.dma_semaphore, #tpu.memory_space<semaphore_mem>>) src(%arg11 : memref<112xi32, #tpu.memory_space<vmem>>) dst(%dma_wait3A_280 : memref<112xi32, #tpu.memory_space<hbm>>)
        tpu.yield
      }) : () -> ()
      %add3A_275 = arith.constant 112 : i32
      %add3A_276 = arith.addi %mul3A_274, %add3A_275 : i32
      "tpu.region"() ({
        %run_scoped3A = tpu.sem_alloc : memref<!tpu.dma_semaphore, #tpu.memory_space<semaphore_mem>>
        %dma_start3A_277 = tpu.memref_slice %arg6[%add3A_276] : memref<409600xi32, #tpu.memory_space<hbm>> -> memref<88xi32, #tpu.memory_space<hbm>>
        %dma_start3A_278 = tpu.memref_slice %arg6[%add3A_276] : memref<409600xi32, #tpu.memory_space<hbm>> -> memref<88xi32, #tpu.memory_space<hbm>>
        tpu.enqueue_dma source(%arg12 : memref<88xi32, #tpu.memory_space<vmem>>) target(%dma_start3A_278 : memref<88xi32, #tpu.memory_space<hbm>>) target_semaphore(%run_scoped3A : memref<!tpu.dma_semaphore, #tpu.memory_space<semaphore_mem>>)
        %dma_wait3A_279 = tpu.memref_slice %arg6[%add3A_276] : memref<409600xi32, #tpu.memory_space<hbm>> -> memref<88xi32, #tpu.memory_space<hbm>>
        %dma_wait3A_280 = tpu.memref_slice %arg6[%add3A_276] : memref<409600xi32, #tpu.memory_space<hbm>> -> memref<88xi32, #tpu.memory_space<hbm>>
        tpu.wait_dma2 semaphore(%run_scoped3A : memref<!tpu.dma_semaphore, #tpu.memory_space<semaphore_mem>>) src(%arg12 : memref<88xi32, #tpu.memory_space<vmem>>) dst(%dma_wait3A_280 : memref<88xi32, #tpu.memory_space<hbm>>)
        tpu.yield
      }) : () -> ()
    }
    %scan3A_126 = arith.constant 32 : i32
    "tpu.region"() ({
      %run_scoped3A = tpu.sem_alloc : memref<!tpu.dma_semaphore, #tpu.memory_space<semaphore_mem>>
      %dma_start3A = tpu.memref_slice %arg3[%mul3A_2] : memref<1024xi32, #tpu.memory_space<hbm>> -> memref<32xi32, #tpu.memory_space<hbm>>
      %dma_start3A_133 = tpu.memref_slice %arg3[%mul3A_2] : memref<1024xi32, #tpu.memory_space<hbm>> -> memref<32xi32, #tpu.memory_space<hbm>>
      tpu.enqueue_dma source(%dma_start3A_133 : memref<32xi32, #tpu.memory_space<hbm>>) target(%arg7 : memref<32xi32, #tpu.memory_space<vmem>>) target_semaphore(%run_scoped3A : memref<!tpu.dma_semaphore, #tpu.memory_space<semaphore_mem>>)
      %dma_wait3A = tpu.memref_slice %arg3[%mul3A_2] : memref<1024xi32, #tpu.memory_space<hbm>> -> memref<32xi32, #tpu.memory_space<hbm>>
      %dma_wait3A_134 = tpu.memref_slice %arg3[%mul3A_2] : memref<1024xi32, #tpu.memory_space<hbm>> -> memref<32xi32, #tpu.memory_space<hbm>>
      tpu.wait_dma2 semaphore(%run_scoped3A : memref<!tpu.dma_semaphore, #tpu.memory_space<semaphore_mem>>) src(%dma_wait3A_134 : memref<32xi32, #tpu.memory_space<hbm>>) dst(%arg7 : memref<32xi32, #tpu.memory_space<vmem>>)
      tpu.yield
    }) : () -> ()
    %scan3A_127 = arith.constant 0 : i32
    %scan3A_128 = arith.constant 0 : i32
    %scan3A_129 = arith.constant 32 : i32
    %scan3A_130 = arith.addi %scan3A_128, %scan3A_129 : i32
    %scan3A_131 = arith.constant 1 : i32
    scf.for %scan3A_133 = %scan3A_128 to %scan3A_130 step %scan3A_131  : i32 {
      %add3A_134 = vector.broadcast %scan3A_133 : i32 to vector<16xi32>
      %add3A_135 = arith.addi %mul3A_121, %add3A_134 : vector<16xi32>
      %gather3A = tpu.vector_load_idx %arg7[%add3A_135] : memref<32xi32, #tpu.memory_space<vmem>>[vector<16xi32>], vector<16xi32>,
      %get3A = arith.constant 0 : index
      %get3A_136 = tpu.vector_load %arg8[%get3A] {strides = array<i32>} : memref<200xi32, #tpu.memory_space<vmem>>, vector<16xi32>,
      %add3A_137 = arith.addi %get3A_136, %gather3A : vector<16xi32>
      %swap3A_138 = arith.constant 0 : index
      %swap3A_139 = tpu.vector_load %arg11[%swap3A_138] {strides = array<i32>} : memref<112xi32, #tpu.memory_space<vmem>>, vector<16xi32>,
      tpu.vector_store %arg11[%swap3A_138], %add3A_137 {strides = array<i32>} : memref<112xi32, #tpu.memory_space<vmem>>, vector<16xi32>,
      %get3A_140 = arith.constant 16 : index
      %get3A_141 = tpu.vector_load %arg8[%get3A_140] {strides = array<i32>} : memref<200xi32, #tpu.memory_space<vmem>>, vector<16xi32>,
      %add3A_142 = arith.addi %get3A_141, %gather3A : vector<16xi32>
      %swap3A_143 = arith.constant 16 : index
      %swap3A_144 = tpu.vector_load %arg11[%swap3A_143] {strides = array<i32>} : memref<112xi32, #tpu.memory_space<vmem>>, vector<16xi32>,
      tpu.vector_store %arg11[%swap3A_143], %add3A_142 {strides = array<i32>} : memref<112xi32, #tpu.memory_space<vmem>>, vector<16xi32>,
      %get3A_145 = arith.constant 32 : index
      %get3A_146 = tpu.vector_load %arg8[%get3A_145] {strides = array<i32>} : memref<200xi32, #tpu.memory_space<vmem>>, vector<16xi32>,
      %add3A_147 = arith.addi %get3A_146, %gather3A : vector<16xi32>
      %swap3A_148 = arith.constant 32 : index
      %swap3A_149 = tpu.vector_load %arg11[%swap3A_148] {strides = array<i32>} : memref<112xi32, #tpu.memory_space<vmem>>, vector<16xi32>,
      tpu.vector_store %arg11[%swap3A_148], %add3A_147 {strides = array<i32>} : memref<112xi32, #tpu.memory_space<vmem>>, vector<16xi32>,
      %get3A_150 = arith.constant 48 : index
      %get3A_151 = tpu.vector_load %arg8[%get3A_150] {strides = array<i32>} : memref<200xi32, #tpu.memory_space<vmem>>, vector<16xi32>,
      %add3A_152 = arith.addi %get3A_151, %gather3A : vector<16xi32>
      %swap3A_153 = arith.constant 48 : index
      %swap3A_154 = tpu.vector_load %arg11[%swap3A_153] {strides = array<i32>} : memref<112xi32, #tpu.memory_space<vmem>>, vector<16xi32>,
      tpu.vector_store %arg11[%swap3A_153], %add3A_152 {strides = array<i32>} : memref<112xi32, #tpu.memory_space<vmem>>, vector<16xi32>,
      %get3A_155 = arith.constant 64 : index
      %get3A_156 = tpu.vector_load %arg8[%get3A_155] {strides = array<i32>} : memref<200xi32, #tpu.memory_space<vmem>>, vector<16xi32>,
      %add3A_157 = arith.addi %get3A_156, %gather3A : vector<16xi32>
      %swap3A_158 = arith.constant 64 : index
      %swap3A_159 = tpu.vector_load %arg11[%swap3A_158] {strides = array<i32>} : memref<112xi32, #tpu.memory_space<vmem>>, vector<16xi32>,
      tpu.vector_store %arg11[%swap3A_158], %add3A_157 {strides = array<i32>} : memref<112xi32, #tpu.memory_space<vmem>>, vector<16xi32>,
      %get3A_160 = arith.constant 80 : index
      %get3A_161 = tpu.vector_load %arg8[%get3A_160] {strides = array<i32>} : memref<200xi32, #tpu.memory_space<vmem>>, vector<16xi32>,
      %add3A_162 = arith.addi %get3A_161, %gather3A : vector<16xi32>
      %swap3A_163 = arith.constant 80 : index
      %swap3A_164 = tpu.vector_load %arg11[%swap3A_163] {strides = array<i32>} : memref<112xi32, #tpu.memory_space<vmem>>, vector<16xi32>,
      tpu.vector_store %arg11[%swap3A_163], %add3A_162 {strides = array<i32>} : memref<112xi32, #tpu.memory_space<vmem>>, vector<16xi32>,
      %get3A_165 = arith.constant 96 : index
      %get3A_166 = tpu.vector_load %arg8[%get3A_165] {strides = array<i32>} : memref<200xi32, #tpu.memory_space<vmem>>, vector<16xi32>,
      %add3A_167 = arith.addi %get3A_166, %gather3A : vector<16xi32>
      %swap3A_168 = arith.constant 96 : index
      %swap3A_169 = tpu.vector_load %arg11[%swap3A_168] {strides = array<i32>} : memref<112xi32, #tpu.memory_space<vmem>>, vector<16xi32>,
      tpu.vector_store %arg11[%swap3A_168], %add3A_167 {strides = array<i32>} : memref<112xi32, #tpu.memory_space<vmem>>, vector<16xi32>,
      %get3A_170 = arith.constant 112 : index
      %get3A_171 = tpu.vector_load %arg8[%get3A_170] {strides = array<i32>} : memref<200xi32, #tpu.memory_space<vmem>>, vector<16xi32>,
      %add3A_172 = arith.addi %get3A_171, %gather3A : vector<16xi32>
      %swap3A_173 = arith.constant 0 : index
      %swap3A_174 = tpu.vector_load %arg12[%swap3A_173] {strides = array<i32>} : memref<88xi32, #tpu.memory_space<vmem>>, vector<16xi32>,
      tpu.vector_store %arg12[%swap3A_173], %add3A_172 {strides = array<i32>} : memref<88xi32, #tpu.memory_space<vmem>>, vector<16xi32>,
      %get3A_175 = arith.constant 128 : index
      %get3A_176 = tpu.vector_load %arg8[%get3A_175] {strides = array<i32>} : memref<200xi32, #tpu.memory_space<vmem>>, vector<16xi32>,
      %add3A_177 = arith.addi %get3A_176, %gather3A : vector<16xi32>
      %swap3A_178 = arith.constant 16 : index
      %swap3A_179 = tpu.vector_load %arg12[%swap3A_178] {strides = array<i32>} : memref<88xi32, #tpu.memory_space<vmem>>, vector<16xi32>,
      tpu.vector_store %arg12[%swap3A_178], %add3A_177 {strides = array<i32>} : memref<88xi32, #tpu.memory_space<vmem>>, vector<16xi32>,
      %get3A_180 = arith.constant 144 : index
      %get3A_181 = tpu.vector_load %arg8[%get3A_180] {strides = array<i32>} : memref<200xi32, #tpu.memory_space<vmem>>, vector<16xi32>,
      %add3A_182 = arith.addi %get3A_181, %gather3A : vector<16xi32>
      %swap3A_183 = arith.constant 32 : index
      %swap3A_184 = tpu.vector_load %arg12[%swap3A_183] {strides = array<i32>} : memref<88xi32, #tpu.memory_space<vmem>>, vector<16xi32>,
      tpu.vector_store %arg12[%swap3A_183], %add3A_182 {strides = array<i32>} : memref<88xi32, #tpu.memory_space<vmem>>, vector<16xi32>,
      %get3A_185 = arith.constant 160 : index
      %get3A_186 = tpu.vector_load %arg8[%get3A_185] {strides = array<i32>} : memref<200xi32, #tpu.memory_space<vmem>>, vector<16xi32>,
      %add3A_187 = arith.addi %get3A_186, %gather3A : vector<16xi32>
      %swap3A_188 = arith.constant 48 : index
      %swap3A_189 = tpu.vector_load %arg12[%swap3A_188] {strides = array<i32>} : memref<88xi32, #tpu.memory_space<vmem>>, vector<16xi32>,
      tpu.vector_store %arg12[%swap3A_188], %add3A_187 {strides = array<i32>} : memref<88xi32, #tpu.memory_space<vmem>>, vector<16xi32>,
      %get3A_190 = arith.constant 176 : index
      %get3A_191 = tpu.vector_load %arg8[%get3A_190] {strides = array<i32>} : memref<200xi32, #tpu.memory_space<vmem>>, vector<16xi32>,
      %add3A_192 = arith.addi %get3A_191, %gather3A : vector<16xi32>
      %swap3A_193 = arith.constant 64 : index
      %swap3A_194 = tpu.vector_load %arg12[%swap3A_193] {strides = array<i32>} : memref<88xi32, #tpu.memory_space<vmem>>, vector<16xi32>,
      tpu.vector_store %arg12[%swap3A_193], %add3A_192 {strides = array<i32>} : memref<88xi32, #tpu.memory_space<vmem>>, vector<16xi32>,
      %get3A_195 = arith.constant 184 : index
      %get3A_196 = tpu.vector_load %arg8[%get3A_195] {strides = array<i32>} : memref<200xi32, #tpu.memory_space<vmem>>, vector<16xi32>,
      %add3A_197 = arith.addi %get3A_196, %gather3A : vector<16xi32>
      %swap3A_198 = arith.constant 72 : index
      %swap3A_199 = tpu.vector_load %arg12[%swap3A_198] {strides = array<i32>} : memref<88xi32, #tpu.memory_space<vmem>>, vector<16xi32>,
      tpu.vector_store %arg12[%swap3A_198], %add3A_197 {strides = array<i32>} : memref<88xi32, #tpu.memory_space<vmem>>, vector<16xi32>,
      %dma_start3A = arith.constant 0 : i32
      %dma_start3A_200 = tpu.memref_slice %arg5[%dma_start3A] : memref<20000000xf32, #tpu.memory_space<hbm>> -> memref<20000000xf32, #tpu.memory_space<hbm>>
      tpu.enqueue_indirect_dma source(%dma_start3A_200 : memref<20000000xf32, #tpu.memory_space<hbm>>) target(%arg9 : memref<112xf32, #tpu.memory_space<vmem>>) offsets(%arg11 : memref<112xi32, #tpu.memory_space<vmem>>) semaphore(%arg13 : memref<!tpu.dma_semaphore, #tpu.memory_space<semaphore_mem>>)
      %dma_start3A_201 = arith.constant 0 : i32
      %dma_start3A_202 = tpu.memref_slice %arg5[%dma_start3A_201] : memref<20000000xf32, #tpu.memory_space<hbm>> -> memref<20000000xf32, #tpu.memory_space<hbm>>
      tpu.enqueue_indirect_dma source(%dma_start3A_202 : memref<20000000xf32, #tpu.memory_space<hbm>>) target(%arg10 : memref<88xf32, #tpu.memory_space<vmem>>) offsets(%arg12 : memref<88xi32, #tpu.memory_space<vmem>>) semaphore(%arg14 : memref<!tpu.dma_semaphore, #tpu.memory_space<semaphore_mem>>)
      %dma_wait3A = arith.constant 0 : i32
      %dma_wait3A_203 = tpu.memref_slice %arg5[%dma_wait3A] : memref<20000000xf32, #tpu.memory_space<hbm>> -> memref<20000000xf32, #tpu.memory_space<hbm>>
      tpu.wait_indirect_dma semaphore(%arg13 : memref<!tpu.dma_semaphore, #tpu.memory_space<semaphore_mem>>) src(%dma_wait3A_203 : memref<20000000xf32, #tpu.memory_space<hbm>>) dst(%arg9 : memref<112xf32, #tpu.memory_space<vmem>>)
      %dma_wait3A_204 = arith.constant 0 : i32
      %dma_wait3A_205 = tpu.memref_slice %arg5[%dma_wait3A_204] : memref<20000000xf32, #tpu.memory_space<hbm>> -> memref<20000000xf32, #tpu.memory_space<hbm>>
      tpu.wait_indirect_dma semaphore(%arg14 : memref<!tpu.dma_semaphore, #tpu.memory_space<semaphore_mem>>) src(%dma_wait3A_205 : memref<20000000xf32, #tpu.memory_space<hbm>>) dst(%arg10 : memref<88xf32, #tpu.memory_space<vmem>>)
      %get3A_206 = arith.constant 0 : index
      %get3A_207 = tpu.vector_load %arg9[%get3A_206] {strides = array<i32>} : memref<112xf32, #tpu.memory_space<vmem>>, vector<16xf32>,
      %convert_element_type3A = arith.fptosi %get3A_207 : vector<16xf32> to vector<16xi32>
      %swap3A_208 = arith.constant 0 : index
      %swap3A_209 = tpu.vector_load %arg11[%swap3A_208] {strides = array<i32>} : memref<112xi32, #tpu.memory_space<vmem>>, vector<16xi32>,
      tpu.vector_store %arg11[%swap3A_208], %convert_element_type3A {strides = array<i32>} : memref<112xi32, #tpu.memory_space<vmem>>, vector<16xi32>,
      %get3A_210 = arith.constant 16 : index
      %get3A_211 = tpu.vector_load %arg9[%get3A_210] {strides = array<i32>} : memref<112xf32, #tpu.memory_space<vmem>>, vector<16xf32>,
      %convert_element_type3A_212 = arith.fptosi %get3A_211 : vector<16xf32> to vector<16xi32>
      %swap3A_213 = arith.constant 16 : index
      %swap3A_214 = tpu.vector_load %arg11[%swap3A_213] {strides = array<i32>} : memref<112xi32, #tpu.memory_space<vmem>>, vector<16xi32>,
      tpu.vector_store %arg11[%swap3A_213], %convert_element_type3A_212 {strides = array<i32>} : memref<112xi32, #tpu.memory_space<vmem>>, vector<16xi32>,
      %get3A_215 = arith.constant 32 : index
      %get3A_216 = tpu.vector_load %arg9[%get3A_215] {strides = array<i32>} : memref<112xf32, #tpu.memory_space<vmem>>, vector<16xf32>,
      %convert_element_type3A_217 = arith.fptosi %get3A_216 : vector<16xf32> to vector<16xi32>
      %swap3A_218 = arith.constant 32 : index
      %swap3A_219 = tpu.vector_load %arg11[%swap3A_218] {strides = array<i32>} : memref<112xi32, #tpu.memory_space<vmem>>, vector<16xi32>,
      tpu.vector_store %arg11[%swap3A_218], %convert_element_type3A_217 {strides = array<i32>} : memref<112xi32, #tpu.memory_space<vmem>>, vector<16xi32>,
      %get3A_220 = arith.constant 48 : index
      %get3A_221 = tpu.vector_load %arg9[%get3A_220] {strides = array<i32>} : memref<112xf32, #tpu.memory_space<vmem>>, vector<16xf32>,
      %convert_element_type3A_222 = arith.fptosi %get3A_221 : vector<16xf32> to vector<16xi32>
      %swap3A_223 = arith.constant 48 : index
      %swap3A_224 = tpu.vector_load %arg11[%swap3A_223] {strides = array<i32>} : memref<112xi32, #tpu.memory_space<vmem>>, vector<16xi32>,
      tpu.vector_store %arg11[%swap3A_223], %convert_element_type3A_222 {strides = array<i32>} : memref<112xi32, #tpu.memory_space<vmem>>, vector<16xi32>,
      %get3A_225 = arith.constant 64 : index
      %get3A_226 = tpu.vector_load %arg9[%get3A_225] {strides = array<i32>} : memref<112xf32, #tpu.memory_space<vmem>>, vector<16xf32>,
      %convert_element_type3A_227 = arith.fptosi %get3A_226 : vector<16xf32> to vector<16xi32>
      %swap3A_228 = arith.constant 64 : index
      %swap3A_229 = tpu.vector_load %arg11[%swap3A_228] {strides = array<i32>} : memref<112xi32, #tpu.memory_space<vmem>>, vector<16xi32>,
      tpu.vector_store %arg11[%swap3A_228], %convert_element_type3A_227 {strides = array<i32>} : memref<112xi32, #tpu.memory_space<vmem>>, vector<16xi32>,
      %get3A_230 = arith.constant 80 : index
      %get3A_231 = tpu.vector_load %arg9[%get3A_230] {strides = array<i32>} : memref<112xf32, #tpu.memory_space<vmem>>, vector<16xf32>,
      %convert_element_type3A_232 = arith.fptosi %get3A_231 : vector<16xf32> to vector<16xi32>
      %swap3A_233 = arith.constant 80 : index
      %swap3A_234 = tpu.vector_load %arg11[%swap3A_233] {strides = array<i32>} : memref<112xi32, #tpu.memory_space<vmem>>, vector<16xi32>,
      tpu.vector_store %arg11[%swap3A_233], %convert_element_type3A_232 {strides = array<i32>} : memref<112xi32, #tpu.memory_space<vmem>>, vector<16xi32>,
      %get3A_235 = arith.constant 96 : index
      %get3A_236 = tpu.vector_load %arg9[%get3A_235] {strides = array<i32>} : memref<112xf32, #tpu.memory_space<vmem>>, vector<16xf32>,
      %convert_element_type3A_237 = arith.fptosi %get3A_236 : vector<16xf32> to vector<16xi32>
      %swap3A_238 = arith.constant 96 : index
      %swap3A_239 = tpu.vector_load %arg11[%swap3A_238] {strides = array<i32>} : memref<112xi32, #tpu.memory_space<vmem>>, vector<16xi32>,
      tpu.vector_store %arg11[%swap3A_238], %convert_element_type3A_237 {strides = array<i32>} : memref<112xi32, #tpu.memory_space<vmem>>, vector<16xi32>,
      %get3A_240 = arith.constant 0 : index
      %get3A_241 = tpu.vector_load %arg10[%get3A_240] {strides = array<i32>} : memref<88xf32, #tpu.memory_space<vmem>>, vector<16xf32>,
      %convert_element_type3A_242 = arith.fptosi %get3A_241 : vector<16xf32> to vector<16xi32>
      %swap3A_243 = arith.constant 0 : index
      %swap3A_244 = tpu.vector_load %arg12[%swap3A_243] {strides = array<i32>} : memref<88xi32, #tpu.memory_space<vmem>>, vector<16xi32>,
      tpu.vector_store %arg12[%swap3A_243], %convert_element_type3A_242 {strides = array<i32>} : memref<88xi32, #tpu.memory_space<vmem>>, vector<16xi32>,
      %get3A_245 = arith.constant 16 : index
      %get3A_246 = tpu.vector_load %arg10[%get3A_245] {strides = array<i32>} : memref<88xf32, #tpu.memory_space<vmem>>, vector<16xf32>,
      %convert_element_type3A_247 = arith.fptosi %get3A_246 : vector<16xf32> to vector<16xi32>
      %swap3A_248 = arith.constant 16 : index
      %swap3A_249 = tpu.vector_load %arg12[%swap3A_248] {strides = array<i32>} : memref<88xi32, #tpu.memory_space<vmem>>, vector<16xi32>,
      tpu.vector_store %arg12[%swap3A_248], %convert_element_type3A_247 {strides = array<i32>} : memref<88xi32, #tpu.memory_space<vmem>>, vector<16xi32>,
      %get3A_250 = arith.constant 32 : index
      %get3A_251 = tpu.vector_load %arg10[%get3A_250] {strides = array<i32>} : memref<88xf32, #tpu.memory_space<vmem>>, vector<16xf32>,
      %convert_element_type3A_252 = arith.fptosi %get3A_251 : vector<16xf32> to vector<16xi32>
      %swap3A_253 = arith.constant 32 : index
      %swap3A_254 = tpu.vector_load %arg12[%swap3A_253] {strides = array<i32>} : memref<88xi32, #tpu.memory_space<vmem>>, vector<16xi32>,
      tpu.vector_store %arg12[%swap3A_253], %convert_element_type3A_252 {strides = array<i32>} : memref<88xi32, #tpu.memory_space<vmem>>, vector<16xi32>,
      %get3A_255 = arith.constant 48 : index
      %get3A_256 = tpu.vector_load %arg10[%get3A_255] {strides = array<i32>} : memref<88xf32, #tpu.memory_space<vmem>>, vector<16xf32>,
      %convert_element_type3A_257 = arith.fptosi %get3A_256 : vector<16xf32> to vector<16xi32>
      %swap3A_258 = arith.constant 48 : index
      %swap3A_259 = tpu.vector_load %arg12[%swap3A_258] {strides = array<i32>} : memref<88xi32, #tpu.memory_space<vmem>>, vector<16xi32>,
      tpu.vector_store %arg12[%swap3A_258], %convert_element_type3A_257 {strides = array<i32>} : memref<88xi32, #tpu.memory_space<vmem>>, vector<16xi32>,
      %get3A_260 = arith.constant 64 : index
      %get3A_261 = tpu.vector_load %arg10[%get3A_260] {strides = array<i32>} : memref<88xf32, #tpu.memory_space<vmem>>, vector<16xf32>,
      %convert_element_type3A_262 = arith.fptosi %get3A_261 : vector<16xf32> to vector<16xi32>
      %swap3A_263 = arith.constant 64 : index
      %swap3A_264 = tpu.vector_load %arg12[%swap3A_263] {strides = array<i32>} : memref<88xi32, #tpu.memory_space<vmem>>, vector<16xi32>,
      tpu.vector_store %arg12[%swap3A_263], %convert_element_type3A_262 {strides = array<i32>} : memref<88xi32, #tpu.memory_space<vmem>>, vector<16xi32>,
      %get3A_265 = arith.constant 72 : index
      %get3A_266 = tpu.vector_load %arg10[%get3A_265] {strides = array<i32>} : memref<88xf32, #tpu.memory_space<vmem>>, vector<16xf32>,
      %convert_element_type3A_267 = arith.fptosi %get3A_266 : vector<16xf32> to vector<16xi32>
      %swap3A_268 = arith.constant 72 : index
      %swap3A_269 = tpu.vector_load %arg12[%swap3A_268] {strides = array<i32>} : memref<88xi32, #tpu.memory_space<vmem>>, vector<16xi32>,
      tpu.vector_store %arg12[%swap3A_268], %convert_element_type3A_267 {strides = array<i32>} : memref<88xi32, #tpu.memory_space<vmem>>, vector<16xi32>,
      %add3A_270 = arith.constant 1024 : i32
      %add3A_271 = arith.addi %add3A_270, %mul3A_2 : i32
      %add3A_272 = arith.addi %add3A_271, %scan3A_133 : i32
      %mul3A_273 = arith.constant 200 : i32
      %mul3A_274 = arith.muli %add3A_272, %mul3A_273 : i32
      "tpu.region"() ({
        %run_scoped3A = tpu.sem_alloc : memref<!tpu.dma_semaphore, #tpu.memory_space<semaphore_mem>>
        %dma_start3A_277 = tpu.memref_slice %arg6[%mul3A_274] : memref<409600xi32, #tpu.memory_space<hbm>> -> memref<112xi32, #tpu.memory_space<hbm>>
        %dma_start3A_278 = tpu.memref_slice %arg6[%mul3A_274] : memref<409600xi32, #tpu.memory_space<hbm>> -> memref<112xi32, #tpu.memory_space<hbm>>
        tpu.enqueue_dma source(%arg11 : memref<112xi32, #tpu.memory_space<vmem>>) target(%dma_start3A_278 : memref<112xi32, #tpu.memory_space<hbm>>) target_semaphore(%run_scoped3A : memref<!tpu.dma_semaphore, #tpu.memory_space<semaphore_mem>>)
        %dma_wait3A_279 = tpu.memref_slice %arg6[%mul3A_274] : memref<409600xi32, #tpu.memory_space<hbm>> -> memref<112xi32, #tpu.memory_space<hbm>>
        %dma_wait3A_280 = tpu.memref_slice %arg6[%mul3A_274] : memref<409600xi32, #tpu.memory_space<hbm>> -> memref<112xi32, #tpu.memory_space<hbm>>
        tpu.wait_dma2 semaphore(%run_scoped3A : memref<!tpu.dma_semaphore, #tpu.memory_space<semaphore_mem>>) src(%arg11 : memref<112xi32, #tpu.memory_space<vmem>>) dst(%dma_wait3A_280 : memref<112xi32, #tpu.memory_space<hbm>>)
        tpu.yield
      }) : () -> ()
      %add3A_275 = arith.constant 112 : i32
      %add3A_276 = arith.addi %mul3A_274, %add3A_275 : i32
      "tpu.region"() ({
        %run_scoped3A = tpu.sem_alloc : memref<!tpu.dma_semaphore, #tpu.memory_space<semaphore_mem>>
        %dma_start3A_277 = tpu.memref_slice %arg6[%add3A_276] : memref<409600xi32, #tpu.memory_space<hbm>> -> memref<88xi32, #tpu.memory_space<hbm>>
        %dma_start3A_278 = tpu.memref_slice %arg6[%add3A_276] : memref<409600xi32, #tpu.memory_space<hbm>> -> memref<88xi32, #tpu.memory_space<hbm>>
        tpu.enqueue_dma source(%arg12 : memref<88xi32, #tpu.memory_space<vmem>>) target(%dma_start3A_278 : memref<88xi32, #tpu.memory_space<hbm>>) target_semaphore(%run_scoped3A : memref<!tpu.dma_semaphore, #tpu.memory_space<semaphore_mem>>)
        %dma_wait3A_279 = tpu.memref_slice %arg6[%add3A_276] : memref<409600xi32, #tpu.memory_space<hbm>> -> memref<88xi32, #tpu.memory_space<hbm>>
        %dma_wait3A_280 = tpu.memref_slice %arg6[%add3A_276] : memref<409600xi32, #tpu.memory_space<hbm>> -> memref<88xi32, #tpu.memory_space<hbm>>
        tpu.wait_dma2 semaphore(%run_scoped3A : memref<!tpu.dma_semaphore, #tpu.memory_space<semaphore_mem>>) src(%arg12 : memref<88xi32, #tpu.memory_space<vmem>>) dst(%dma_wait3A_280 : memref<88xi32, #tpu.memory_space<hbm>>)
        tpu.yield
      }) : () -> ()
    }
    %scan3A_132 = arith.constant 32 : i32
    return
  }
}

module attributes {stable_mosaic.version = 14 : i64} {
  func.func @_dense_kernel(%arg0: i32, %arg1: memref<32x200x128xf32, #tpu.memory_space<vmem>>, %arg2: memref<32x200x128xf32, #tpu.memory_space<vmem>>, %arg3: memref<128x5xf32, #tpu.memory_space<vmem>>, %arg4: memref<5x128x10xf32, #tpu.memory_space<vmem>>, %arg5: memref<10x10xf32, #tpu.memory_space<vmem>>, %arg6: memref<10x50xf32, #tpu.memory_space<vmem>>, %arg7: memref<10x50xf32, #tpu.memory_space<vmem>>, %arg8: memref<1x50xf32, #tpu.memory_space<vmem>>, %arg9: memref<1x50xf32, #tpu.memory_space<vmem>>, %arg10: memref<32x1xf32, #tpu.memory_space<vmem>>, %arg11: memref<32x1xf32, #tpu.memory_space<vmem>>, %arg12: memref<1x1xf32, #tpu.memory_space<vmem>>, %arg13: memref<32x1xf32, #tpu.memory_space<vmem>>) attributes {dimension_semantics = [#tpu.dimension_semantics<arbitrary>], iteration_bounds = array<i64: 32>, scalar_prefetch = 0 : i64, scratch_operands = 0 : i64, tpu.core_type = #tpu.core_type<tc>, window_params = [{transform_indices = @transform_0, window_bounds = array<i64: 32, 200, 128>}, {transform_indices = @transform_1, window_bounds = array<i64: 32, 200, 128>}, {pipeline_mode = #tpu.pipeline_mode<synchronous>, transform_indices = @transform_2, window_bounds = array<i64: 128, 5>}, {pipeline_mode = #tpu.pipeline_mode<synchronous>, transform_indices = @transform_3, window_bounds = array<i64: 5, 128, 10>}, {pipeline_mode = #tpu.pipeline_mode<synchronous>, transform_indices = @transform_4, window_bounds = array<i64: 10, 10>}, {pipeline_mode = #tpu.pipeline_mode<synchronous>, transform_indices = @transform_5, window_bounds = array<i64: 10, 50>}, {pipeline_mode = #tpu.pipeline_mode<synchronous>, transform_indices = @transform_6, window_bounds = array<i64: 10, 50>}, {pipeline_mode = #tpu.pipeline_mode<synchronous>, transform_indices = @transform_7, window_bounds = array<i64: 1, 50>}, {pipeline_mode = #tpu.pipeline_mode<synchronous>, transform_indices = @transform_8, window_bounds = array<i64: 1, 50>}, {transform_indices = @transform_9, window_bounds = array<i64: 32, 1>}, {transform_indices = @transform_10, window_bounds = array<i64: 32, 1>}, {pipeline_mode = #tpu.pipeline_mode<synchronous>, transform_indices = @transform_11, window_bounds = array<i64: 1, 1>}, {transform_indices = @transform_12, window_bounds = array<i64: 32, 1>}]} {
    %iota3A = tpu.iota {dimensions = array<i32: 0>} : vector<6400x32xi32>
    %jit3A = arith.constant 200 : i32
    %div3A = vector.broadcast %jit3A : i32 to vector<6400x32xi32>
    %div3A_0 = arith.divsi %iota3A, %div3A : vector<6400x32xi32>
    %sign3A = arith.constant 0 : i32
    %sign3A_1 = vector.broadcast %sign3A : i32 to vector<6400x32xi32>
    %sign3A_2 = arith.cmpi sgt, %iota3A, %sign3A_1 : vector<6400x32xi32>
    %sign3A_3 = arith.extui %sign3A_2 : vector<6400x32xi1> to vector<6400x32xi32>
    %sign3A_4 = arith.constant 0 : i32
    %sign3A_5 = vector.broadcast %sign3A_4 : i32 to vector<6400x32xi32>
    %sign3A_6 = arith.cmpi slt, %iota3A, %sign3A_5 : vector<6400x32xi32>
    %sign3A_7 = arith.extui %sign3A_6 : vector<6400x32xi1> to vector<6400x32xi32>
    %sign3A_8 = arith.subi %sign3A_3, %sign3A_7 : vector<6400x32xi32>
    %sign3A_9 = arith.constant 0 : i32
    %sign3A_10 = arith.cmpi sgt, %jit3A, %sign3A_9 : i32
    %sign3A_11 = arith.extui %sign3A_10 : i1 to i32
    %sign3A_12 = arith.constant 0 : i32
    %sign3A_13 = arith.cmpi slt, %jit3A, %sign3A_12 : i32
    %sign3A_14 = arith.extui %sign3A_13 : i1 to i32
    %sign3A_15 = arith.subi %sign3A_11, %sign3A_14 : i32
    %ne3A = vector.broadcast %sign3A_15 : i32 to vector<6400x32xi32>
    %ne3A_16 = arith.cmpi ne, %sign3A_8, %ne3A : vector<6400x32xi32>
    %rem3A = vector.broadcast %jit3A : i32 to vector<6400x32xi32>
    %rem3A_17 = arith.remsi %iota3A, %rem3A : vector<6400x32xi32>
    %ne3A_18 = arith.constant 0 : i32
    %ne3A_19 = vector.broadcast %ne3A_18 : i32 to vector<6400x32xi32>
    %ne3A_20 = arith.cmpi ne, %rem3A_17, %ne3A_19 : vector<6400x32xi32>
    %and3A = arith.andi %ne3A_16, %ne3A_20 : vector<6400x32xi1>
    %sub3A = arith.constant 1 : i32
    %sub3A_21 = vector.broadcast %sub3A : i32 to vector<6400x32xi32>
    %sub3A_22 = arith.subi %div3A_0, %sub3A_21 : vector<6400x32xi32>
    %select_n3A = arith.select %and3A, %sub3A_22, %div3A_0 : vector<6400x32xi1>, vector<6400x32xi32>
    %iota3A_23 = tpu.iota {dimensions = array<i32: 1>} : vector<6400x32xi32>
    %eq3A = arith.cmpi eq, %select_n3A, %iota3A_23 : vector<6400x32xi32>
    %convert_element_type3A = arith.extui %eq3A : vector<6400x32xi1> to vector<6400x32xi32>
    %convert_element_type3A_24 = arith.sitofp %convert_element_type3A : vector<6400x32xi32> to vector<6400x32xf32>
    %get3A = arith.constant 0 : index
    %get3A_25 = arith.constant 0 : index
    %get3A_26 = arith.constant 0 : index
    %get3A_27 = vector.load %arg4[%get3A, %get3A_25, %get3A_26] : memref<5x128x10xf32, #tpu.memory_space<vmem>>, vector<5x128x10xf32>
    %get3A_28 = arith.constant 0 : index
    %get3A_29 = arith.constant 0 : index
    %get3A_30 = arith.constant 0 : index
    %get3A_31 = vector.load %arg1[%get3A_28, %get3A_29, %get3A_30] : memref<32x200x128xf32, #tpu.memory_space<vmem>>, vector<32x200x128xf32>
    %reshape3A = vector.shape_cast %get3A_31 : vector<32x200x128xf32> to vector<6400x128xf32>
    %get3A_32 = arith.constant 0 : index
    %get3A_33 = arith.constant 0 : index
    %get3A_34 = vector.load %arg3[%get3A_32, %get3A_33] : memref<128x5xf32, #tpu.memory_space<vmem>>, vector<128x5xf32>
    %dot_general3A = arith.constant dense<0.000000e+00> : vector<6400x5xf32>
    %dot_general3A_35 = tpu.matmul %reshape3A, %get3A_34, %dot_general3A {dimension_numbers = #tpu.dot_dimension_numbers<[1], [0], [0], [1], [0, 0, 1, 1], [], []>, transpose_lhs_hint = false} : vector<6400x128xf32>, vector<128x5xf32>, vector<6400x5xf32> -> vector<6400x5xf32>
    %reduce_max3A = arith.constant dense<0xFF800000> : vector<5xf32>
    %reduce_max3A_36 = vector.multi_reduction <maximumf>, %dot_general3A_35, %reduce_max3A [0] : vector<6400x5xf32> to vector<5xf32>
    %broadcast_in_dim3A = vector.shape_cast %reduce_max3A_36 : vector<5xf32> to vector<1x5xf32>
    %sub3A_37 = vector.broadcast %broadcast_in_dim3A : vector<1x5xf32> to vector<6400x5xf32>
    %sub3A_38 = arith.subf %dot_general3A_35, %sub3A_37 : vector<6400x5xf32>
    %exp3A = math.exp %sub3A_38 : vector<6400x5xf32>
    %dot_general3A_39 = arith.constant dense<0.000000e+00> : vector<32x5xf32>
    %dot_general3A_40 = tpu.matmul %convert_element_type3A_24, %exp3A, %dot_general3A_39 {dimension_numbers = #tpu.dot_dimension_numbers<[0], [0], [1], [1], [0, 1, 1, 1], [], []>, transpose_lhs_hint = false} : vector<6400x32xf32>, vector<6400x5xf32>, vector<32x5xf32> -> vector<32x5xf32>
    %div3A_41 = arith.constant 1.000000e+00 : f32
    %div3A_42 = vector.broadcast %div3A_41 : f32 to vector<32x5xf32>
    %div3A_43 = arith.divf %div3A_42, %dot_general3A_40 : vector<32x5xf32>
    %dot_general3A_44 = arith.constant dense<0.000000e+00> : vector<6400x5xf32>
    %dot_general3A_45 = tpu.matmul %convert_element_type3A_24, %div3A_43, %dot_general3A_44 {dimension_numbers = #tpu.dot_dimension_numbers<[1], [0], [0], [1], [0, 0, 1, 1], [], []>, transpose_lhs_hint = false} : vector<6400x32xf32>, vector<32x5xf32>, vector<6400x5xf32> -> vector<6400x5xf32>
    %mul3A = arith.mulf %exp3A, %dot_general3A_45 : vector<6400x5xf32>
    %slice3A = vector.extract_strided_slice %mul3A {offsets = [0, 0], sizes = [6400, 1], strides = [1, 1]} : vector<6400x5xf32> to vector<6400x1xf32>
    %mul3A_46 = vector.broadcast %slice3A : vector<6400x1xf32> to vector<6400x32xf32>
    %mul3A_47 = arith.mulf %convert_element_type3A_24, %mul3A_46 : vector<6400x32xf32>
    %dot_general3A_48 = arith.constant dense<0.000000e+00> : vector<32x128xf32>
    %dot_general3A_49 = tpu.matmul %mul3A_47, %reshape3A, %dot_general3A_48 {dimension_numbers = #tpu.dot_dimension_numbers<[0], [0], [1], [1], [0, 1, 1, 1], [], []>, transpose_lhs_hint = false} : vector<6400x32xf32>, vector<6400x128xf32>, vector<32x128xf32> -> vector<32x128xf32>
    %slice3A_50 = vector.extract_strided_slice %get3A_27 {offsets = [0, 0, 0], sizes = [1, 128, 10], strides = [1, 1, 1]} : vector<5x128x10xf32> to vector<1x128x10xf32>
    %squeeze3A = vector.shape_cast %slice3A_50 : vector<1x128x10xf32> to vector<128x10xf32>
    %dot_general3A_51 = arith.constant dense<0.000000e+00> : vector<32x10xf32>
    %dot_general3A_52 = tpu.matmul %dot_general3A_49, %squeeze3A, %dot_general3A_51 {dimension_numbers = #tpu.dot_dimension_numbers<[1], [0], [0], [1], [0, 0, 1, 1], [], []>, transpose_lhs_hint = false} : vector<32x128xf32>, vector<128x10xf32>, vector<32x10xf32> -> vector<32x10xf32>
    %slice3A_53 = vector.extract_strided_slice %mul3A {offsets = [0, 1], sizes = [6400, 1], strides = [1, 1]} : vector<6400x5xf32> to vector<6400x1xf32>
    %mul3A_54 = vector.broadcast %slice3A_53 : vector<6400x1xf32> to vector<6400x32xf32>
    %mul3A_55 = arith.mulf %convert_element_type3A_24, %mul3A_54 : vector<6400x32xf32>
    %dot_general3A_56 = arith.constant dense<0.000000e+00> : vector<32x128xf32>
    %dot_general3A_57 = tpu.matmul %mul3A_55, %reshape3A, %dot_general3A_56 {dimension_numbers = #tpu.dot_dimension_numbers<[0], [0], [1], [1], [0, 1, 1, 1], [], []>, transpose_lhs_hint = false} : vector<6400x32xf32>, vector<6400x128xf32>, vector<32x128xf32> -> vector<32x128xf32>
    %slice3A_58 = vector.extract_strided_slice %get3A_27 {offsets = [1, 0, 0], sizes = [1, 128, 10], strides = [1, 1, 1]} : vector<5x128x10xf32> to vector<1x128x10xf32>
    %squeeze3A_59 = vector.shape_cast %slice3A_58 : vector<1x128x10xf32> to vector<128x10xf32>
    %dot_general3A_60 = arith.constant dense<0.000000e+00> : vector<32x10xf32>
    %dot_general3A_61 = tpu.matmul %dot_general3A_57, %squeeze3A_59, %dot_general3A_60 {dimension_numbers = #tpu.dot_dimension_numbers<[1], [0], [0], [1], [0, 0, 1, 1], [], []>, transpose_lhs_hint = false} : vector<32x128xf32>, vector<128x10xf32>, vector<32x10xf32> -> vector<32x10xf32>
    %slice3A_62 = vector.extract_strided_slice %mul3A {offsets = [0, 2], sizes = [6400, 1], strides = [1, 1]} : vector<6400x5xf32> to vector<6400x1xf32>
    %mul3A_63 = vector.broadcast %slice3A_62 : vector<6400x1xf32> to vector<6400x32xf32>
    %mul3A_64 = arith.mulf %convert_element_type3A_24, %mul3A_63 : vector<6400x32xf32>
    %dot_general3A_65 = arith.constant dense<0.000000e+00> : vector<32x128xf32>
    %dot_general3A_66 = tpu.matmul %mul3A_64, %reshape3A, %dot_general3A_65 {dimension_numbers = #tpu.dot_dimension_numbers<[0], [0], [1], [1], [0, 1, 1, 1], [], []>, transpose_lhs_hint = false} : vector<6400x32xf32>, vector<6400x128xf32>, vector<32x128xf32> -> vector<32x128xf32>
    %slice3A_67 = vector.extract_strided_slice %get3A_27 {offsets = [2, 0, 0], sizes = [1, 128, 10], strides = [1, 1, 1]} : vector<5x128x10xf32> to vector<1x128x10xf32>
    %squeeze3A_68 = vector.shape_cast %slice3A_67 : vector<1x128x10xf32> to vector<128x10xf32>
    %dot_general3A_69 = arith.constant dense<0.000000e+00> : vector<32x10xf32>
    %dot_general3A_70 = tpu.matmul %dot_general3A_66, %squeeze3A_68, %dot_general3A_69 {dimension_numbers = #tpu.dot_dimension_numbers<[1], [0], [0], [1], [0, 0, 1, 1], [], []>, transpose_lhs_hint = false} : vector<32x128xf32>, vector<128x10xf32>, vector<32x10xf32> -> vector<32x10xf32>
    %slice3A_71 = vector.extract_strided_slice %mul3A {offsets = [0, 3], sizes = [6400, 1], strides = [1, 1]} : vector<6400x5xf32> to vector<6400x1xf32>
    %mul3A_72 = vector.broadcast %slice3A_71 : vector<6400x1xf32> to vector<6400x32xf32>
    %mul3A_73 = arith.mulf %convert_element_type3A_24, %mul3A_72 : vector<6400x32xf32>
    %dot_general3A_74 = arith.constant dense<0.000000e+00> : vector<32x128xf32>
    %dot_general3A_75 = tpu.matmul %mul3A_73, %reshape3A, %dot_general3A_74 {dimension_numbers = #tpu.dot_dimension_numbers<[0], [0], [1], [1], [0, 1, 1, 1], [], []>, transpose_lhs_hint = false} : vector<6400x32xf32>, vector<6400x128xf32>, vector<32x128xf32> -> vector<32x128xf32>
    %slice3A_76 = vector.extract_strided_slice %get3A_27 {offsets = [3, 0, 0], sizes = [1, 128, 10], strides = [1, 1, 1]} : vector<5x128x10xf32> to vector<1x128x10xf32>
    %squeeze3A_77 = vector.shape_cast %slice3A_76 : vector<1x128x10xf32> to vector<128x10xf32>
    %dot_general3A_78 = arith.constant dense<0.000000e+00> : vector<32x10xf32>
    %dot_general3A_79 = tpu.matmul %dot_general3A_75, %squeeze3A_77, %dot_general3A_78 {dimension_numbers = #tpu.dot_dimension_numbers<[1], [0], [0], [1], [0, 0, 1, 1], [], []>, transpose_lhs_hint = false} : vector<32x128xf32>, vector<128x10xf32>, vector<32x10xf32> -> vector<32x10xf32>
    %slice3A_80 = vector.extract_strided_slice %mul3A {offsets = [0, 4], sizes = [6400, 1], strides = [1, 1]} : vector<6400x5xf32> to vector<6400x1xf32>
    %mul3A_81 = vector.broadcast %slice3A_80 : vector<6400x1xf32> to vector<6400x32xf32>
    %mul3A_82 = arith.mulf %convert_element_type3A_24, %mul3A_81 : vector<6400x32xf32>
    %dot_general3A_83 = arith.constant dense<0.000000e+00> : vector<32x128xf32>
    %dot_general3A_84 = tpu.matmul %mul3A_82, %reshape3A, %dot_general3A_83 {dimension_numbers = #tpu.dot_dimension_numbers<[0], [0], [1], [1], [0, 1, 1, 1], [], []>, transpose_lhs_hint = false} : vector<6400x32xf32>, vector<6400x128xf32>, vector<32x128xf32> -> vector<32x128xf32>
    %slice3A_85 = vector.extract_strided_slice %get3A_27 {offsets = [4, 0, 0], sizes = [1, 128, 10], strides = [1, 1, 1]} : vector<5x128x10xf32> to vector<1x128x10xf32>
    %squeeze3A_86 = vector.shape_cast %slice3A_85 : vector<1x128x10xf32> to vector<128x10xf32>
    %dot_general3A_87 = arith.constant dense<0.000000e+00> : vector<32x10xf32>
    %dot_general3A_88 = tpu.matmul %dot_general3A_84, %squeeze3A_86, %dot_general3A_87 {dimension_numbers = #tpu.dot_dimension_numbers<[1], [0], [0], [1], [0, 0, 1, 1], [], []>, transpose_lhs_hint = false} : vector<32x128xf32>, vector<128x10xf32>, vector<32x10xf32> -> vector<32x10xf32>
    %get3A_89 = arith.constant 0 : index
    %get3A_90 = arith.constant 0 : index
    %get3A_91 = arith.constant 0 : index
    %get3A_92 = vector.load %arg2[%get3A_89, %get3A_90, %get3A_91] : memref<32x200x128xf32, #tpu.memory_space<vmem>>, vector<32x200x128xf32>
    %reshape3A_93 = vector.shape_cast %get3A_92 : vector<32x200x128xf32> to vector<6400x128xf32>
    %get3A_94 = arith.constant 0 : index
    %get3A_95 = arith.constant 0 : index
    %get3A_96 = vector.load %arg3[%get3A_94, %get3A_95] : memref<128x5xf32, #tpu.memory_space<vmem>>, vector<128x5xf32>
    %dot_general3A_97 = arith.constant dense<0.000000e+00> : vector<6400x5xf32>
    %dot_general3A_98 = tpu.matmul %reshape3A_93, %get3A_96, %dot_general3A_97 {dimension_numbers = #tpu.dot_dimension_numbers<[1], [0], [0], [1], [0, 0, 1, 1], [], []>, transpose_lhs_hint = false} : vector<6400x128xf32>, vector<128x5xf32>, vector<6400x5xf32> -> vector<6400x5xf32>
    %reduce_max3A_99 = arith.constant dense<0xFF800000> : vector<5xf32>
    %reduce_max3A_100 = vector.multi_reduction <maximumf>, %dot_general3A_98, %reduce_max3A_99 [0] : vector<6400x5xf32> to vector<5xf32>
    %broadcast_in_dim3A_101 = vector.shape_cast %reduce_max3A_100 : vector<5xf32> to vector<1x5xf32>
    %sub3A_102 = vector.broadcast %broadcast_in_dim3A_101 : vector<1x5xf32> to vector<6400x5xf32>
    %sub3A_103 = arith.subf %dot_general3A_98, %sub3A_102 : vector<6400x5xf32>
    %exp3A_104 = math.exp %sub3A_103 : vector<6400x5xf32>
    %dot_general3A_105 = arith.constant dense<0.000000e+00> : vector<32x5xf32>
    %dot_general3A_106 = tpu.matmul %convert_element_type3A_24, %exp3A_104, %dot_general3A_105 {dimension_numbers = #tpu.dot_dimension_numbers<[0], [0], [1], [1], [0, 1, 1, 1], [], []>, transpose_lhs_hint = false} : vector<6400x32xf32>, vector<6400x5xf32>, vector<32x5xf32> -> vector<32x5xf32>
    %div3A_107 = arith.constant 1.000000e+00 : f32
    %div3A_108 = vector.broadcast %div3A_107 : f32 to vector<32x5xf32>
    %div3A_109 = arith.divf %div3A_108, %dot_general3A_106 : vector<32x5xf32>
    %dot_general3A_110 = arith.constant dense<0.000000e+00> : vector<6400x5xf32>
    %dot_general3A_111 = tpu.matmul %convert_element_type3A_24, %div3A_109, %dot_general3A_110 {dimension_numbers = #tpu.dot_dimension_numbers<[1], [0], [0], [1], [0, 0, 1, 1], [], []>, transpose_lhs_hint = false} : vector<6400x32xf32>, vector<32x5xf32>, vector<6400x5xf32> -> vector<6400x5xf32>
    %mul3A_112 = arith.mulf %exp3A_104, %dot_general3A_111 : vector<6400x5xf32>
    %slice3A_113 = vector.extract_strided_slice %mul3A_112 {offsets = [0, 0], sizes = [6400, 1], strides = [1, 1]} : vector<6400x5xf32> to vector<6400x1xf32>
    %mul3A_114 = vector.broadcast %slice3A_113 : vector<6400x1xf32> to vector<6400x32xf32>
    %mul3A_115 = arith.mulf %convert_element_type3A_24, %mul3A_114 : vector<6400x32xf32>
    %dot_general3A_116 = arith.constant dense<0.000000e+00> : vector<32x128xf32>
    %dot_general3A_117 = tpu.matmul %mul3A_115, %reshape3A_93, %dot_general3A_116 {dimension_numbers = #tpu.dot_dimension_numbers<[0], [0], [1], [1], [0, 1, 1, 1], [], []>, transpose_lhs_hint = false} : vector<6400x32xf32>, vector<6400x128xf32>, vector<32x128xf32> -> vector<32x128xf32>
    %slice3A_118 = vector.extract_strided_slice %get3A_27 {offsets = [0, 0, 0], sizes = [1, 128, 10], strides = [1, 1, 1]} : vector<5x128x10xf32> to vector<1x128x10xf32>
    %squeeze3A_119 = vector.shape_cast %slice3A_118 : vector<1x128x10xf32> to vector<128x10xf32>
    %dot_general3A_120 = arith.constant dense<0.000000e+00> : vector<32x10xf32>
    %dot_general3A_121 = tpu.matmul %dot_general3A_117, %squeeze3A_119, %dot_general3A_120 {dimension_numbers = #tpu.dot_dimension_numbers<[1], [0], [0], [1], [0, 0, 1, 1], [], []>, transpose_lhs_hint = false} : vector<32x128xf32>, vector<128x10xf32>, vector<32x10xf32> -> vector<32x10xf32>
    %slice3A_122 = vector.extract_strided_slice %mul3A_112 {offsets = [0, 1], sizes = [6400, 1], strides = [1, 1]} : vector<6400x5xf32> to vector<6400x1xf32>
    %mul3A_123 = vector.broadcast %slice3A_122 : vector<6400x1xf32> to vector<6400x32xf32>
    %mul3A_124 = arith.mulf %convert_element_type3A_24, %mul3A_123 : vector<6400x32xf32>
    %dot_general3A_125 = arith.constant dense<0.000000e+00> : vector<32x128xf32>
    %dot_general3A_126 = tpu.matmul %mul3A_124, %reshape3A_93, %dot_general3A_125 {dimension_numbers = #tpu.dot_dimension_numbers<[0], [0], [1], [1], [0, 1, 1, 1], [], []>, transpose_lhs_hint = false} : vector<6400x32xf32>, vector<6400x128xf32>, vector<32x128xf32> -> vector<32x128xf32>
    %slice3A_127 = vector.extract_strided_slice %get3A_27 {offsets = [1, 0, 0], sizes = [1, 128, 10], strides = [1, 1, 1]} : vector<5x128x10xf32> to vector<1x128x10xf32>
    %squeeze3A_128 = vector.shape_cast %slice3A_127 : vector<1x128x10xf32> to vector<128x10xf32>
    %dot_general3A_129 = arith.constant dense<0.000000e+00> : vector<32x10xf32>
    %dot_general3A_130 = tpu.matmul %dot_general3A_126, %squeeze3A_128, %dot_general3A_129 {dimension_numbers = #tpu.dot_dimension_numbers<[1], [0], [0], [1], [0, 0, 1, 1], [], []>, transpose_lhs_hint = false} : vector<32x128xf32>, vector<128x10xf32>, vector<32x10xf32> -> vector<32x10xf32>
    %slice3A_131 = vector.extract_strided_slice %mul3A_112 {offsets = [0, 2], sizes = [6400, 1], strides = [1, 1]} : vector<6400x5xf32> to vector<6400x1xf32>
    %mul3A_132 = vector.broadcast %slice3A_131 : vector<6400x1xf32> to vector<6400x32xf32>
    %mul3A_133 = arith.mulf %convert_element_type3A_24, %mul3A_132 : vector<6400x32xf32>
    %dot_general3A_134 = arith.constant dense<0.000000e+00> : vector<32x128xf32>
    %dot_general3A_135 = tpu.matmul %mul3A_133, %reshape3A_93, %dot_general3A_134 {dimension_numbers = #tpu.dot_dimension_numbers<[0], [0], [1], [1], [0, 1, 1, 1], [], []>, transpose_lhs_hint = false} : vector<6400x32xf32>, vector<6400x128xf32>, vector<32x128xf32> -> vector<32x128xf32>
    %slice3A_136 = vector.extract_strided_slice %get3A_27 {offsets = [2, 0, 0], sizes = [1, 128, 10], strides = [1, 1, 1]} : vector<5x128x10xf32> to vector<1x128x10xf32>
    %squeeze3A_137 = vector.shape_cast %slice3A_136 : vector<1x128x10xf32> to vector<128x10xf32>
    %dot_general3A_138 = arith.constant dense<0.000000e+00> : vector<32x10xf32>
    %dot_general3A_139 = tpu.matmul %dot_general3A_135, %squeeze3A_137, %dot_general3A_138 {dimension_numbers = #tpu.dot_dimension_numbers<[1], [0], [0], [1], [0, 0, 1, 1], [], []>, transpose_lhs_hint = false} : vector<32x128xf32>, vector<128x10xf32>, vector<32x10xf32> -> vector<32x10xf32>
    %slice3A_140 = vector.extract_strided_slice %mul3A_112 {offsets = [0, 3], sizes = [6400, 1], strides = [1, 1]} : vector<6400x5xf32> to vector<6400x1xf32>
    %mul3A_141 = vector.broadcast %slice3A_140 : vector<6400x1xf32> to vector<6400x32xf32>
    %mul3A_142 = arith.mulf %convert_element_type3A_24, %mul3A_141 : vector<6400x32xf32>
    %dot_general3A_143 = arith.constant dense<0.000000e+00> : vector<32x128xf32>
    %dot_general3A_144 = tpu.matmul %mul3A_142, %reshape3A_93, %dot_general3A_143 {dimension_numbers = #tpu.dot_dimension_numbers<[0], [0], [1], [1], [0, 1, 1, 1], [], []>, transpose_lhs_hint = false} : vector<6400x32xf32>, vector<6400x128xf32>, vector<32x128xf32> -> vector<32x128xf32>
    %slice3A_145 = vector.extract_strided_slice %get3A_27 {offsets = [3, 0, 0], sizes = [1, 128, 10], strides = [1, 1, 1]} : vector<5x128x10xf32> to vector<1x128x10xf32>
    %squeeze3A_146 = vector.shape_cast %slice3A_145 : vector<1x128x10xf32> to vector<128x10xf32>
    %dot_general3A_147 = arith.constant dense<0.000000e+00> : vector<32x10xf32>
    %dot_general3A_148 = tpu.matmul %dot_general3A_144, %squeeze3A_146, %dot_general3A_147 {dimension_numbers = #tpu.dot_dimension_numbers<[1], [0], [0], [1], [0, 0, 1, 1], [], []>, transpose_lhs_hint = false} : vector<32x128xf32>, vector<128x10xf32>, vector<32x10xf32> -> vector<32x10xf32>
    %slice3A_149 = vector.extract_strided_slice %mul3A_112 {offsets = [0, 4], sizes = [6400, 1], strides = [1, 1]} : vector<6400x5xf32> to vector<6400x1xf32>
    %mul3A_150 = vector.broadcast %slice3A_149 : vector<6400x1xf32> to vector<6400x32xf32>
    %mul3A_151 = arith.mulf %convert_element_type3A_24, %mul3A_150 : vector<6400x32xf32>
    %dot_general3A_152 = arith.constant dense<0.000000e+00> : vector<32x128xf32>
    %dot_general3A_153 = tpu.matmul %mul3A_151, %reshape3A_93, %dot_general3A_152 {dimension_numbers = #tpu.dot_dimension_numbers<[0], [0], [1], [1], [0, 1, 1, 1], [], []>, transpose_lhs_hint = false} : vector<6400x32xf32>, vector<6400x128xf32>, vector<32x128xf32> -> vector<32x128xf32>
    %slice3A_154 = vector.extract_strided_slice %get3A_27 {offsets = [4, 0, 0], sizes = [1, 128, 10], strides = [1, 1, 1]} : vector<5x128x10xf32> to vector<1x128x10xf32>
    %squeeze3A_155 = vector.shape_cast %slice3A_154 : vector<1x128x10xf32> to vector<128x10xf32>
    %dot_general3A_156 = arith.constant dense<0.000000e+00> : vector<32x10xf32>
    %dot_general3A_157 = tpu.matmul %dot_general3A_153, %squeeze3A_155, %dot_general3A_156 {dimension_numbers = #tpu.dot_dimension_numbers<[1], [0], [0], [1], [0, 0, 1, 1], [], []>, transpose_lhs_hint = false} : vector<32x128xf32>, vector<128x10xf32>, vector<32x10xf32> -> vector<32x10xf32>
    %get3A_158 = arith.constant 0 : index
    %get3A_159 = arith.constant 0 : index
    %get3A_160 = vector.load %arg5[%get3A_158, %get3A_159] : memref<10x10xf32, #tpu.memory_space<vmem>>, vector<10x10xf32>
    %get3A_161 = arith.constant 0 : index
    %get3A_162 = arith.constant 0 : index
    %get3A_163 = vector.load %arg6[%get3A_161, %get3A_162] : memref<10x50xf32, #tpu.memory_space<vmem>>, vector<10x50xf32>
    %get3A_164 = arith.constant 0 : index
    %get3A_165 = arith.constant 0 : index
    %get3A_166 = vector.load %arg7[%get3A_164, %get3A_165] : memref<10x50xf32, #tpu.memory_space<vmem>>, vector<10x50xf32>
    %dot_general3A_167 = arith.constant dense<0.000000e+00> : vector<32x10xf32>
    %dot_general3A_168 = tpu.matmul %dot_general3A_52, %get3A_160, %dot_general3A_167 {dimension_numbers = #tpu.dot_dimension_numbers<[1], [0], [0], [1], [0, 0, 1, 1], [], []>, transpose_lhs_hint = false} : vector<32x10xf32>, vector<10x10xf32>, vector<32x10xf32> -> vector<32x10xf32>
    %dot_general3A_169 = arith.constant dense<0.000000e+00> : vector<32x10xf32>
    %dot_general3A_170 = tpu.matmul %dot_general3A_61, %get3A_160, %dot_general3A_169 {dimension_numbers = #tpu.dot_dimension_numbers<[1], [0], [0], [1], [0, 0, 1, 1], [], []>, transpose_lhs_hint = false} : vector<32x10xf32>, vector<10x10xf32>, vector<32x10xf32> -> vector<32x10xf32>
    %dot_general3A_171 = arith.constant dense<0.000000e+00> : vector<32x10xf32>
    %dot_general3A_172 = tpu.matmul %dot_general3A_70, %get3A_160, %dot_general3A_171 {dimension_numbers = #tpu.dot_dimension_numbers<[1], [0], [0], [1], [0, 0, 1, 1], [], []>, transpose_lhs_hint = false} : vector<32x10xf32>, vector<10x10xf32>, vector<32x10xf32> -> vector<32x10xf32>
    %dot_general3A_173 = arith.constant dense<0.000000e+00> : vector<32x10xf32>
    %dot_general3A_174 = tpu.matmul %dot_general3A_79, %get3A_160, %dot_general3A_173 {dimension_numbers = #tpu.dot_dimension_numbers<[1], [0], [0], [1], [0, 0, 1, 1], [], []>, transpose_lhs_hint = false} : vector<32x10xf32>, vector<10x10xf32>, vector<32x10xf32> -> vector<32x10xf32>
    %dot_general3A_175 = arith.constant dense<0.000000e+00> : vector<32x10xf32>
    %dot_general3A_176 = tpu.matmul %dot_general3A_88, %get3A_160, %dot_general3A_175 {dimension_numbers = #tpu.dot_dimension_numbers<[1], [0], [0], [1], [0, 0, 1, 1], [], []>, transpose_lhs_hint = false} : vector<32x10xf32>, vector<10x10xf32>, vector<32x10xf32> -> vector<32x10xf32>
    %mul3A_177 = arith.mulf %dot_general3A_168, %dot_general3A_121 : vector<32x10xf32>
    %reduce_sum3A = arith.constant dense<0.000000e+00> : vector<32xf32>
    %reduce_sum3A_178 = vector.multi_reduction <add>, %mul3A_177, %reduce_sum3A [1] : vector<32x10xf32> to vector<32xf32>
    %max3A = arith.constant 0.000000e+00 : f32
    %max3A_179 = vector.broadcast %max3A : f32 to vector<32xf32>
    %max3A_180 = arith.maximumf %reduce_sum3A_178, %max3A_179 : vector<32xf32>
    %mul3A_181 = arith.mulf %dot_general3A_168, %dot_general3A_130 : vector<32x10xf32>
    %reduce_sum3A_182 = arith.constant dense<0.000000e+00> : vector<32xf32>
    %reduce_sum3A_183 = vector.multi_reduction <add>, %mul3A_181, %reduce_sum3A_182 [1] : vector<32x10xf32> to vector<32xf32>
    %max3A_184 = arith.constant 0.000000e+00 : f32
    %max3A_185 = vector.broadcast %max3A_184 : f32 to vector<32xf32>
    %max3A_186 = arith.maximumf %reduce_sum3A_183, %max3A_185 : vector<32xf32>
    %mul3A_187 = arith.mulf %dot_general3A_168, %dot_general3A_139 : vector<32x10xf32>
    %reduce_sum3A_188 = arith.constant dense<0.000000e+00> : vector<32xf32>
    %reduce_sum3A_189 = vector.multi_reduction <add>, %mul3A_187, %reduce_sum3A_188 [1] : vector<32x10xf32> to vector<32xf32>
    %max3A_190 = arith.constant 0.000000e+00 : f32
    %max3A_191 = vector.broadcast %max3A_190 : f32 to vector<32xf32>
    %max3A_192 = arith.maximumf %reduce_sum3A_189, %max3A_191 : vector<32xf32>
    %mul3A_193 = arith.mulf %dot_general3A_168, %dot_general3A_148 : vector<32x10xf32>
    %reduce_sum3A_194 = arith.constant dense<0.000000e+00> : vector<32xf32>
    %reduce_sum3A_195 = vector.multi_reduction <add>, %mul3A_193, %reduce_sum3A_194 [1] : vector<32x10xf32> to vector<32xf32>
    %max3A_196 = arith.constant 0.000000e+00 : f32
    %max3A_197 = vector.broadcast %max3A_196 : f32 to vector<32xf32>
    %max3A_198 = arith.maximumf %reduce_sum3A_195, %max3A_197 : vector<32xf32>
    %mul3A_199 = arith.mulf %dot_general3A_168, %dot_general3A_157 : vector<32x10xf32>
    %reduce_sum3A_200 = arith.constant dense<0.000000e+00> : vector<32xf32>
    %reduce_sum3A_201 = vector.multi_reduction <add>, %mul3A_199, %reduce_sum3A_200 [1] : vector<32x10xf32> to vector<32xf32>
    %max3A_202 = arith.constant 0.000000e+00 : f32
    %max3A_203 = vector.broadcast %max3A_202 : f32 to vector<32xf32>
    %max3A_204 = arith.maximumf %reduce_sum3A_201, %max3A_203 : vector<32xf32>
    %mul3A_205 = arith.mulf %dot_general3A_170, %dot_general3A_121 : vector<32x10xf32>
    %reduce_sum3A_206 = arith.constant dense<0.000000e+00> : vector<32xf32>
    %reduce_sum3A_207 = vector.multi_reduction <add>, %mul3A_205, %reduce_sum3A_206 [1] : vector<32x10xf32> to vector<32xf32>
    %max3A_208 = arith.constant 0.000000e+00 : f32
    %max3A_209 = vector.broadcast %max3A_208 : f32 to vector<32xf32>
    %max3A_210 = arith.maximumf %reduce_sum3A_207, %max3A_209 : vector<32xf32>
    %mul3A_211 = arith.mulf %dot_general3A_170, %dot_general3A_130 : vector<32x10xf32>
    %reduce_sum3A_212 = arith.constant dense<0.000000e+00> : vector<32xf32>
    %reduce_sum3A_213 = vector.multi_reduction <add>, %mul3A_211, %reduce_sum3A_212 [1] : vector<32x10xf32> to vector<32xf32>
    %max3A_214 = arith.constant 0.000000e+00 : f32
    %max3A_215 = vector.broadcast %max3A_214 : f32 to vector<32xf32>
    %max3A_216 = arith.maximumf %reduce_sum3A_213, %max3A_215 : vector<32xf32>
    %mul3A_217 = arith.mulf %dot_general3A_170, %dot_general3A_139 : vector<32x10xf32>
    %reduce_sum3A_218 = arith.constant dense<0.000000e+00> : vector<32xf32>
    %reduce_sum3A_219 = vector.multi_reduction <add>, %mul3A_217, %reduce_sum3A_218 [1] : vector<32x10xf32> to vector<32xf32>
    %max3A_220 = arith.constant 0.000000e+00 : f32
    %max3A_221 = vector.broadcast %max3A_220 : f32 to vector<32xf32>
    %max3A_222 = arith.maximumf %reduce_sum3A_219, %max3A_221 : vector<32xf32>
    %mul3A_223 = arith.mulf %dot_general3A_170, %dot_general3A_148 : vector<32x10xf32>
    %reduce_sum3A_224 = arith.constant dense<0.000000e+00> : vector<32xf32>
    %reduce_sum3A_225 = vector.multi_reduction <add>, %mul3A_223, %reduce_sum3A_224 [1] : vector<32x10xf32> to vector<32xf32>
    %max3A_226 = arith.constant 0.000000e+00 : f32
    %max3A_227 = vector.broadcast %max3A_226 : f32 to vector<32xf32>
    %max3A_228 = arith.maximumf %reduce_sum3A_225, %max3A_227 : vector<32xf32>
    %mul3A_229 = arith.mulf %dot_general3A_170, %dot_general3A_157 : vector<32x10xf32>
    %reduce_sum3A_230 = arith.constant dense<0.000000e+00> : vector<32xf32>
    %reduce_sum3A_231 = vector.multi_reduction <add>, %mul3A_229, %reduce_sum3A_230 [1] : vector<32x10xf32> to vector<32xf32>
    %max3A_232 = arith.constant 0.000000e+00 : f32
    %max3A_233 = vector.broadcast %max3A_232 : f32 to vector<32xf32>
    %max3A_234 = arith.maximumf %reduce_sum3A_231, %max3A_233 : vector<32xf32>
    %mul3A_235 = arith.mulf %dot_general3A_172, %dot_general3A_121 : vector<32x10xf32>
    %reduce_sum3A_236 = arith.constant dense<0.000000e+00> : vector<32xf32>
    %reduce_sum3A_237 = vector.multi_reduction <add>, %mul3A_235, %reduce_sum3A_236 [1] : vector<32x10xf32> to vector<32xf32>
    %max3A_238 = arith.constant 0.000000e+00 : f32
    %max3A_239 = vector.broadcast %max3A_238 : f32 to vector<32xf32>
    %max3A_240 = arith.maximumf %reduce_sum3A_237, %max3A_239 : vector<32xf32>
    %mul3A_241 = arith.mulf %dot_general3A_172, %dot_general3A_130 : vector<32x10xf32>
    %reduce_sum3A_242 = arith.constant dense<0.000000e+00> : vector<32xf32>
    %reduce_sum3A_243 = vector.multi_reduction <add>, %mul3A_241, %reduce_sum3A_242 [1] : vector<32x10xf32> to vector<32xf32>
    %max3A_244 = arith.constant 0.000000e+00 : f32
    %max3A_245 = vector.broadcast %max3A_244 : f32 to vector<32xf32>
    %max3A_246 = arith.maximumf %reduce_sum3A_243, %max3A_245 : vector<32xf32>
    %mul3A_247 = arith.mulf %dot_general3A_172, %dot_general3A_139 : vector<32x10xf32>
    %reduce_sum3A_248 = arith.constant dense<0.000000e+00> : vector<32xf32>
    %reduce_sum3A_249 = vector.multi_reduction <add>, %mul3A_247, %reduce_sum3A_248 [1] : vector<32x10xf32> to vector<32xf32>
    %max3A_250 = arith.constant 0.000000e+00 : f32
    %max3A_251 = vector.broadcast %max3A_250 : f32 to vector<32xf32>
    %max3A_252 = arith.maximumf %reduce_sum3A_249, %max3A_251 : vector<32xf32>
    %mul3A_253 = arith.mulf %dot_general3A_172, %dot_general3A_148 : vector<32x10xf32>
    %reduce_sum3A_254 = arith.constant dense<0.000000e+00> : vector<32xf32>
    %reduce_sum3A_255 = vector.multi_reduction <add>, %mul3A_253, %reduce_sum3A_254 [1] : vector<32x10xf32> to vector<32xf32>
    %max3A_256 = arith.constant 0.000000e+00 : f32
    %max3A_257 = vector.broadcast %max3A_256 : f32 to vector<32xf32>
    %max3A_258 = arith.maximumf %reduce_sum3A_255, %max3A_257 : vector<32xf32>
    %mul3A_259 = arith.mulf %dot_general3A_172, %dot_general3A_157 : vector<32x10xf32>
    %reduce_sum3A_260 = arith.constant dense<0.000000e+00> : vector<32xf32>
    %reduce_sum3A_261 = vector.multi_reduction <add>, %mul3A_259, %reduce_sum3A_260 [1] : vector<32x10xf32> to vector<32xf32>
    %max3A_262 = arith.constant 0.000000e+00 : f32
    %max3A_263 = vector.broadcast %max3A_262 : f32 to vector<32xf32>
    %max3A_264 = arith.maximumf %reduce_sum3A_261, %max3A_263 : vector<32xf32>
    %mul3A_265 = arith.mulf %dot_general3A_174, %dot_general3A_121 : vector<32x10xf32>
    %reduce_sum3A_266 = arith.constant dense<0.000000e+00> : vector<32xf32>
    %reduce_sum3A_267 = vector.multi_reduction <add>, %mul3A_265, %reduce_sum3A_266 [1] : vector<32x10xf32> to vector<32xf32>
    %max3A_268 = arith.constant 0.000000e+00 : f32
    %max3A_269 = vector.broadcast %max3A_268 : f32 to vector<32xf32>
    %max3A_270 = arith.maximumf %reduce_sum3A_267, %max3A_269 : vector<32xf32>
    %mul3A_271 = arith.mulf %dot_general3A_174, %dot_general3A_130 : vector<32x10xf32>
    %reduce_sum3A_272 = arith.constant dense<0.000000e+00> : vector<32xf32>
    %reduce_sum3A_273 = vector.multi_reduction <add>, %mul3A_271, %reduce_sum3A_272 [1] : vector<32x10xf32> to vector<32xf32>
    %max3A_274 = arith.constant 0.000000e+00 : f32
    %max3A_275 = vector.broadcast %max3A_274 : f32 to vector<32xf32>
    %max3A_276 = arith.maximumf %reduce_sum3A_273, %max3A_275 : vector<32xf32>
    %mul3A_277 = arith.mulf %dot_general3A_174, %dot_general3A_139 : vector<32x10xf32>
    %reduce_sum3A_278 = arith.constant dense<0.000000e+00> : vector<32xf32>
    %reduce_sum3A_279 = vector.multi_reduction <add>, %mul3A_277, %reduce_sum3A_278 [1] : vector<32x10xf32> to vector<32xf32>
    %max3A_280 = arith.constant 0.000000e+00 : f32
    %max3A_281 = vector.broadcast %max3A_280 : f32 to vector<32xf32>
    %max3A_282 = arith.maximumf %reduce_sum3A_279, %max3A_281 : vector<32xf32>
    %mul3A_283 = arith.mulf %dot_general3A_174, %dot_general3A_148 : vector<32x10xf32>
    %reduce_sum3A_284 = arith.constant dense<0.000000e+00> : vector<32xf32>
    %reduce_sum3A_285 = vector.multi_reduction <add>, %mul3A_283, %reduce_sum3A_284 [1] : vector<32x10xf32> to vector<32xf32>
    %max3A_286 = arith.constant 0.000000e+00 : f32
    %max3A_287 = vector.broadcast %max3A_286 : f32 to vector<32xf32>
    %max3A_288 = arith.maximumf %reduce_sum3A_285, %max3A_287 : vector<32xf32>
    %mul3A_289 = arith.mulf %dot_general3A_174, %dot_general3A_157 : vector<32x10xf32>
    %reduce_sum3A_290 = arith.constant dense<0.000000e+00> : vector<32xf32>
    %reduce_sum3A_291 = vector.multi_reduction <add>, %mul3A_289, %reduce_sum3A_290 [1] : vector<32x10xf32> to vector<32xf32>
    %max3A_292 = arith.constant 0.000000e+00 : f32
    %max3A_293 = vector.broadcast %max3A_292 : f32 to vector<32xf32>
    %max3A_294 = arith.maximumf %reduce_sum3A_291, %max3A_293 : vector<32xf32>
    %mul3A_295 = arith.mulf %dot_general3A_176, %dot_general3A_121 : vector<32x10xf32>
    %reduce_sum3A_296 = arith.constant dense<0.000000e+00> : vector<32xf32>
    %reduce_sum3A_297 = vector.multi_reduction <add>, %mul3A_295, %reduce_sum3A_296 [1] : vector<32x10xf32> to vector<32xf32>
    %max3A_298 = arith.constant 0.000000e+00 : f32
    %max3A_299 = vector.broadcast %max3A_298 : f32 to vector<32xf32>
    %max3A_300 = arith.maximumf %reduce_sum3A_297, %max3A_299 : vector<32xf32>
    %mul3A_301 = arith.mulf %dot_general3A_176, %dot_general3A_130 : vector<32x10xf32>
    %reduce_sum3A_302 = arith.constant dense<0.000000e+00> : vector<32xf32>
    %reduce_sum3A_303 = vector.multi_reduction <add>, %mul3A_301, %reduce_sum3A_302 [1] : vector<32x10xf32> to vector<32xf32>
    %max3A_304 = arith.constant 0.000000e+00 : f32
    %max3A_305 = vector.broadcast %max3A_304 : f32 to vector<32xf32>
    %max3A_306 = arith.maximumf %reduce_sum3A_303, %max3A_305 : vector<32xf32>
    %mul3A_307 = arith.mulf %dot_general3A_176, %dot_general3A_139 : vector<32x10xf32>
    %reduce_sum3A_308 = arith.constant dense<0.000000e+00> : vector<32xf32>
    %reduce_sum3A_309 = vector.multi_reduction <add>, %mul3A_307, %reduce_sum3A_308 [1] : vector<32x10xf32> to vector<32xf32>
    %max3A_310 = arith.constant 0.000000e+00 : f32
    %max3A_311 = vector.broadcast %max3A_310 : f32 to vector<32xf32>
    %max3A_312 = arith.maximumf %reduce_sum3A_309, %max3A_311 : vector<32xf32>
    %mul3A_313 = arith.mulf %dot_general3A_176, %dot_general3A_148 : vector<32x10xf32>
    %reduce_sum3A_314 = arith.constant dense<0.000000e+00> : vector<32xf32>
    %reduce_sum3A_315 = vector.multi_reduction <add>, %mul3A_313, %reduce_sum3A_314 [1] : vector<32x10xf32> to vector<32xf32>
    %max3A_316 = arith.constant 0.000000e+00 : f32
    %max3A_317 = vector.broadcast %max3A_316 : f32 to vector<32xf32>
    %max3A_318 = arith.maximumf %reduce_sum3A_315, %max3A_317 : vector<32xf32>
    %mul3A_319 = arith.mulf %dot_general3A_176, %dot_general3A_157 : vector<32x10xf32>
    %reduce_sum3A_320 = arith.constant dense<0.000000e+00> : vector<32xf32>
    %reduce_sum3A_321 = vector.multi_reduction <add>, %mul3A_319, %reduce_sum3A_320 [1] : vector<32x10xf32> to vector<32xf32>
    %max3A_322 = arith.constant 0.000000e+00 : f32
    %max3A_323 = vector.broadcast %max3A_322 : f32 to vector<32xf32>
    %max3A_324 = arith.maximumf %reduce_sum3A_321, %max3A_323 : vector<32xf32>
    %dot_general3A_325 = arith.constant dense<0.000000e+00> : vector<32x50xf32>
    %dot_general3A_326 = tpu.matmul %dot_general3A_52, %get3A_163, %dot_general3A_325 {dimension_numbers = #tpu.dot_dimension_numbers<[1], [0], [0], [1], [0, 0, 1, 1], [], []>, transpose_lhs_hint = false} : vector<32x10xf32>, vector<10x50xf32>, vector<32x50xf32> -> vector<32x50xf32>
    %dot_general3A_327 = arith.constant dense<0.000000e+00> : vector<32x50xf32>
    %dot_general3A_328 = tpu.matmul %dot_general3A_61, %get3A_163, %dot_general3A_327 {dimension_numbers = #tpu.dot_dimension_numbers<[1], [0], [0], [1], [0, 0, 1, 1], [], []>, transpose_lhs_hint = false} : vector<32x10xf32>, vector<10x50xf32>, vector<32x50xf32> -> vector<32x50xf32>
    %dot_general3A_329 = arith.constant dense<0.000000e+00> : vector<32x50xf32>
    %dot_general3A_330 = tpu.matmul %dot_general3A_70, %get3A_163, %dot_general3A_329 {dimension_numbers = #tpu.dot_dimension_numbers<[1], [0], [0], [1], [0, 0, 1, 1], [], []>, transpose_lhs_hint = false} : vector<32x10xf32>, vector<10x50xf32>, vector<32x50xf32> -> vector<32x50xf32>
    %dot_general3A_331 = arith.constant dense<0.000000e+00> : vector<32x50xf32>
    %dot_general3A_332 = tpu.matmul %dot_general3A_79, %get3A_163, %dot_general3A_331 {dimension_numbers = #tpu.dot_dimension_numbers<[1], [0], [0], [1], [0, 0, 1, 1], [], []>, transpose_lhs_hint = false} : vector<32x10xf32>, vector<10x50xf32>, vector<32x50xf32> -> vector<32x50xf32>
    %dot_general3A_333 = arith.constant dense<0.000000e+00> : vector<32x50xf32>
    %dot_general3A_334 = tpu.matmul %dot_general3A_88, %get3A_163, %dot_general3A_333 {dimension_numbers = #tpu.dot_dimension_numbers<[1], [0], [0], [1], [0, 0, 1, 1], [], []>, transpose_lhs_hint = false} : vector<32x10xf32>, vector<10x50xf32>, vector<32x50xf32> -> vector<32x50xf32>
    %dot_general3A_335 = arith.constant dense<0.000000e+00> : vector<32x50xf32>
    %dot_general3A_336 = tpu.matmul %dot_general3A_121, %get3A_166, %dot_general3A_335 {dimension_numbers = #tpu.dot_dimension_numbers<[1], [0], [0], [1], [0, 0, 1, 1], [], []>, transpose_lhs_hint = false} : vector<32x10xf32>, vector<10x50xf32>, vector<32x50xf32> -> vector<32x50xf32>
    %dot_general3A_337 = arith.constant dense<0.000000e+00> : vector<32x50xf32>
    %dot_general3A_338 = tpu.matmul %dot_general3A_130, %get3A_166, %dot_general3A_337 {dimension_numbers = #tpu.dot_dimension_numbers<[1], [0], [0], [1], [0, 0, 1, 1], [], []>, transpose_lhs_hint = false} : vector<32x10xf32>, vector<10x50xf32>, vector<32x50xf32> -> vector<32x50xf32>
    %dot_general3A_339 = arith.constant dense<0.000000e+00> : vector<32x50xf32>
    %dot_general3A_340 = tpu.matmul %dot_general3A_139, %get3A_166, %dot_general3A_339 {dimension_numbers = #tpu.dot_dimension_numbers<[1], [0], [0], [1], [0, 0, 1, 1], [], []>, transpose_lhs_hint = false} : vector<32x10xf32>, vector<10x50xf32>, vector<32x50xf32> -> vector<32x50xf32>
    %dot_general3A_341 = arith.constant dense<0.000000e+00> : vector<32x50xf32>
    %dot_general3A_342 = tpu.matmul %dot_general3A_148, %get3A_166, %dot_general3A_341 {dimension_numbers = #tpu.dot_dimension_numbers<[1], [0], [0], [1], [0, 0, 1, 1], [], []>, transpose_lhs_hint = false} : vector<32x10xf32>, vector<10x50xf32>, vector<32x50xf32> -> vector<32x50xf32>
    %dot_general3A_343 = arith.constant dense<0.000000e+00> : vector<32x50xf32>
    %dot_general3A_344 = tpu.matmul %dot_general3A_157, %get3A_166, %dot_general3A_343 {dimension_numbers = #tpu.dot_dimension_numbers<[1], [0], [0], [1], [0, 0, 1, 1], [], []>, transpose_lhs_hint = false} : vector<32x10xf32>, vector<10x50xf32>, vector<32x50xf32> -> vector<32x50xf32>
    %get3A_345 = arith.constant 0 : index
    %get3A_346 = arith.constant 0 : index
    %get3A_347 = vector.load %arg8[%get3A_345, %get3A_346] : memref<1x50xf32, #tpu.memory_space<vmem>>, vector<1x50xf32>
    %get3A_348 = vector.shape_cast %get3A_347 : vector<1x50xf32> to vector<50xf32>
    %get3A_349 = arith.constant 0 : index
    %get3A_350 = arith.constant 0 : index
    %get3A_351 = vector.load %arg9[%get3A_349, %get3A_350] : memref<1x50xf32, #tpu.memory_space<vmem>>, vector<1x50xf32>
    %get3A_352 = vector.shape_cast %get3A_351 : vector<1x50xf32> to vector<50xf32>
    %broadcast_in_dim3A_353 = vector.shape_cast %max3A_180 : vector<32xf32> to vector<32x1xf32>
    %mul3A_354 = vector.broadcast %broadcast_in_dim3A_353 : vector<32x1xf32> to vector<32x50xf32>
    %mul3A_355 = arith.mulf %mul3A_354, %dot_general3A_336 : vector<32x50xf32>
    %add3A = arith.constant 0.000000e+00 : f32
    %add3A_356 = vector.broadcast %add3A : f32 to vector<32x50xf32>
    %add3A_357 = arith.addf %add3A_356, %mul3A_355 : vector<32x50xf32>
    %broadcast_in_dim3A_358 = vector.shape_cast %max3A_186 : vector<32xf32> to vector<32x1xf32>
    %mul3A_359 = vector.broadcast %broadcast_in_dim3A_358 : vector<32x1xf32> to vector<32x50xf32>
    %mul3A_360 = arith.mulf %mul3A_359, %dot_general3A_338 : vector<32x50xf32>
    %add3A_361 = arith.addf %add3A_357, %mul3A_360 : vector<32x50xf32>
    %broadcast_in_dim3A_362 = vector.shape_cast %max3A_192 : vector<32xf32> to vector<32x1xf32>
    %mul3A_363 = vector.broadcast %broadcast_in_dim3A_362 : vector<32x1xf32> to vector<32x50xf32>
    %mul3A_364 = arith.mulf %mul3A_363, %dot_general3A_340 : vector<32x50xf32>
    %add3A_365 = arith.addf %add3A_361, %mul3A_364 : vector<32x50xf32>
    %broadcast_in_dim3A_366 = vector.shape_cast %max3A_198 : vector<32xf32> to vector<32x1xf32>
    %mul3A_367 = vector.broadcast %broadcast_in_dim3A_366 : vector<32x1xf32> to vector<32x50xf32>
    %mul3A_368 = arith.mulf %mul3A_367, %dot_general3A_342 : vector<32x50xf32>
    %add3A_369 = arith.addf %add3A_365, %mul3A_368 : vector<32x50xf32>
    %broadcast_in_dim3A_370 = vector.shape_cast %max3A_204 : vector<32xf32> to vector<32x1xf32>
    %mul3A_371 = vector.broadcast %broadcast_in_dim3A_370 : vector<32x1xf32> to vector<32x50xf32>
    %mul3A_372 = arith.mulf %mul3A_371, %dot_general3A_344 : vector<32x50xf32>
    %add3A_373 = arith.addf %add3A_369, %mul3A_372 : vector<32x50xf32>
    %add3A_374 = arith.addf %dot_general3A_326, %add3A_373 : vector<32x50xf32>
    %max3A_375 = arith.constant 0.000000e+00 : f32
    %max3A_376 = vector.broadcast %max3A_375 : f32 to vector<32x50xf32>
    %max3A_377 = arith.maximumf %add3A_374, %max3A_376 : vector<32x50xf32>
    %broadcast_in_dim3A_378 = vector.shape_cast %get3A_348 : vector<50xf32> to vector<1x50xf32>
    %mul3A_379 = vector.broadcast %broadcast_in_dim3A_378 : vector<1x50xf32> to vector<32x50xf32>
    %mul3A_380 = arith.mulf %max3A_377, %mul3A_379 : vector<32x50xf32>
    %reduce_sum3A_381 = arith.constant dense<0.000000e+00> : vector<32xf32>
    %reduce_sum3A_382 = vector.multi_reduction <add>, %mul3A_380, %reduce_sum3A_381 [1] : vector<32x50xf32> to vector<32xf32>
    %broadcast_in_dim3A_383 = vector.shape_cast %max3A_210 : vector<32xf32> to vector<32x1xf32>
    %mul3A_384 = vector.broadcast %broadcast_in_dim3A_383 : vector<32x1xf32> to vector<32x50xf32>
    %mul3A_385 = arith.mulf %mul3A_384, %dot_general3A_336 : vector<32x50xf32>
    %add3A_386 = arith.constant 0.000000e+00 : f32
    %add3A_387 = vector.broadcast %add3A_386 : f32 to vector<32x50xf32>
    %add3A_388 = arith.addf %add3A_387, %mul3A_385 : vector<32x50xf32>
    %broadcast_in_dim3A_389 = vector.shape_cast %max3A_216 : vector<32xf32> to vector<32x1xf32>
    %mul3A_390 = vector.broadcast %broadcast_in_dim3A_389 : vector<32x1xf32> to vector<32x50xf32>
    %mul3A_391 = arith.mulf %mul3A_390, %dot_general3A_338 : vector<32x50xf32>
    %add3A_392 = arith.addf %add3A_388, %mul3A_391 : vector<32x50xf32>
    %broadcast_in_dim3A_393 = vector.shape_cast %max3A_222 : vector<32xf32> to vector<32x1xf32>
    %mul3A_394 = vector.broadcast %broadcast_in_dim3A_393 : vector<32x1xf32> to vector<32x50xf32>
    %mul3A_395 = arith.mulf %mul3A_394, %dot_general3A_340 : vector<32x50xf32>
    %add3A_396 = arith.addf %add3A_392, %mul3A_395 : vector<32x50xf32>
    %broadcast_in_dim3A_397 = vector.shape_cast %max3A_228 : vector<32xf32> to vector<32x1xf32>
    %mul3A_398 = vector.broadcast %broadcast_in_dim3A_397 : vector<32x1xf32> to vector<32x50xf32>
    %mul3A_399 = arith.mulf %mul3A_398, %dot_general3A_342 : vector<32x50xf32>
    %add3A_400 = arith.addf %add3A_396, %mul3A_399 : vector<32x50xf32>
    %broadcast_in_dim3A_401 = vector.shape_cast %max3A_234 : vector<32xf32> to vector<32x1xf32>
    %mul3A_402 = vector.broadcast %broadcast_in_dim3A_401 : vector<32x1xf32> to vector<32x50xf32>
    %mul3A_403 = arith.mulf %mul3A_402, %dot_general3A_344 : vector<32x50xf32>
    %add3A_404 = arith.addf %add3A_400, %mul3A_403 : vector<32x50xf32>
    %add3A_405 = arith.addf %dot_general3A_328, %add3A_404 : vector<32x50xf32>
    %max3A_406 = arith.constant 0.000000e+00 : f32
    %max3A_407 = vector.broadcast %max3A_406 : f32 to vector<32x50xf32>
    %max3A_408 = arith.maximumf %add3A_405, %max3A_407 : vector<32x50xf32>
    %broadcast_in_dim3A_409 = vector.shape_cast %get3A_348 : vector<50xf32> to vector<1x50xf32>
    %mul3A_410 = vector.broadcast %broadcast_in_dim3A_409 : vector<1x50xf32> to vector<32x50xf32>
    %mul3A_411 = arith.mulf %max3A_408, %mul3A_410 : vector<32x50xf32>
    %reduce_sum3A_412 = arith.constant dense<0.000000e+00> : vector<32xf32>
    %reduce_sum3A_413 = vector.multi_reduction <add>, %mul3A_411, %reduce_sum3A_412 [1] : vector<32x50xf32> to vector<32xf32>
    %broadcast_in_dim3A_414 = vector.shape_cast %max3A_240 : vector<32xf32> to vector<32x1xf32>
    %mul3A_415 = vector.broadcast %broadcast_in_dim3A_414 : vector<32x1xf32> to vector<32x50xf32>
    %mul3A_416 = arith.mulf %mul3A_415, %dot_general3A_336 : vector<32x50xf32>
    %add3A_417 = arith.constant 0.000000e+00 : f32
    %add3A_418 = vector.broadcast %add3A_417 : f32 to vector<32x50xf32>
    %add3A_419 = arith.addf %add3A_418, %mul3A_416 : vector<32x50xf32>
    %broadcast_in_dim3A_420 = vector.shape_cast %max3A_246 : vector<32xf32> to vector<32x1xf32>
    %mul3A_421 = vector.broadcast %broadcast_in_dim3A_420 : vector<32x1xf32> to vector<32x50xf32>
    %mul3A_422 = arith.mulf %mul3A_421, %dot_general3A_338 : vector<32x50xf32>
    %add3A_423 = arith.addf %add3A_419, %mul3A_422 : vector<32x50xf32>
    %broadcast_in_dim3A_424 = vector.shape_cast %max3A_252 : vector<32xf32> to vector<32x1xf32>
    %mul3A_425 = vector.broadcast %broadcast_in_dim3A_424 : vector<32x1xf32> to vector<32x50xf32>
    %mul3A_426 = arith.mulf %mul3A_425, %dot_general3A_340 : vector<32x50xf32>
    %add3A_427 = arith.addf %add3A_423, %mul3A_426 : vector<32x50xf32>
    %broadcast_in_dim3A_428 = vector.shape_cast %max3A_258 : vector<32xf32> to vector<32x1xf32>
    %mul3A_429 = vector.broadcast %broadcast_in_dim3A_428 : vector<32x1xf32> to vector<32x50xf32>
    %mul3A_430 = arith.mulf %mul3A_429, %dot_general3A_342 : vector<32x50xf32>
    %add3A_431 = arith.addf %add3A_427, %mul3A_430 : vector<32x50xf32>
    %broadcast_in_dim3A_432 = vector.shape_cast %max3A_264 : vector<32xf32> to vector<32x1xf32>
    %mul3A_433 = vector.broadcast %broadcast_in_dim3A_432 : vector<32x1xf32> to vector<32x50xf32>
    %mul3A_434 = arith.mulf %mul3A_433, %dot_general3A_344 : vector<32x50xf32>
    %add3A_435 = arith.addf %add3A_431, %mul3A_434 : vector<32x50xf32>
    %add3A_436 = arith.addf %dot_general3A_330, %add3A_435 : vector<32x50xf32>
    %max3A_437 = arith.constant 0.000000e+00 : f32
    %max3A_438 = vector.broadcast %max3A_437 : f32 to vector<32x50xf32>
    %max3A_439 = arith.maximumf %add3A_436, %max3A_438 : vector<32x50xf32>
    %broadcast_in_dim3A_440 = vector.shape_cast %get3A_348 : vector<50xf32> to vector<1x50xf32>
    %mul3A_441 = vector.broadcast %broadcast_in_dim3A_440 : vector<1x50xf32> to vector<32x50xf32>
    %mul3A_442 = arith.mulf %max3A_439, %mul3A_441 : vector<32x50xf32>
    %reduce_sum3A_443 = arith.constant dense<0.000000e+00> : vector<32xf32>
    %reduce_sum3A_444 = vector.multi_reduction <add>, %mul3A_442, %reduce_sum3A_443 [1] : vector<32x50xf32> to vector<32xf32>
    %broadcast_in_dim3A_445 = vector.shape_cast %max3A_270 : vector<32xf32> to vector<32x1xf32>
    %mul3A_446 = vector.broadcast %broadcast_in_dim3A_445 : vector<32x1xf32> to vector<32x50xf32>
    %mul3A_447 = arith.mulf %mul3A_446, %dot_general3A_336 : vector<32x50xf32>
    %add3A_448 = arith.constant 0.000000e+00 : f32
    %add3A_449 = vector.broadcast %add3A_448 : f32 to vector<32x50xf32>
    %add3A_450 = arith.addf %add3A_449, %mul3A_447 : vector<32x50xf32>
    %broadcast_in_dim3A_451 = vector.shape_cast %max3A_276 : vector<32xf32> to vector<32x1xf32>
    %mul3A_452 = vector.broadcast %broadcast_in_dim3A_451 : vector<32x1xf32> to vector<32x50xf32>
    %mul3A_453 = arith.mulf %mul3A_452, %dot_general3A_338 : vector<32x50xf32>
    %add3A_454 = arith.addf %add3A_450, %mul3A_453 : vector<32x50xf32>
    %broadcast_in_dim3A_455 = vector.shape_cast %max3A_282 : vector<32xf32> to vector<32x1xf32>
    %mul3A_456 = vector.broadcast %broadcast_in_dim3A_455 : vector<32x1xf32> to vector<32x50xf32>
    %mul3A_457 = arith.mulf %mul3A_456, %dot_general3A_340 : vector<32x50xf32>
    %add3A_458 = arith.addf %add3A_454, %mul3A_457 : vector<32x50xf32>
    %broadcast_in_dim3A_459 = vector.shape_cast %max3A_288 : vector<32xf32> to vector<32x1xf32>
    %mul3A_460 = vector.broadcast %broadcast_in_dim3A_459 : vector<32x1xf32> to vector<32x50xf32>
    %mul3A_461 = arith.mulf %mul3A_460, %dot_general3A_342 : vector<32x50xf32>
    %add3A_462 = arith.addf %add3A_458, %mul3A_461 : vector<32x50xf32>
    %broadcast_in_dim3A_463 = vector.shape_cast %max3A_294 : vector<32xf32> to vector<32x1xf32>
    %mul3A_464 = vector.broadcast %broadcast_in_dim3A_463 : vector<32x1xf32> to vector<32x50xf32>
    %mul3A_465 = arith.mulf %mul3A_464, %dot_general3A_344 : vector<32x50xf32>
    %add3A_466 = arith.addf %add3A_462, %mul3A_465 : vector<32x50xf32>
    %add3A_467 = arith.addf %dot_general3A_332, %add3A_466 : vector<32x50xf32>
    %max3A_468 = arith.constant 0.000000e+00 : f32
    %max3A_469 = vector.broadcast %max3A_468 : f32 to vector<32x50xf32>
    %max3A_470 = arith.maximumf %add3A_467, %max3A_469 : vector<32x50xf32>
    %broadcast_in_dim3A_471 = vector.shape_cast %get3A_348 : vector<50xf32> to vector<1x50xf32>
    %mul3A_472 = vector.broadcast %broadcast_in_dim3A_471 : vector<1x50xf32> to vector<32x50xf32>
    %mul3A_473 = arith.mulf %max3A_470, %mul3A_472 : vector<32x50xf32>
    %reduce_sum3A_474 = arith.constant dense<0.000000e+00> : vector<32xf32>
    %reduce_sum3A_475 = vector.multi_reduction <add>, %mul3A_473, %reduce_sum3A_474 [1] : vector<32x50xf32> to vector<32xf32>
    %broadcast_in_dim3A_476 = vector.shape_cast %max3A_300 : vector<32xf32> to vector<32x1xf32>
    %mul3A_477 = vector.broadcast %broadcast_in_dim3A_476 : vector<32x1xf32> to vector<32x50xf32>
    %mul3A_478 = arith.mulf %mul3A_477, %dot_general3A_336 : vector<32x50xf32>
    %add3A_479 = arith.constant 0.000000e+00 : f32
    %add3A_480 = vector.broadcast %add3A_479 : f32 to vector<32x50xf32>
    %add3A_481 = arith.addf %add3A_480, %mul3A_478 : vector<32x50xf32>
    %broadcast_in_dim3A_482 = vector.shape_cast %max3A_306 : vector<32xf32> to vector<32x1xf32>
    %mul3A_483 = vector.broadcast %broadcast_in_dim3A_482 : vector<32x1xf32> to vector<32x50xf32>
    %mul3A_484 = arith.mulf %mul3A_483, %dot_general3A_338 : vector<32x50xf32>
    %add3A_485 = arith.addf %add3A_481, %mul3A_484 : vector<32x50xf32>
    %broadcast_in_dim3A_486 = vector.shape_cast %max3A_312 : vector<32xf32> to vector<32x1xf32>
    %mul3A_487 = vector.broadcast %broadcast_in_dim3A_486 : vector<32x1xf32> to vector<32x50xf32>
    %mul3A_488 = arith.mulf %mul3A_487, %dot_general3A_340 : vector<32x50xf32>
    %add3A_489 = arith.addf %add3A_485, %mul3A_488 : vector<32x50xf32>
    %broadcast_in_dim3A_490 = vector.shape_cast %max3A_318 : vector<32xf32> to vector<32x1xf32>
    %mul3A_491 = vector.broadcast %broadcast_in_dim3A_490 : vector<32x1xf32> to vector<32x50xf32>
    %mul3A_492 = arith.mulf %mul3A_491, %dot_general3A_342 : vector<32x50xf32>
    %add3A_493 = arith.addf %add3A_489, %mul3A_492 : vector<32x50xf32>
    %broadcast_in_dim3A_494 = vector.shape_cast %max3A_324 : vector<32xf32> to vector<32x1xf32>
    %mul3A_495 = vector.broadcast %broadcast_in_dim3A_494 : vector<32x1xf32> to vector<32x50xf32>
    %mul3A_496 = arith.mulf %mul3A_495, %dot_general3A_344 : vector<32x50xf32>
    %add3A_497 = arith.addf %add3A_493, %mul3A_496 : vector<32x50xf32>
    %add3A_498 = arith.addf %dot_general3A_334, %add3A_497 : vector<32x50xf32>
    %max3A_499 = arith.constant 0.000000e+00 : f32
    %max3A_500 = vector.broadcast %max3A_499 : f32 to vector<32x50xf32>
    %max3A_501 = arith.maximumf %add3A_498, %max3A_500 : vector<32x50xf32>
    %broadcast_in_dim3A_502 = vector.shape_cast %get3A_348 : vector<50xf32> to vector<1x50xf32>
    %mul3A_503 = vector.broadcast %broadcast_in_dim3A_502 : vector<1x50xf32> to vector<32x50xf32>
    %mul3A_504 = arith.mulf %max3A_501, %mul3A_503 : vector<32x50xf32>
    %reduce_sum3A_505 = arith.constant dense<0.000000e+00> : vector<32xf32>
    %reduce_sum3A_506 = vector.multi_reduction <add>, %mul3A_504, %reduce_sum3A_505 [1] : vector<32x50xf32> to vector<32xf32>
    %broadcast_in_dim3A_507 = vector.shape_cast %max3A_180 : vector<32xf32> to vector<32x1xf32>
    %mul3A_508 = vector.broadcast %broadcast_in_dim3A_507 : vector<32x1xf32> to vector<32x50xf32>
    %mul3A_509 = arith.mulf %mul3A_508, %dot_general3A_326 : vector<32x50xf32>
    %add3A_510 = arith.constant 0.000000e+00 : f32
    %add3A_511 = vector.broadcast %add3A_510 : f32 to vector<32x50xf32>
    %add3A_512 = arith.addf %add3A_511, %mul3A_509 : vector<32x50xf32>
    %broadcast_in_dim3A_513 = vector.shape_cast %max3A_210 : vector<32xf32> to vector<32x1xf32>
    %mul3A_514 = vector.broadcast %broadcast_in_dim3A_513 : vector<32x1xf32> to vector<32x50xf32>
    %mul3A_515 = arith.mulf %mul3A_514, %dot_general3A_328 : vector<32x50xf32>
    %add3A_516 = arith.addf %add3A_512, %mul3A_515 : vector<32x50xf32>
    %broadcast_in_dim3A_517 = vector.shape_cast %max3A_240 : vector<32xf32> to vector<32x1xf32>
    %mul3A_518 = vector.broadcast %broadcast_in_dim3A_517 : vector<32x1xf32> to vector<32x50xf32>
    %mul3A_519 = arith.mulf %mul3A_518, %dot_general3A_330 : vector<32x50xf32>
    %add3A_520 = arith.addf %add3A_516, %mul3A_519 : vector<32x50xf32>
    %broadcast_in_dim3A_521 = vector.shape_cast %max3A_270 : vector<32xf32> to vector<32x1xf32>
    %mul3A_522 = vector.broadcast %broadcast_in_dim3A_521 : vector<32x1xf32> to vector<32x50xf32>
    %mul3A_523 = arith.mulf %mul3A_522, %dot_general3A_332 : vector<32x50xf32>
    %add3A_524 = arith.addf %add3A_520, %mul3A_523 : vector<32x50xf32>
    %broadcast_in_dim3A_525 = vector.shape_cast %max3A_300 : vector<32xf32> to vector<32x1xf32>
    %mul3A_526 = vector.broadcast %broadcast_in_dim3A_525 : vector<32x1xf32> to vector<32x50xf32>
    %mul3A_527 = arith.mulf %mul3A_526, %dot_general3A_334 : vector<32x50xf32>
    %add3A_528 = arith.addf %add3A_524, %mul3A_527 : vector<32x50xf32>
    %add3A_529 = arith.addf %dot_general3A_336, %add3A_528 : vector<32x50xf32>
    %max3A_530 = arith.constant 0.000000e+00 : f32
    %max3A_531 = vector.broadcast %max3A_530 : f32 to vector<32x50xf32>
    %max3A_532 = arith.maximumf %add3A_529, %max3A_531 : vector<32x50xf32>
    %broadcast_in_dim3A_533 = vector.shape_cast %get3A_352 : vector<50xf32> to vector<1x50xf32>
    %mul3A_534 = vector.broadcast %broadcast_in_dim3A_533 : vector<1x50xf32> to vector<32x50xf32>
    %mul3A_535 = arith.mulf %max3A_532, %mul3A_534 : vector<32x50xf32>
    %reduce_sum3A_536 = arith.constant dense<0.000000e+00> : vector<32xf32>
    %reduce_sum3A_537 = vector.multi_reduction <add>, %mul3A_535, %reduce_sum3A_536 [1] : vector<32x50xf32> to vector<32xf32>
    %broadcast_in_dim3A_538 = vector.shape_cast %max3A_186 : vector<32xf32> to vector<32x1xf32>
    %mul3A_539 = vector.broadcast %broadcast_in_dim3A_538 : vector<32x1xf32> to vector<32x50xf32>
    %mul3A_540 = arith.mulf %mul3A_539, %dot_general3A_326 : vector<32x50xf32>
    %add3A_541 = arith.constant 0.000000e+00 : f32
    %add3A_542 = vector.broadcast %add3A_541 : f32 to vector<32x50xf32>
    %add3A_543 = arith.addf %add3A_542, %mul3A_540 : vector<32x50xf32>
    %broadcast_in_dim3A_544 = vector.shape_cast %max3A_216 : vector<32xf32> to vector<32x1xf32>
    %mul3A_545 = vector.broadcast %broadcast_in_dim3A_544 : vector<32x1xf32> to vector<32x50xf32>
    %mul3A_546 = arith.mulf %mul3A_545, %dot_general3A_328 : vector<32x50xf32>
    %add3A_547 = arith.addf %add3A_543, %mul3A_546 : vector<32x50xf32>
    %broadcast_in_dim3A_548 = vector.shape_cast %max3A_246 : vector<32xf32> to vector<32x1xf32>
    %mul3A_549 = vector.broadcast %broadcast_in_dim3A_548 : vector<32x1xf32> to vector<32x50xf32>
    %mul3A_550 = arith.mulf %mul3A_549, %dot_general3A_330 : vector<32x50xf32>
    %add3A_551 = arith.addf %add3A_547, %mul3A_550 : vector<32x50xf32>
    %broadcast_in_dim3A_552 = vector.shape_cast %max3A_276 : vector<32xf32> to vector<32x1xf32>
    %mul3A_553 = vector.broadcast %broadcast_in_dim3A_552 : vector<32x1xf32> to vector<32x50xf32>
    %mul3A_554 = arith.mulf %mul3A_553, %dot_general3A_332 : vector<32x50xf32>
    %add3A_555 = arith.addf %add3A_551, %mul3A_554 : vector<32x50xf32>
    %broadcast_in_dim3A_556 = vector.shape_cast %max3A_306 : vector<32xf32> to vector<32x1xf32>
    %mul3A_557 = vector.broadcast %broadcast_in_dim3A_556 : vector<32x1xf32> to vector<32x50xf32>
    %mul3A_558 = arith.mulf %mul3A_557, %dot_general3A_334 : vector<32x50xf32>
    %add3A_559 = arith.addf %add3A_555, %mul3A_558 : vector<32x50xf32>
    %add3A_560 = arith.addf %dot_general3A_338, %add3A_559 : vector<32x50xf32>
    %max3A_561 = arith.constant 0.000000e+00 : f32
    %max3A_562 = vector.broadcast %max3A_561 : f32 to vector<32x50xf32>
    %max3A_563 = arith.maximumf %add3A_560, %max3A_562 : vector<32x50xf32>
    %broadcast_in_dim3A_564 = vector.shape_cast %get3A_352 : vector<50xf32> to vector<1x50xf32>
    %mul3A_565 = vector.broadcast %broadcast_in_dim3A_564 : vector<1x50xf32> to vector<32x50xf32>
    %mul3A_566 = arith.mulf %max3A_563, %mul3A_565 : vector<32x50xf32>
    %reduce_sum3A_567 = arith.constant dense<0.000000e+00> : vector<32xf32>
    %reduce_sum3A_568 = vector.multi_reduction <add>, %mul3A_566, %reduce_sum3A_567 [1] : vector<32x50xf32> to vector<32xf32>
    %broadcast_in_dim3A_569 = vector.shape_cast %max3A_192 : vector<32xf32> to vector<32x1xf32>
    %mul3A_570 = vector.broadcast %broadcast_in_dim3A_569 : vector<32x1xf32> to vector<32x50xf32>
    %mul3A_571 = arith.mulf %mul3A_570, %dot_general3A_326 : vector<32x50xf32>
    %add3A_572 = arith.constant 0.000000e+00 : f32
    %add3A_573 = vector.broadcast %add3A_572 : f32 to vector<32x50xf32>
    %add3A_574 = arith.addf %add3A_573, %mul3A_571 : vector<32x50xf32>
    %broadcast_in_dim3A_575 = vector.shape_cast %max3A_222 : vector<32xf32> to vector<32x1xf32>
    %mul3A_576 = vector.broadcast %broadcast_in_dim3A_575 : vector<32x1xf32> to vector<32x50xf32>
    %mul3A_577 = arith.mulf %mul3A_576, %dot_general3A_328 : vector<32x50xf32>
    %add3A_578 = arith.addf %add3A_574, %mul3A_577 : vector<32x50xf32>
    %broadcast_in_dim3A_579 = vector.shape_cast %max3A_252 : vector<32xf32> to vector<32x1xf32>
    %mul3A_580 = vector.broadcast %broadcast_in_dim3A_579 : vector<32x1xf32> to vector<32x50xf32>
    %mul3A_581 = arith.mulf %mul3A_580, %dot_general3A_330 : vector<32x50xf32>
    %add3A_582 = arith.addf %add3A_578, %mul3A_581 : vector<32x50xf32>
    %broadcast_in_dim3A_583 = vector.shape_cast %max3A_282 : vector<32xf32> to vector<32x1xf32>
    %mul3A_584 = vector.broadcast %broadcast_in_dim3A_583 : vector<32x1xf32> to vector<32x50xf32>
    %mul3A_585 = arith.mulf %mul3A_584, %dot_general3A_332 : vector<32x50xf32>
    %add3A_586 = arith.addf %add3A_582, %mul3A_585 : vector<32x50xf32>
    %broadcast_in_dim3A_587 = vector.shape_cast %max3A_312 : vector<32xf32> to vector<32x1xf32>
    %mul3A_588 = vector.broadcast %broadcast_in_dim3A_587 : vector<32x1xf32> to vector<32x50xf32>
    %mul3A_589 = arith.mulf %mul3A_588, %dot_general3A_334 : vector<32x50xf32>
    %add3A_590 = arith.addf %add3A_586, %mul3A_589 : vector<32x50xf32>
    %add3A_591 = arith.addf %dot_general3A_340, %add3A_590 : vector<32x50xf32>
    %max3A_592 = arith.constant 0.000000e+00 : f32
    %max3A_593 = vector.broadcast %max3A_592 : f32 to vector<32x50xf32>
    %max3A_594 = arith.maximumf %add3A_591, %max3A_593 : vector<32x50xf32>
    %broadcast_in_dim3A_595 = vector.shape_cast %get3A_352 : vector<50xf32> to vector<1x50xf32>
    %mul3A_596 = vector.broadcast %broadcast_in_dim3A_595 : vector<1x50xf32> to vector<32x50xf32>
    %mul3A_597 = arith.mulf %max3A_594, %mul3A_596 : vector<32x50xf32>
    %reduce_sum3A_598 = arith.constant dense<0.000000e+00> : vector<32xf32>
    %reduce_sum3A_599 = vector.multi_reduction <add>, %mul3A_597, %reduce_sum3A_598 [1] : vector<32x50xf32> to vector<32xf32>
    %broadcast_in_dim3A_600 = vector.shape_cast %max3A_198 : vector<32xf32> to vector<32x1xf32>
    %mul3A_601 = vector.broadcast %broadcast_in_dim3A_600 : vector<32x1xf32> to vector<32x50xf32>
    %mul3A_602 = arith.mulf %mul3A_601, %dot_general3A_326 : vector<32x50xf32>
    %add3A_603 = arith.constant 0.000000e+00 : f32
    %add3A_604 = vector.broadcast %add3A_603 : f32 to vector<32x50xf32>
    %add3A_605 = arith.addf %add3A_604, %mul3A_602 : vector<32x50xf32>
    %broadcast_in_dim3A_606 = vector.shape_cast %max3A_228 : vector<32xf32> to vector<32x1xf32>
    %mul3A_607 = vector.broadcast %broadcast_in_dim3A_606 : vector<32x1xf32> to vector<32x50xf32>
    %mul3A_608 = arith.mulf %mul3A_607, %dot_general3A_328 : vector<32x50xf32>
    %add3A_609 = arith.addf %add3A_605, %mul3A_608 : vector<32x50xf32>
    %broadcast_in_dim3A_610 = vector.shape_cast %max3A_258 : vector<32xf32> to vector<32x1xf32>
    %mul3A_611 = vector.broadcast %broadcast_in_dim3A_610 : vector<32x1xf32> to vector<32x50xf32>
    %mul3A_612 = arith.mulf %mul3A_611, %dot_general3A_330 : vector<32x50xf32>
    %add3A_613 = arith.addf %add3A_609, %mul3A_612 : vector<32x50xf32>
    %broadcast_in_dim3A_614 = vector.shape_cast %max3A_288 : vector<32xf32> to vector<32x1xf32>
    %mul3A_615 = vector.broadcast %broadcast_in_dim3A_614 : vector<32x1xf32> to vector<32x50xf32>
    %mul3A_616 = arith.mulf %mul3A_615, %dot_general3A_332 : vector<32x50xf32>
    %add3A_617 = arith.addf %add3A_613, %mul3A_616 : vector<32x50xf32>
    %broadcast_in_dim3A_618 = vector.shape_cast %max3A_318 : vector<32xf32> to vector<32x1xf32>
    %mul3A_619 = vector.broadcast %broadcast_in_dim3A_618 : vector<32x1xf32> to vector<32x50xf32>
    %mul3A_620 = arith.mulf %mul3A_619, %dot_general3A_334 : vector<32x50xf32>
    %add3A_621 = arith.addf %add3A_617, %mul3A_620 : vector<32x50xf32>
    %add3A_622 = arith.addf %dot_general3A_342, %add3A_621 : vector<32x50xf32>
    %max3A_623 = arith.constant 0.000000e+00 : f32
    %max3A_624 = vector.broadcast %max3A_623 : f32 to vector<32x50xf32>
    %max3A_625 = arith.maximumf %add3A_622, %max3A_624 : vector<32x50xf32>
    %broadcast_in_dim3A_626 = vector.shape_cast %get3A_352 : vector<50xf32> to vector<1x50xf32>
    %mul3A_627 = vector.broadcast %broadcast_in_dim3A_626 : vector<1x50xf32> to vector<32x50xf32>
    %mul3A_628 = arith.mulf %max3A_625, %mul3A_627 : vector<32x50xf32>
    %reduce_sum3A_629 = arith.constant dense<0.000000e+00> : vector<32xf32>
    %reduce_sum3A_630 = vector.multi_reduction <add>, %mul3A_628, %reduce_sum3A_629 [1] : vector<32x50xf32> to vector<32xf32>
    %broadcast_in_dim3A_631 = vector.shape_cast %max3A_204 : vector<32xf32> to vector<32x1xf32>
    %mul3A_632 = vector.broadcast %broadcast_in_dim3A_631 : vector<32x1xf32> to vector<32x50xf32>
    %mul3A_633 = arith.mulf %mul3A_632, %dot_general3A_326 : vector<32x50xf32>
    %add3A_634 = arith.constant 0.000000e+00 : f32
    %add3A_635 = vector.broadcast %add3A_634 : f32 to vector<32x50xf32>
    %add3A_636 = arith.addf %add3A_635, %mul3A_633 : vector<32x50xf32>
    %broadcast_in_dim3A_637 = vector.shape_cast %max3A_234 : vector<32xf32> to vector<32x1xf32>
    %mul3A_638 = vector.broadcast %broadcast_in_dim3A_637 : vector<32x1xf32> to vector<32x50xf32>
    %mul3A_639 = arith.mulf %mul3A_638, %dot_general3A_328 : vector<32x50xf32>
    %add3A_640 = arith.addf %add3A_636, %mul3A_639 : vector<32x50xf32>
    %broadcast_in_dim3A_641 = vector.shape_cast %max3A_264 : vector<32xf32> to vector<32x1xf32>
    %mul3A_642 = vector.broadcast %broadcast_in_dim3A_641 : vector<32x1xf32> to vector<32x50xf32>
    %mul3A_643 = arith.mulf %mul3A_642, %dot_general3A_330 : vector<32x50xf32>
    %add3A_644 = arith.addf %add3A_640, %mul3A_643 : vector<32x50xf32>
    %broadcast_in_dim3A_645 = vector.shape_cast %max3A_294 : vector<32xf32> to vector<32x1xf32>
    %mul3A_646 = vector.broadcast %broadcast_in_dim3A_645 : vector<32x1xf32> to vector<32x50xf32>
    %mul3A_647 = arith.mulf %mul3A_646, %dot_general3A_332 : vector<32x50xf32>
    %add3A_648 = arith.addf %add3A_644, %mul3A_647 : vector<32x50xf32>
    %broadcast_in_dim3A_649 = vector.shape_cast %max3A_324 : vector<32xf32> to vector<32x1xf32>
    %mul3A_650 = vector.broadcast %broadcast_in_dim3A_649 : vector<32x1xf32> to vector<32x50xf32>
    %mul3A_651 = arith.mulf %mul3A_650, %dot_general3A_334 : vector<32x50xf32>
    %add3A_652 = arith.addf %add3A_648, %mul3A_651 : vector<32x50xf32>
    %add3A_653 = arith.addf %dot_general3A_344, %add3A_652 : vector<32x50xf32>
    %max3A_654 = arith.constant 0.000000e+00 : f32
    %max3A_655 = vector.broadcast %max3A_654 : f32 to vector<32x50xf32>
    %max3A_656 = arith.maximumf %add3A_653, %max3A_655 : vector<32x50xf32>
    %broadcast_in_dim3A_657 = vector.shape_cast %get3A_352 : vector<50xf32> to vector<1x50xf32>
    %mul3A_658 = vector.broadcast %broadcast_in_dim3A_657 : vector<1x50xf32> to vector<32x50xf32>
    %mul3A_659 = arith.mulf %max3A_656, %mul3A_658 : vector<32x50xf32>
    %reduce_sum3A_660 = arith.constant dense<0.000000e+00> : vector<32xf32>
    %reduce_sum3A_661 = vector.multi_reduction <add>, %mul3A_659, %reduce_sum3A_660 [1] : vector<32x50xf32> to vector<32xf32>
    %max3A_662 = arith.maximumf %reduce_sum3A_382, %reduce_sum3A_413 : vector<32xf32>
    %max3A_663 = arith.maximumf %max3A_662, %reduce_sum3A_444 : vector<32xf32>
    %max3A_664 = arith.maximumf %max3A_663, %reduce_sum3A_475 : vector<32xf32>
    %max3A_665 = arith.maximumf %max3A_664, %reduce_sum3A_506 : vector<32xf32>
    %sub3A_666 = arith.subf %reduce_sum3A_382, %max3A_665 : vector<32xf32>
    %exp3A_667 = math.exp %sub3A_666 : vector<32xf32>
    %sub3A_668 = arith.subf %reduce_sum3A_413, %max3A_665 : vector<32xf32>
    %exp3A_669 = math.exp %sub3A_668 : vector<32xf32>
    %sub3A_670 = arith.subf %reduce_sum3A_444, %max3A_665 : vector<32xf32>
    %exp3A_671 = math.exp %sub3A_670 : vector<32xf32>
    %sub3A_672 = arith.subf %reduce_sum3A_475, %max3A_665 : vector<32xf32>
    %exp3A_673 = math.exp %sub3A_672 : vector<32xf32>
    %sub3A_674 = arith.subf %reduce_sum3A_506, %max3A_665 : vector<32xf32>
    %exp3A_675 = math.exp %sub3A_674 : vector<32xf32>
    %add3A_676 = arith.constant 0.000000e+00 : f32
    %add3A_677 = vector.broadcast %add3A_676 : f32 to vector<32xf32>
    %add3A_678 = arith.addf %add3A_677, %exp3A_667 : vector<32xf32>
    %add3A_679 = arith.addf %add3A_678, %exp3A_669 : vector<32xf32>
    %add3A_680 = arith.addf %add3A_679, %exp3A_671 : vector<32xf32>
    %add3A_681 = arith.addf %add3A_680, %exp3A_673 : vector<32xf32>
    %add3A_682 = arith.addf %add3A_681, %exp3A_675 : vector<32xf32>
    %div3A_683 = arith.divf %exp3A_667, %add3A_682 : vector<32xf32>
    %div3A_684 = arith.divf %exp3A_669, %add3A_682 : vector<32xf32>
    %div3A_685 = arith.divf %exp3A_671, %add3A_682 : vector<32xf32>
    %div3A_686 = arith.divf %exp3A_673, %add3A_682 : vector<32xf32>
    %div3A_687 = arith.divf %exp3A_675, %add3A_682 : vector<32xf32>
    %max3A_688 = arith.maximumf %reduce_sum3A_537, %reduce_sum3A_568 : vector<32xf32>
    %max3A_689 = arith.maximumf %max3A_688, %reduce_sum3A_599 : vector<32xf32>
    %max3A_690 = arith.maximumf %max3A_689, %reduce_sum3A_630 : vector<32xf32>
    %max3A_691 = arith.maximumf %max3A_690, %reduce_sum3A_661 : vector<32xf32>
    %sub3A_692 = arith.subf %reduce_sum3A_537, %max3A_691 : vector<32xf32>
    %exp3A_693 = math.exp %sub3A_692 : vector<32xf32>
    %sub3A_694 = arith.subf %reduce_sum3A_568, %max3A_691 : vector<32xf32>
    %exp3A_695 = math.exp %sub3A_694 : vector<32xf32>
    %sub3A_696 = arith.subf %reduce_sum3A_599, %max3A_691 : vector<32xf32>
    %exp3A_697 = math.exp %sub3A_696 : vector<32xf32>
    %sub3A_698 = arith.subf %reduce_sum3A_630, %max3A_691 : vector<32xf32>
    %exp3A_699 = math.exp %sub3A_698 : vector<32xf32>
    %sub3A_700 = arith.subf %reduce_sum3A_661, %max3A_691 : vector<32xf32>
    %exp3A_701 = math.exp %sub3A_700 : vector<32xf32>
    %add3A_702 = arith.constant 0.000000e+00 : f32
    %add3A_703 = vector.broadcast %add3A_702 : f32 to vector<32xf32>
    %add3A_704 = arith.addf %add3A_703, %exp3A_693 : vector<32xf32>
    %add3A_705 = arith.addf %add3A_704, %exp3A_695 : vector<32xf32>
    %add3A_706 = arith.addf %add3A_705, %exp3A_697 : vector<32xf32>
    %add3A_707 = arith.addf %add3A_706, %exp3A_699 : vector<32xf32>
    %add3A_708 = arith.addf %add3A_707, %exp3A_701 : vector<32xf32>
    %div3A_709 = arith.divf %exp3A_693, %add3A_708 : vector<32xf32>
    %div3A_710 = arith.divf %exp3A_695, %add3A_708 : vector<32xf32>
    %div3A_711 = arith.divf %exp3A_697, %add3A_708 : vector<32xf32>
    %div3A_712 = arith.divf %exp3A_699, %add3A_708 : vector<32xf32>
    %div3A_713 = arith.divf %exp3A_701, %add3A_708 : vector<32xf32>
    %mul3A_714 = arith.mulf %dot_general3A_52, %dot_general3A_121 : vector<32x10xf32>
    %reduce_sum3A_715 = arith.constant dense<0.000000e+00> : vector<32xf32>
    %reduce_sum3A_716 = vector.multi_reduction <add>, %mul3A_714, %reduce_sum3A_715 [1] : vector<32x10xf32> to vector<32xf32>
    %mul3A_717 = arith.mulf %dot_general3A_61, %dot_general3A_130 : vector<32x10xf32>
    %reduce_sum3A_718 = arith.constant dense<0.000000e+00> : vector<32xf32>
    %reduce_sum3A_719 = vector.multi_reduction <add>, %mul3A_717, %reduce_sum3A_718 [1] : vector<32x10xf32> to vector<32xf32>
    %mul3A_720 = arith.mulf %dot_general3A_70, %dot_general3A_139 : vector<32x10xf32>
    %reduce_sum3A_721 = arith.constant dense<0.000000e+00> : vector<32xf32>
    %reduce_sum3A_722 = vector.multi_reduction <add>, %mul3A_720, %reduce_sum3A_721 [1] : vector<32x10xf32> to vector<32xf32>
    %mul3A_723 = arith.mulf %dot_general3A_79, %dot_general3A_148 : vector<32x10xf32>
    %reduce_sum3A_724 = arith.constant dense<0.000000e+00> : vector<32xf32>
    %reduce_sum3A_725 = vector.multi_reduction <add>, %mul3A_723, %reduce_sum3A_724 [1] : vector<32x10xf32> to vector<32xf32>
    %mul3A_726 = arith.mulf %dot_general3A_88, %dot_general3A_157 : vector<32x10xf32>
    %reduce_sum3A_727 = arith.constant dense<0.000000e+00> : vector<32xf32>
    %reduce_sum3A_728 = vector.multi_reduction <add>, %mul3A_726, %reduce_sum3A_727 [1] : vector<32x10xf32> to vector<32xf32>
    %mul3A_729 = arith.mulf %div3A_683, %div3A_709 : vector<32xf32>
    %mul3A_730 = arith.mulf %mul3A_729, %reduce_sum3A_716 : vector<32xf32>
    %add3A_731 = arith.constant 0.000000e+00 : f32
    %add3A_732 = vector.broadcast %add3A_731 : f32 to vector<32xf32>
    %add3A_733 = arith.addf %add3A_732, %mul3A_730 : vector<32xf32>
    %mul3A_734 = arith.mulf %div3A_684, %div3A_710 : vector<32xf32>
    %mul3A_735 = arith.mulf %mul3A_734, %reduce_sum3A_719 : vector<32xf32>
    %add3A_736 = arith.addf %add3A_733, %mul3A_735 : vector<32xf32>
    %mul3A_737 = arith.mulf %div3A_685, %div3A_711 : vector<32xf32>
    %mul3A_738 = arith.mulf %mul3A_737, %reduce_sum3A_722 : vector<32xf32>
    %add3A_739 = arith.addf %add3A_736, %mul3A_738 : vector<32xf32>
    %mul3A_740 = arith.mulf %div3A_686, %div3A_712 : vector<32xf32>
    %mul3A_741 = arith.mulf %mul3A_740, %reduce_sum3A_725 : vector<32xf32>
    %add3A_742 = arith.addf %add3A_739, %mul3A_741 : vector<32xf32>
    %mul3A_743 = arith.mulf %div3A_687, %div3A_713 : vector<32xf32>
    %mul3A_744 = arith.mulf %mul3A_743, %reduce_sum3A_728 : vector<32xf32>
    %add3A_745 = arith.addf %add3A_742, %mul3A_744 : vector<32xf32>
    %broadcast_in_dim3A_746 = vector.shape_cast %add3A_745 : vector<32xf32> to vector<32x1xf32>
    %get3A_747 = arith.constant 0 : index
    %get3A_748 = arith.constant 0 : index
    %get3A_749 = vector.load %arg10[%get3A_747, %get3A_748] : memref<32x1xf32, #tpu.memory_space<vmem>>, vector<32x1xf32>
    %add3A_750 = arith.addf %broadcast_in_dim3A_746, %get3A_749 : vector<32x1xf32>
    %get3A_751 = arith.constant 0 : index
    %get3A_752 = arith.constant 0 : index
    %get3A_753 = vector.load %arg11[%get3A_751, %get3A_752] : memref<32x1xf32, #tpu.memory_space<vmem>>, vector<32x1xf32>
    %add3A_754 = arith.addf %add3A_750, %get3A_753 : vector<32x1xf32>
    %get3A_755 = arith.constant 0 : index
    %get3A_756 = arith.constant 0 : index
    %get3A_757 = vector.load %arg12[%get3A_755, %get3A_756] : memref<1x1xf32, #tpu.memory_space<vmem>>, vector<1x1xf32>
    %get3A_758 = vector.extract %get3A_757[0, 0] : f32 from vector<1x1xf32>
    %add3A_759 = vector.broadcast %get3A_758 : f32 to vector<32x1xf32>
    %add3A_760 = arith.addf %add3A_754, %add3A_759 : vector<32x1xf32>
    %swap3A = arith.constant 0 : index
    %swap3A_761 = arith.constant 0 : index
    %swap3A_762 = vector.load %arg13[%swap3A, %swap3A_761] : memref<32x1xf32, #tpu.memory_space<vmem>>, vector<32x1xf32>
    tpu.vector_store %arg13[%swap3A, %swap3A_761], %add3A_760 {strides = array<i32>} : memref<32x1xf32, #tpu.memory_space<vmem>>, vector<32x1xf32>,
    return
  }
  func.func @transform_0(%arg0: i32) -> (i32, i32, i32) {
    %c0_i32 = arith.constant 0 : i32
    %c0_i32_0 = arith.constant 0 : i32
    %c0_i32_1 = arith.constant 0 : i32
    return %arg0, %c0_i32, %c0_i32_0 : i32, i32, i32
  }
  func.func @transform_1(%arg0: i32) -> (i32, i32, i32) {
    %c0_i32 = arith.constant 0 : i32
    %c0_i32_0 = arith.constant 0 : i32
    %c0_i32_1 = arith.constant 0 : i32
    return %arg0, %c0_i32, %c0_i32_0 : i32, i32, i32
  }
  func.func @transform_2(%arg0: i32) -> (i32, i32) {
    %c0_i32 = arith.constant 0 : i32
    %c0_i32_0 = arith.constant 0 : i32
    %c0_i32_1 = arith.constant 0 : i32
    return %c0_i32, %c0_i32_0 : i32, i32
  }
  func.func @transform_3(%arg0: i32) -> (i32, i32, i32) {
    %c0_i32 = arith.constant 0 : i32
    %c0_i32_0 = arith.constant 0 : i32
    %c0_i32_1 = arith.constant 0 : i32
    %c0_i32_2 = arith.constant 0 : i32
    return %c0_i32, %c0_i32_0, %c0_i32_1 : i32, i32, i32
  }
  func.func @transform_4(%arg0: i32) -> (i32, i32) {
    %c0_i32 = arith.constant 0 : i32
    %c0_i32_0 = arith.constant 0 : i32
    %c0_i32_1 = arith.constant 0 : i32
    return %c0_i32, %c0_i32_0 : i32, i32
  }
  func.func @transform_5(%arg0: i32) -> (i32, i32) {
    %c0_i32 = arith.constant 0 : i32
    %c0_i32_0 = arith.constant 0 : i32
    %c0_i32_1 = arith.constant 0 : i32
    return %c0_i32, %c0_i32_0 : i32, i32
  }
  func.func @transform_6(%arg0: i32) -> (i32, i32) {
    %c0_i32 = arith.constant 0 : i32
    %c0_i32_0 = arith.constant 0 : i32
    %c0_i32_1 = arith.constant 0 : i32
    return %c0_i32, %c0_i32_0 : i32, i32
  }
  func.func @transform_7(%arg0: i32) -> (i32, i32) {
    %c0_i32 = arith.constant 0 : i32
    %c0_i32_0 = arith.constant 0 : i32
    %c0_i32_1 = arith.constant 0 : i32
    return %c0_i32, %c0_i32_0 : i32, i32
  }
  func.func @transform_8(%arg0: i32) -> (i32, i32) {
    %c0_i32 = arith.constant 0 : i32
    %c0_i32_0 = arith.constant 0 : i32
    %c0_i32_1 = arith.constant 0 : i32
    return %c0_i32, %c0_i32_0 : i32, i32
  }
  func.func @transform_9(%arg0: i32) -> (i32, i32) {
    %c0_i32 = arith.constant 0 : i32
    %c0_i32_0 = arith.constant 0 : i32
    return %arg0, %c0_i32 : i32, i32
  }
  func.func @transform_10(%arg0: i32) -> (i32, i32) {
    %c0_i32 = arith.constant 0 : i32
    %c0_i32_0 = arith.constant 0 : i32
    return %arg0, %c0_i32 : i32, i32
  }
  func.func @transform_11(%arg0: i32) -> (i32, i32) {
    %c0_i32 = arith.constant 0 : i32
    %c0_i32_0 = arith.constant 0 : i32
    %c0_i32_1 = arith.constant 0 : i32
    return %c0_i32, %c0_i32_0 : i32, i32
  }
  func.func @transform_12(%arg0: i32) -> (i32, i32) {
    %c0_i32 = arith.constant 0 : i32
    %c0_i32_0 = arith.constant 0 : i32
    return %arg0, %c0_i32 : i32, i32
  }
}

</mosaic_0001>

<sc_bundles>
// kernel: _kernel_impl.5.cloned.1.call-start
scs
__scs_entry_jumppad:
0x0: {  	(pc) =	sbr.rel $0x88, $3  }
0x1: {  	(tag) =	ssettag $0x0;
	lr =	simm.s32 $0x1  }
0x2: {  	[smem:$0x3F92] =	sst lr;
	_ =	strace $0xD0000000  }
0x3: {  	_ = 	snop  }
0x4: {  	_ = 	snop  }
0x5: {  	_ = 	snop  }
0x6: {  	_ = 	snop  }
0x7: {  	_ = 	snop  }
__scs_overlays_trampoline_lowered:
0x8: {  	[smem:$0x3FA1] =	sst s0  }
0x9: {  	[smem:$0x3FA2] =	sst s1  }
0xa: {  	[smem:$0x3FA3] =	sst s2  }
0xb: {  	[smem:$0x3FA4] =	sst s3  }
0xc: {  	[smem:$0x3FA5] =	sst s4  }
0xd: {  	[smem:$0x3FA6] =	sst s5  }
0xe: {  	[smem:$0x3FA7] =	sst s6  }
0xf: {  	[smem:$0x3FA8] =	sst s7  }
0x10: {  	[smem:$0x3FA9] =	sst s8  }
0x11: {  	[smem:$0x3FAA] =	sst s9;
	s0 =	simm.s32 @!p0 $0x0  }
0x12: {  	s1 =	sld [smem:$0x3F90];
	s0 =	simm.s32 @p0 $0x1  }
0x13: {  	[smem:$0x3FAB] =	sst s0;
	s0 =	simm.s32 @!p1 $0x0  }
0x14: {  	s2 =	sld [smem:$0x3F8F];
	s0 =	simm.s32 @p1 $0x1  }
0x15: {  	[smem:$0x3FAC] =	sst s0;
	s0 =	simm.s32 @!p2 $0x0  }
0x16: {  	s3 =	sld [smem:$0x3FDB];
	s0 =	simm.s32 @p2 $0x1  }
0x17: {  	s4 =	simm.s32 $0x1BF5;
	[smem:$0x3FAE] =	sst s0  }
0x18: {  	s0 =	sld [smem:$0x3F91];
	_ =	swait.ge [sflag:s4], $0x0  }
0x19: {  	s7 =	sld [smem:$0x3F92]  }
0x1a: {  	s8 =	sadd.s32 $0xFFFFE003, lr  }
0x1b: {  	s9 =	sadd.s32 $0xFFFFFEF7, lr;
	s5 =	simm.s32 $0xFFFFFFFF;
	p2 =	slt.u32 s8, $0xFFFFF086  }
0x1c: {  	p1 =	slt.u32 s9, $0xF7A;
	s5 =	simm.s32 @!p2 $0x0  }
0x1d: {  	s5 =	simm.s32 @p1 $0x1;
	p0 =	seq.s32 s7, s2  }
0x1e: {  	s7 =	smul.u32 @!p0 $0xF7A, s2;
	p2 =	seq.s32 @!p0 s5, $0x0  }
0x1f: {  	s9 =	smul.u32 $0xF7A, s1;
	s8 =	simm.s32 @!p0 $0x1BF5;
	p2 =	por !p2, p0  }
0x20: {  	[sflag:s8] =	ssyncset.s32 @!p0 $0xFFFFF086;
	s6 =	sadd.s32 @!p0 s3, s7;
	s7 =	simm.s32 @!p0 $0x108  }
0x21: {  	s3 =	sadd.s32 s3, s9;
	s6 =	sadd.s32 @!p0 $0x88, s6;
	s7 =	simm.s32 @p2 $0x1082  }
0x22: {  	[simem:s7], [sflag:s8] =	dma.local @!p0 [hbm:s6], $0xF7A  }
0x23: {  	s9 =	sor.u32 $0xD0000000, s2;
	s6 =	simm.s32 $0x108;
	_ =	swait.ge @!p0 [sflag:s8], $0x0  }
0x24: {  	s3 =	sadd.s32 $0x88, s3;
	s6 =	simm.s32 @!p1 $0x1082;
	[sflag:s4] =	ssyncset.s32 $0xFFFFF086  }
0x25: {  	[simem:s6], [sflag:s4] =	dma.local [hbm:s3], $0xF7A  }
0x26: {  	[smem:$0x3F92] =	sst s1;
	(tag) =	ssettag s2;
	_ =	strace s9  }
0x27: {  	s1 =	sld [smem:$0x3FA2]  }
0x28: {  	s2 =	sld [smem:$0x3FA3]  }
0x29: {  	s4 =	sld [smem:$0x3FA5]  }
0x2a: {  	p0 =	seq.s32 s5, $0x0;
	s5 =	sld [smem:$0x3FA6]  }
0x2b: {  	s6 =	sld [smem:$0x3FA7]  }
0x2c: {  	s7 =	sld [smem:$0x3FA8]  }
0x2d: {  	s3 =	simm.s32 $0x108;
	s8 =	sld [smem:$0x3FA9]  }
0x2e: {  	s3 =	simm.s32 @!p0 $0x1082;
	s9 =	sld [smem:$0x3FAA]  }
0x2f: {  	lr =	sadd.s32 s0, s3;
	s0 =	sld [smem:$0x3FA1]  }
0x30: {  	s3 =	sld [smem:$0x3FA4]  }
0x31: {  	[smem:$0x3FAD] =	sst s10  }
0x32: {  	s10 =	sld [smem:$0x3FAB];
	_ =	sdelay $0x3  }
0x33: {  	p0 =	seq.s32 s10, $0x1;
	s10 =	sld [smem:$0x3FAD];
	_ =	sdelay $0x3  }
0x34: {  	[smem:$0x3FAD] =	sst s10  }
0x35: {  	s10 =	sld [smem:$0x3FAC];
	_ =	sdelay $0x3  }
0x36: {  	p1 =	seq.s32 s10, $0x1;
	s10 =	sld [smem:$0x3FAD];
	_ =	sdelay $0x3  }
0x37: {  	[smem:$0x3FAD] =	sst s10  }
0x38: {  	s10 =	sld [smem:$0x3FAE]  }
0x39: {  	_ = 	snop;
	(pc) =	sbr.ind lr, $3  }
0x3a: {  	_ = 	snop  }
0x3b: {  	_ = 	snop  }
0x3c: {  	p2 =	seq.s32 s10, $0x1;
	s10 =	sld [smem:$0x3FAD]  }
0x3d: {  	_ =	shalt  }
0x3e: {  	_ =	shalt  }
0x3f: {  	_ =	shalt  }
0x40: {  	_ =	shalt  }
0x41: {  	_ =	shalt  }
0x42: {  	_ =	shalt  }
0x43: {  	_ =	shalt  }
0x44: {  	_ =	shalt  }
0x45: {  	_ =	shalt  }
0x46: {  	_ =	shalt  }
0x47: {  	_ =	shalt  }
0x48: {  	_ =	shalt  }
0x49: {  	_ =	shalt  }
0x4a: {  	_ =	shalt  }
0x4b: {  	_ =	shalt  }
0x4c: {  	_ =	shalt  }
0x4d: {  	_ =	shalt  }
0x4e: {  	_ =	shalt  }
0x4f: {  	_ =	shalt  }
0x50: {  	_ =	shalt  }
0x51: {  	_ =	shalt  }
0x52: {  	_ =	shalt  }
0x53: {  	_ =	shalt  }
0x54: {  	_ =	shalt  }
0x55: {  	_ =	shalt  }
0x56: {  	_ =	shalt  }
0x57: {  	_ =	shalt  }
0x58: {  	_ =	shalt  }
0x59: {  	_ =	shalt  }
0x5a: {  	_ =	shalt  }
0x5b: {  	_ =	shalt  }
0x5c: {  	_ =	shalt  }
0x5d: {  	_ =	shalt  }
0x5e: {  	_ =	shalt  }
0x5f: {  	_ =	shalt  }
0x60: {  	_ =	shalt  }
0x61: {  	_ =	shalt  }
0x62: {  	_ =	shalt  }
0x63: {  	_ =	shalt  }
0x64: {  	_ =	shalt  }
0x65: {  	_ =	shalt  }
0x66: {  	_ =	shalt  }
0x67: {  	_ =	shalt  }
0x68: {  	_ =	shalt  }
0x69: {  	_ =	shalt  }
0x6a: {  	_ =	shalt  }
0x6b: {  	_ =	shalt  }
0x6c: {  	_ =	shalt  }
0x6d: {  	_ =	shalt  }
0x6e: {  	_ =	shalt  }
0x6f: {  	_ =	shalt  }
0x70: {  	_ =	shalt  }
0x71: {  	_ =	shalt  }
0x72: {  	_ =	shalt  }
0x73: {  	_ =	shalt  }
0x74: {  	_ =	shalt  }
0x75: {  	_ =	shalt  }
0x76: {  	_ =	shalt  }
0x77: {  	_ =	shalt  }
0x78: {  	_ =	shalt  }
0x79: {  	_ =	shalt  }
0x7a: {  	_ =	shalt  }
0x7b: {  	_ =	shalt  }
0x7c: {  	_ =	shalt  }
0x7d: {  	_ =	shalt  }
0x7e: {  	_ =	shalt  }
0x7f: {  	_ =	shalt  }
0x80: {  	_ =	shalt  }
0x81: {  	_ =	shalt  }
0x82: {  	_ =	shalt  }
0x83: {  	_ =	shalt  }
0x84: {  	_ =	shalt  }
0x85: {  	_ =	shalt  }
0x86: {  	_ =	shalt  }
0x87: {  	_ =	shalt  }
.Lfunc_end0:
.L_simem_size_0:
called_computation_lowered:
.L_overlay_start_0:
0x88: {  	s2 =	sld [smem:$0x3FD9]  }
0x89: {  	s3 =	sld [smem:$0x3FFE];
	_ =	sdelay $0x1  }
0x8a: {  	s1 =	srdreg.scid  }
0x8b: {  	s0 =	sand.u32 $0x1, s1  }
0x8c: {  	s17 =	sshll.u32 s0, $0xA;
	s2 =	sadd.s32 s3, s2  }
0x8d: {  	s2 =	sadd.s32 s2, s17  }
0x8e: {  	[smem:$0x3FB9] =	sst s2  }
0x8f: {  	_ = 	snop  }
0x90: {  	s2 =	sld [smem:$0x3FC9]  }
0x91: {  	s18 =	sld [smem:$0x3FC8];
	(tm) =	ssettm $0x1  }
0x92: {  	s4 =	sld [smem:$0x3FFB];
	_ =	sdelay $0x3  }
0x93: {  	_ =	strace s4  }
0x94: {  	s4 =	sld [smem:$0x3FFC];
	_ =	sdelay $0x3  }
0x95: {  	_ =	strace s4  }
0x96: {  	s4 =	sld [smem:$0x3FFD];
	_ =	sdelay $0x3  }
0x97: {  	_ =	strace s4  }
0x98: {  	_ =	strace $0x8FFFFFFF  }
0x99: {  	s19 =	sld [smem:$0x3FDB];
	_ =	sdelay $0x1  }
0x9a: {  	s5 =	simm.s32 $_scs_section_size  }
0x9b: {  	s6 =	simm.s32 $_size__tile_overlayer_lowered;
	s7 =	simm.s32 $_tile_overlayer_lowered  }
0x9c: {  	s22 =	simm.s32 $0x1BFF;
	s21 =	sshll.u32 s7, $0x1;
	s4 =	sadd.s32 s5, s19  }
0x9d: {  	s8 =	simm.s32 $0x0;
	s20 =	sshll.u32 s6, $0x1;
	s6 =	sadd.s32 s21, s4  }
0x9e: {  	[timem:s8], [sflag:s22] =	dma.local [hbm:s6], s20  }
0x9f: {  	_ =	swait.ge [sflag:s22], s20  }
0xa0: {  	s5 =	ssub.s32 $0x0, s20;
	[sflag:s22] =	ssyncset.done $0x0  }
0xa1: {  	[sflag:s22] =	ssyncadd.s32 s5;
	_ =	sdelay $0x1  }
0xa2: {  	s23 =	simm.s32 $0x1B8B  }
0xa3: {  	_ =	swait.ge [sflag:s23], $0x1  }
0xa4: {  	[sflag:s23] =	ssyncset.done $0x0  }
0xa5: {  	s25 =	simm.s32 $0x1B8E;
	s24 =	sld [smem:$0x3FFE];
	[sflag:s23] =	ssyncadd.s32 $0xFFFFFFFF  }
0xa6: {  	s26 =	simm.s32 $execute0_lowered;
	[smem:$0x3FD2] =	sst s25  }
0xa7: {  	s6 =	sshll.u32 s26, $0x1;
	_ =	strace $0x80000046;
	[dreg:$0x1] =	wrdreg $0xFFFFFFFF  }
0xa8: {  	s28 =	simm.s32 $_size_execute0_lowered;
	s4 =	sadd.s32 s4, s6;
	[dreg:$0x0] =	wrdreg $0x0  }
0xa9: {  	s6 =	sshll.u32 s28, $0x1;
	[dreg:$0x2] =	wrdreg s4  }
0xaa: {  	[dreg:$0x3] =	wrdreg s6  }
0xab: {  	[dreg:$0x4] =	wrdreg $0xC0  }
0xac: {  	_ =	task [dreg:s8], $0x5FFFF  }
0xad: {  	[dreg:$0x1] =	wrdreg $0xFFFFFFFF  }
0xae: {  	[dreg:$0x0] =	wrdreg $0x60  }
0xaf: {  	[dreg:$0x2] =	wrdreg s2  }
0xb0: {  	[dreg:$0x3] =	wrdreg s18  }
0xb1: {  	[dreg:$0x4] =	wrdreg s24  }
0xb2: {  	[dreg:$0x5] =	wrdreg $0x9  }
0xb3: {  	_ =	task.clear_ibuf [dreg:s8], $0x6FFFF;
	_ =	strace $0x90000046  }
0xb4: {  	s29 =	simm.s32 $0x9;
	_ =	strace $0x80000048  }
0xb5: {  	_ =	swait.ge [sflag:s29], $0x1  }
0xb6: {  	[sflag:s29] =	ssyncadd.s32 $0xFFFFFFFF  }
0xb7: {  	_ =	strace $0x90000048  }
0xb8: {  	_ =	sfence  }
0xb9: {  	s30 =	sld [smem:$0x0];
	_ =	sdelay $0x2  }
0xba: {  	s31 =	sshll.u32 s1, $0xD;
	s1 =	sshrl.u32 s1, $0x2  }
0xbb: {  	s3 =	sand.u32 $0x4000, s31;
	s1 =	sadd.s32 s1, s30  }
0xbc: {  	s0 =	sor.u32 s3, s0;
	s1 =	sshll.u32 s1, $0x11  }
0xbd: {  	s0 =	sor.u32 s1, s0  }
0xbe: {  	s0 =	sadd.s32 $0x8F2B, s0  }
0xbf: {  	[sflag:s0] =	ssyncadd.remote.s32 $0x1  }
0xc0: {  	_ =	sfence.sel $0xFFFF  }
0xc1: {  	[dreg:$0x0] =	wrdreg $0xFFFFFFFF;
	(pc) =	sbr.abs _section_cstart, $3  }
0xc2: {  	[dreg:$0x1] =	wrdreg $0xFFFFFFFF  }
0xc3: {  	_ =	task.clear_ibuf [dreg:s8], $0x2FFFF;
	_ =	strace $0x9FFFFFFF  }
0xc4: {  	(tm) =	ssettm $0x7FFFFFFF  }
0xc5: {  	_ =	shalt  }
tec
execute0_lowered:
.L_overlay_start_1:
0x0: {  	(tag) =	ssettag $0x1  }
0x1: {  	s5 =	rddreg [dreg:$0x0]  }
0x2: {  	s6 =	rddreg [dreg:$0x1]  }
0x3: {  	s7 =	rddreg [dreg:$0x2]  }
0x4: {  	s0 =	rddreg [dreg:$0x3];
	s1 =	simm.s32 $0x0  }
0x5: {  	s4 =	srdreg.scid;
	s2 =	stileid.u32;
	s14 =	simm.s32 $0x1B0  }
0x6: {  	s15 =	simm.s32 $0xE8;
	s16 =	simm.s32 $0x58;
	s17 =	simm.s32 $0x220  }
0x7: {  	s18 =	simm.s32 $0x158;
	s19 =	simm.s32 $0x1;
	s20 =	simm.s32 $0x2  }
0x8: {  	s21 =	simm.s32 $0x0;
	[smem:$0x7FF] =	sst s1;
	s3 =	sadd.s32 $0x264000, s7  }
0x9: {  	s8 =	sand.u32 $0x1, s4;
	s4 =	sadd.s32 $0x1A00, s7;
	s10 =	smul.u32 $0x3200, s2  }
0xa: {  	s11 =	sshll.u32 s2, $0x6;
	s13 =	sadd.s32 $0x4C6600, s7;
	_ =	strace $0x80000047  }
0xb: {  	v0 =	vlaneseq.u32;
	s9 =	ssub.s32 $0x2, s8;
	s12 =	sshll.u32 s8, $0x5;
	s8 =	smul.u32 $0x1900, s8  }
0xc: {  	v0 =	vmul.u32 $0x186A0, v0;
	s26 =	sshrl.u32 s9, $0x1;
	s11 =	sor.u32 s12, s11;
	s12 =	simm.s32 $0x3  }
0xd: {  	s7 =	ssub.s32 s9, s26;
	s28 =	sshrl.u32 s11, $0x3;
	s10 =	sadd.s32 s8, s10  }
0xe: {  	v1 =	vadd.s32 $0x186A00, v0;
	v2 =	vadd.s32 $0x30D400, v0;
	s5 =	sadd.s32 s5, s28;
	s6 =	sadd.s32 s6, s28;
	s8 =	sshrl.u32 s10, $0x3  }
0xf: {  	v3 =	vadd.s32 $0x493E00, v0;
	v4 =	vadd.s32 $0x61A800, v0;
	s7 =	smax.u32 s7, $0x1;
	s29 =	sor.u32 $0x70, s10;
	s30 =	sadd.s32 $0x32070, s10  }
0x10: {  	v5 =	vadd.s32 $0x7A1200, v0;
	v6 =	vadd.s32 $0x927C00, v0;
	s10 =	sadd.s32 $0x32000, s10;
	s8 =	sadd.s32 s8, s13;
	s9 =	sshrl.u32 s29, $0x3  }
0x11: {  	v7 =	vadd.s32 $0xAAE600, v0;
	v9 =	vadd.s32 $0xDBBA00, v0;
	v10 =	vadd.s32 $0xF42400, v0;
	s11 =	sshrl.u32 s30, $0x3;
	s31 =	sshrl.u32 s10, $0x3;
	s9 =	sadd.s32 s9, s13  }
0x12: {  	v8 =	vadd.s32 $0xC35000, v0;
	v11 =	vadd.s32 $0x10C8E00, v0;
	v12 =	vadd.s32 $0x118C300, v0;
	s10 =	sadd.s32 s11, s13;
	s11 =	sadd.s32 s31, s13;
	s13 =	simm.s32 $0x70  }
.LBB2_1:
0x13: {  	[tilespmem:$0x20] =	vst v0  }
0x14: {  	[tilespmem:$0x30] =	vst v1  }
0x15: {  	[tilespmem:$0x40] =	vst v2  }
0x16: {  	[tilespmem:$0x50] =	vst v3  }
0x17: {  	[tilespmem:$0x60] =	vst v4  }
0x18: {  	[tilespmem:$0x70] =	vst v5  }
0x19: {  	[tilespmem:$0x80] =	vst v6  }
0x1a: {  	[tilespmem:$0x90] =	vst v7  }
0x1b: {  	[tilespmem:$0xA0] =	vst v8  }
0x1c: {  	[tilespmem:$0xB0] =	vst v9  }
0x1d: {  	[tilespmem:$0xC0] =	vst v10  }
0x1e: {  	[tilespmem:$0xD0] =	vst v11  }
0x1f: {  	[tilespmem:$0xD8] =	vst v12  }
0x20: {  	[tilespmem:s1], [sflag:$0x3] =	stream.linear.gather [hbm4b:s5+s1], $0x20, $0x38;
	[tilespmem:$0x278] =	vst v63  }
0x21: {  	_ =	swait.ge [sflag:s12], $0x20  }
0x22: {  	s22 =	smov.u32 s9;
	[sflag:s12] =	ssyncset.done $0x0  }
0x23: {  	s23 =	smov.u32 s8;
	s24 =	simm.s32 $0x0;
	[sflag:s12] =	ssyncadd.s32 $0xFFFFFFE0  }
.LBB2_2:
0x24: {  	v13 =	vmov s24;
	_ =	sdelay $0x3  }
0x25: {  	v14 =	vld [tilespmem:$0x20]  }
0x26: {  	v13 =	vld.idx.msk [tilespmem:v13+s1+$0x0], $0xffff  }
0x27: {  	v15 =	vld [tilespmem:$0x30]  }
0x28: {  	v16 =	vld [tilespmem:$0x40]  }
0x29: {  	v17 =	vld [tilespmem:$0x50]  }
0x2a: {  	v18 =	vld [tilespmem:$0x60]  }
0x2b: {  	v19 =	vld [tilespmem:$0x70];
	v14 =	vadd.s32 v13, v14  }
0x2c: {  	[tilespmem:$0x1B0] =	vst v14;
	v14 =	vadd.s32 v13, v15;
	v15 =	vld [tilespmem:$0x80]  }
0x2d: {  	v50 =	vld [tilespmem:$0x90];
	[tilespmem:$0x1C0] =	vst v14;
	v14 =	vadd.s32 v13, v16  }
0x2e: {  	v51 =	vld [tilespmem:$0xA0];
	[tilespmem:$0x1D0] =	vst v14;
	v14 =	vadd.s32 v13, v17  }
0x2f: {  	v52 =	vld [tilespmem:$0xB0];
	[tilespmem:$0x1E0] =	vst v14;
	v14 =	vadd.s32 v13, v18  }
0x30: {  	v53 =	vld [tilespmem:$0xC0];
	[tilespmem:$0x1F0] =	vst v14;
	v14 =	vadd.s32 v13, v19  }
0x31: {  	[tilespmem:$0x200] =	vst v14;
	v14 =	vadd.s32 v13, v15;
	v15 =	vld [tilespmem:$0xD0]  }
0x32: {  	v54 =	vld [tilespmem:$0xD8];
	[tilespmem:$0x210] =	vst v14;
	v14 =	vadd.s32 v13, v50  }
0x33: {  	[tilespmem:$0x220] =	vst v14;
	v14 =	vadd.s32 v13, v51  }
0x34: {  	[tilespmem:$0x230] =	vst v14;
	v14 =	vadd.s32 v13, v52  }
0x35: {  	[tilespmem:$0x240] =	vst v14;
	v14 =	vadd.s32 v13, v53  }
0x36: {  	[tilespmem:$0x250] =	vst v14;
	v14 =	vadd.s32 v13, v15  }
0x37: {  	v13 =	vadd.s32 v13, v54;
	[tilespmem:$0x260] =	vst v14  }
0x38: {  	[tilespmem:$0x268] =	vst v13  }
0x39: {  	[tilespmem:s15], [sflag:$0x1] =	stream.indirect.gather [hbm4b:s3+s13], $0x1, s14, s13, $0xb8;
	[tilespmem:$0x278] =	vst v63  }
0x3a: {  	_ = 	snop  }
0x3b: {  	[tilespmem:s18], [sflag:$0x2] =	stream.indirect.gather [hbm4b:s3+s16], $0x1, s17, s16, $0xb8;
	[tilespmem:$0x278] =	vst v63  }
0x3c: {  	_ =	swait.ge [sflag:s19], $0x70  }
0x3d: {  	[sflag:s19] =	ssyncset.done $0x0  }
0x3e: {  	[sflag:s19] =	ssyncadd.s32 $0xFFFFFF90  }
0x3f: {  	_ =	swait.ge [sflag:s20], $0x58  }
0x40: {  	[sflag:s20] =	ssyncset.done $0x0  }
0x41: {  	[sflag:s20] =	ssyncadd.s32 $0xFFFFFFA8  }
0x42: {  	v13 =	vld [tilespmem:$0xE8]  }
0x43: {  	v14 =	vld [tilespmem:$0xF8]  }
0x44: {  	v15 =	vld [tilespmem:$0x108]  }
0x45: {  	v55 =	vld [tilespmem:$0x118]  }
0x46: {  	v56 =	vld [tilespmem:$0x128]  }
0x47: {  	v57 =	vld [tilespmem:$0x138];
	v13 =	vtrunc.f32 v13  }
0x48: {  	v58 =	vld [tilespmem:$0x148];
	v14 =	vtrunc.f32 v14;
	v13 =	vcvt.f32.s32 v13  }
0x49: {  	v20 =	vld [tilespmem:$0x158];
	v15 =	vtrunc.f32 v15;
	v14 =	vcvt.f32.s32 v14  }
0x4a: {  	v59 =	vld [tilespmem:$0x168];
	[tilespmem:$0x1B0] =	vst v13;
	v13 =	vcvt.f32.s32 v15;
	v15 =	vtrunc.f32 v55  }
0x4b: {  	v60 =	vld [tilespmem:$0x178];
	[tilespmem:$0x1C0] =	vst v14;
	v14 =	vcvt.f32.s32 v15;
	v15 =	vtrunc.f32 v56  }
0x4c: {  	v61 =	vld [tilespmem:$0x188];
	[tilespmem:$0x1D0] =	vst v13;
	v13 =	vcvt.f32.s32 v15;
	v15 =	vtrunc.f32 v57  }
0x4d: {  	v62 =	vld [tilespmem:$0x198];
	[tilespmem:$0x1E0] =	vst v14;
	v14 =	vcvt.f32.s32 v15;
	v15 =	vtrunc.f32 v58  }
0x4e: {  	v63 =	vld [tilespmem:$0x1A0];
	[tilespmem:$0x1F0] =	vst v13;
	v13 =	vcvt.f32.s32 v15;
	v15 =	vtrunc.f32 v20  }
0x4f: {  	[tilespmem:$0x200] =	vst v14;
	v14 =	vcvt.f32.s32 v15;
	v15 =	vtrunc.f32 v59  }
0x50: {  	[tilespmem:$0x210] =	vst v13;
	v13 =	vcvt.f32.s32 v15;
	v15 =	vtrunc.f32 v60  }
0x51: {  	[tilespmem:$0x220] =	vst v14;
	v14 =	vcvt.f32.s32 v15;
	v15 =	vtrunc.f32 v61  }
0x52: {  	[tilespmem:$0x230] =	vst v13;
	v13 =	vcvt.f32.s32 v15;
	v15 =	vtrunc.f32 v62  }
0x53: {  	[tilespmem:$0x240] =	vst v14;
	v14 =	vcvt.f32.s32 v15;
	v15 =	vtrunc.f32 v63  }
0x54: {  	[tilespmem:$0x250] =	vst v13;
	v13 =	vcvt.f32.s32 v15  }
0x55: {  	[tilespmem:$0x260] =	vst v14  }
0x56: {  	[tilespmem:$0x268] =	vst v13  }
0x57: {  	[hbm4b:s23+s1] =	stream.linear.scatter [tilespmem:s14], [sflag:$0x3], $0x70, $0x38;
	[tilespmem:$0x278] =	vst v63  }
0x58: {  	_ =	swait.ge [sflag:s12], $0x70  }
0x59: {  	p0 =	sne.s32 s24, $0x1F;
	[sflag:s12] =	ssyncset.done $0x0  }
.Ltmp0:
0x5a: {  	[sflag:s12] =	ssyncadd.s32 $0xFFFFFF90;
	(pc) =	sbr.rel @p0 .LBB2_2-.Ltmp0, $4  }
0x5b: {  	[hbm4b:s22+s1] =	stream.linear.scatter [tilespmem:s17], [sflag:$0x3], $0x58, $0x38;
	[tilespmem:$0x278] =	vst v63  }
0x5c: {  	_ =	swait.ge [sflag:s12], $0x58  }
0x5d: {  	s24 =	sadd.s32 $0x1, s24;
	[sflag:s12] =	ssyncset.done $0x0  }
0x5e: {  	s23 =	sadd.s32 $0x19, s23;
	s22 =	sadd.s32 $0x19, s22;
	[sflag:s12] =	ssyncadd.s32 $0xFFFFFFA8  }
0x5f: {  	s22 =	simm.s32 $0x0  }
0x60: {  	[tilespmem:s22], [sflag:$0x3] =	stream.linear.gather [hbm4b:s6+s22], $0x20, $0x38;
	[tilespmem:$0x278] =	vst v63  }
0x61: {  	_ =	swait.ge [sflag:s12], $0x20  }
0x62: {  	[sflag:s12] =	ssyncset.done $0x0  }
0x63: {  	s23 =	smov.u32 s11;
	s24 =	smov.u32 s10;
	[sflag:s12] =	ssyncadd.s32 $0xFFFFFFE0  }
.LBB2_4:
0x64: {  	v13 =	vmov s22;
	_ =	sdelay $0x3  }
0x65: {  	v14 =	vld [tilespmem:$0x20]  }
0x66: {  	v13 =	vld.idx.msk [tilespmem:v13+s1+$0x0], $0xffff  }
0x67: {  	v15 =	vld [tilespmem:$0x30]  }
0x68: {  	v16 =	vld [tilespmem:$0x40]  }
0x69: {  	v17 =	vld [tilespmem:$0x50]  }
0x6a: {  	v18 =	vld [tilespmem:$0x60]  }
0x6b: {  	v19 =	vld [tilespmem:$0x70];
	v14 =	vadd.s32 v13, v14  }
0x6c: {  	[tilespmem:$0x1B0] =	vst v14;
	v14 =	vadd.s32 v13, v15;
	v15 =	vld [tilespmem:$0x80]  }
0x6d: {  	v50 =	vld [tilespmem:$0x90];
	[tilespmem:$0x1C0] =	vst v14;
	v14 =	vadd.s32 v13, v16  }
0x6e: {  	v51 =	vld [tilespmem:$0xA0];
	[tilespmem:$0x1D0] =	vst v14;
	v14 =	vadd.s32 v13, v17  }
0x6f: {  	v52 =	vld [tilespmem:$0xB0];
	[tilespmem:$0x1E0] =	vst v14;
	v14 =	vadd.s32 v13, v18  }
0x70: {  	v53 =	vld [tilespmem:$0xC0];
	[tilespmem:$0x1F0] =	vst v14;
	v14 =	vadd.s32 v13, v19  }
0x71: {  	[tilespmem:$0x200] =	vst v14;
	v14 =	vadd.s32 v13, v15;
	v15 =	vld [tilespmem:$0xD0]  }
0x72: {  	v54 =	vld [tilespmem:$0xD8];
	[tilespmem:$0x210] =	vst v14;
	v14 =	vadd.s32 v13, v50  }
0x73: {  	[tilespmem:$0x220] =	vst v14;
	v14 =	vadd.s32 v13, v51  }
0x74: {  	[tilespmem:$0x230] =	vst v14;
	v14 =	vadd.s32 v13, v52  }
0x75: {  	[tilespmem:$0x240] =	vst v14;
	v14 =	vadd.s32 v13, v53  }
0x76: {  	[tilespmem:$0x250] =	vst v14;
	v14 =	vadd.s32 v13, v15  }
0x77: {  	v13 =	vadd.s32 v13, v54;
	[tilespmem:$0x260] =	vst v14  }
0x78: {  	[tilespmem:$0x268] =	vst v13  }
0x79: {  	[tilespmem:s15], [sflag:$0x1] =	stream.indirect.gather [hbm4b:s4+s13], $0x1, s14, s13, $0xb8;
	[tilespmem:$0x278] =	vst v63  }
0x7a: {  	_ = 	snop  }
0x7b: {  	[tilespmem:s18], [sflag:$0x2] =	stream.indirect.gather [hbm4b:s4+s16], $0x1, s17, s16, $0xb8;
	[tilespmem:$0x278] =	vst v63  }
0x7c: {  	_ =	swait.ge [sflag:s19], $0x70  }
0x7d: {  	[sflag:s19] =	ssyncset.done $0x0  }
0x7e: {  	[sflag:s19] =	ssyncadd.s32 $0xFFFFFF90  }
0x7f: {  	_ =	swait.ge [sflag:s20], $0x58  }
0x80: {  	[sflag:s20] =	ssyncset.done $0x0  }
0x81: {  	[sflag:s20] =	ssyncadd.s32 $0xFFFFFFA8  }
0x82: {  	v13 =	vld [tilespmem:$0xE8]  }
0x83: {  	v14 =	vld [tilespmem:$0xF8]  }
0x84: {  	v15 =	vld [tilespmem:$0x108]  }
0x85: {  	v55 =	vld [tilespmem:$0x118]  }
0x86: {  	v56 =	vld [tilespmem:$0x128]  }
0x87: {  	v57 =	vld [tilespmem:$0x138];
	v13 =	vtrunc.f32 v13  }
0x88: {  	v58 =	vld [tilespmem:$0x148];
	v14 =	vtrunc.f32 v14;
	v13 =	vcvt.f32.s32 v13  }
0x89: {  	v20 =	vld [tilespmem:$0x158];
	v15 =	vtrunc.f32 v15;
	v14 =	vcvt.f32.s32 v14  }
0x8a: {  	v59 =	vld [tilespmem:$0x168];
	[tilespmem:$0x1B0] =	vst v13;
	v13 =	vcvt.f32.s32 v15;
	v15 =	vtrunc.f32 v55  }
0x8b: {  	v60 =	vld [tilespmem:$0x178];
	[tilespmem:$0x1C0] =	vst v14;
	v14 =	vcvt.f32.s32 v15;
	v15 =	vtrunc.f32 v56  }
0x8c: {  	v61 =	vld [tilespmem:$0x188];
	[tilespmem:$0x1D0] =	vst v13;
	v13 =	vcvt.f32.s32 v15;
	v15 =	vtrunc.f32 v57  }
0x8d: {  	v62 =	vld [tilespmem:$0x198];
	[tilespmem:$0x1E0] =	vst v14;
	v14 =	vcvt.f32.s32 v15;
	v15 =	vtrunc.f32 v58  }
0x8e: {  	v63 =	vld [tilespmem:$0x1A0];
	[tilespmem:$0x1F0] =	vst v13;
	v13 =	vcvt.f32.s32 v15;
	v15 =	vtrunc.f32 v20  }
0x8f: {  	[tilespmem:$0x200] =	vst v14;
	v14 =	vcvt.f32.s32 v15;
	v15 =	vtrunc.f32 v59  }
0x90: {  	[tilespmem:$0x210] =	vst v13;
	v13 =	vcvt.f32.s32 v15;
	v15 =	vtrunc.f32 v60  }
0x91: {  	[tilespmem:$0x220] =	vst v14;
	v14 =	vcvt.f32.s32 v15;
	v15 =	vtrunc.f32 v61  }
0x92: {  	[tilespmem:$0x230] =	vst v13;
	v13 =	vcvt.f32.s32 v15;
	v15 =	vtrunc.f32 v62  }
0x93: {  	[tilespmem:$0x240] =	vst v14;
	v14 =	vcvt.f32.s32 v15;
	v15 =	vtrunc.f32 v63  }
0x94: {  	[tilespmem:$0x250] =	vst v13;
	v13 =	vcvt.f32.s32 v15  }
0x95: {  	[tilespmem:$0x260] =	vst v14  }
0x96: {  	[tilespmem:$0x268] =	vst v13  }
0x97: {  	[hbm4b:s23+s1] =	stream.linear.scatter [tilespmem:s14], [sflag:$0x3], $0x70, $0x38;
	[tilespmem:$0x278] =	vst v63  }
0x98: {  	_ =	swait.ge [sflag:s12], $0x70  }
0x99: {  	p0 =	sne.s32 s22, $0x1F;
	[sflag:s12] =	ssyncset.done $0x0  }
.Ltmp1:
0x9a: {  	[sflag:s12] =	ssyncadd.s32 $0xFFFFFF90;
	(pc) =	sbr.rel @p0 .LBB2_4-.Ltmp1, $4  }
0x9b: {  	[hbm4b:s24+s1] =	stream.linear.scatter [tilespmem:s17], [sflag:$0x3], $0x58, $0x38;
	[tilespmem:$0x278] =	vst v63  }
0x9c: {  	_ =	swait.ge [sflag:s12], $0x58  }
0x9d: {  	s22 =	sadd.s32 $0x1, s22;
	[sflag:s12] =	ssyncset.done $0x0  }
0x9e: {  	s23 =	sadd.s32 $0x19, s23;
	s24 =	sadd.s32 $0x19, s24;
	[sflag:s12] =	ssyncadd.s32 $0xFFFFFFA8  }
0x9f: {  	s21 =	sadd.s32 $0x1, s21  }
0xa0: {  	p0 =	sne.s32 s21, s7  }
.Ltmp2:
0xa1: {  	_ = 	snop;
	(pc) =	sbr.rel @p0 .LBB2_1-.Ltmp2, $1  }
0xa2: {  	_ =	sdelay $0x3  }
0xa3: {  	_ =	sfence.sel $0x180000  }
0xa4: {  	[bflag:$0x0] =	sbarrier.arrive $0xFFFF  }
0xa5: {  	p0 =	sne.s32 s2, $0x0;
	_ =	strace $0x90000047  }
0xa6: {  	s0 =	sadd.s32 @!p0 $0x100000, s0;
	[bflag:$0x2] =	sbarrier.arrive $0xFFFF  }
0xa7: {  	[sflag:s0] =	ssyncadd.tile.s32 @!p0 $0x1;
	_ =	shalt  }
.Lfunc_end2:
_tile_overlayer_lowered:
.L_overlay_start_2:
0xa8: {  	(tag) =	ssettag $0x2  }
0xa9: {  	s0 =	rddreg [dreg:$0x0];
	s2 =	stileid.u32  }
0xaa: {  	s1 =	rddreg [dreg:$0x1];
	p0 =	sne.s32 s2, $0x0  }
0xab: {  	s3 =	rddreg [dreg:$0x2];
	[bflag:$0x3] =	sbarrier.arrive $0xFFFF;
	s2 =	simm.s32 @!p0 $0x1C03  }
0xac: {  	[timem:s3], [sflag:s2] =	dma.local @!p0 [hbm:s0], s1  }
0xad: {  	s0 =	simm.s32 @!p0 $0x3  }
0xae: {  	_ =	swait.ge @!p0 [sflag:s0], s1  }
0xaf: {  	s1 =	ssub.s32 @!p0 $0x0, s1;
	[sflag:s0] =	ssyncset.done @!p0 $0x0  }
0xb0: {  	[sflag:s0] =	ssyncadd.s32 @!p0 s1  }
0xb1: {  	[bflag:$0x3] =	sbarrier.arrive $0xFFFF  }
0xb2: {  	_ =	shalt  }

// kernel: _kernel_impl.8.cloned.1.call-start
scs
__scs_entry_jumppad:
0x0: {  	(pc) =	sbr.rel $0x88, $3  }
0x1: {  	(tag) =	ssettag $0x0;
	lr =	simm.s32 $0x1  }
0x2: {  	[smem:$0x3F92] =	sst lr;
	_ =	strace $0xD0000000  }
0x3: {  	_ = 	snop  }
0x4: {  	_ = 	snop  }
0x5: {  	_ = 	snop  }
0x6: {  	_ = 	snop  }
0x7: {  	_ = 	snop  }
__scs_overlays_trampoline_lowered:
0x8: {  	[smem:$0x3FA1] =	sst s0  }
0x9: {  	[smem:$0x3FA2] =	sst s1  }
0xa: {  	[smem:$0x3FA3] =	sst s2  }
0xb: {  	[smem:$0x3FA4] =	sst s3  }
0xc: {  	[smem:$0x3FA5] =	sst s4  }
0xd: {  	[smem:$0x3FA6] =	sst s5  }
0xe: {  	[smem:$0x3FA7] =	sst s6  }
0xf: {  	[smem:$0x3FA8] =	sst s7  }
0x10: {  	[smem:$0x3FA9] =	sst s8  }
0x11: {  	[smem:$0x3FAA] =	sst s9;
	s0 =	simm.s32 @!p0 $0x0  }
0x12: {  	s1 =	sld [smem:$0x3F90];
	s0 =	simm.s32 @p0 $0x1  }
0x13: {  	[smem:$0x3FAB] =	sst s0;
	s0 =	simm.s32 @!p1 $0x0  }
0x14: {  	s2 =	sld [smem:$0x3F8F];
	s0 =	simm.s32 @p1 $0x1  }
0x15: {  	[smem:$0x3FAC] =	sst s0;
	s0 =	simm.s32 @!p2 $0x0  }
0x16: {  	s3 =	sld [smem:$0x3FDB];
	s0 =	simm.s32 @p2 $0x1  }
0x17: {  	s4 =	simm.s32 $0x1BF5;
	[smem:$0x3FAE] =	sst s0  }
0x18: {  	s0 =	sld [smem:$0x3F91];
	_ =	swait.ge [sflag:s4], $0x0  }
0x19: {  	s7 =	sld [smem:$0x3F92]  }
0x1a: {  	s8 =	sadd.s32 $0xFFFFE003, lr  }
0x1b: {  	s9 =	sadd.s32 $0xFFFFFEF7, lr;
	s5 =	simm.s32 $0xFFFFFFFF;
	p2 =	slt.u32 s8, $0xFFFFF086  }
0x1c: {  	p1 =	slt.u32 s9, $0xF7A;
	s5 =	simm.s32 @!p2 $0x0  }
0x1d: {  	s5 =	simm.s32 @p1 $0x1;
	p0 =	seq.s32 s7, s2  }
0x1e: {  	s7 =	smul.u32 @!p0 $0xF7A, s2;
	p2 =	seq.s32 @!p0 s5, $0x0  }
0x1f: {  	s9 =	smul.u32 $0xF7A, s1;
	s8 =	simm.s32 @!p0 $0x1BF5;
	p2 =	por !p2, p0  }
0x20: {  	[sflag:s8] =	ssyncset.s32 @!p0 $0xFFFFF086;
	s6 =	sadd.s32 @!p0 s3, s7;
	s7 =	simm.s32 @!p0 $0x108  }
0x21: {  	s3 =	sadd.s32 s3, s9;
	s6 =	sadd.s32 @!p0 $0x88, s6;
	s7 =	simm.s32 @p2 $0x1082  }
0x22: {  	[simem:s7], [sflag:s8] =	dma.local @!p0 [hbm:s6], $0xF7A  }
0x23: {  	s9 =	sor.u32 $0xD0000000, s2;
	s6 =	simm.s32 $0x108;
	_ =	swait.ge @!p0 [sflag:s8], $0x0  }
0x24: {  	s3 =	sadd.s32 $0x88, s3;
	s6 =	simm.s32 @!p1 $0x1082;
	[sflag:s4] =	ssyncset.s32 $0xFFFFF086  }
0x25: {  	[simem:s6], [sflag:s4] =	dma.local [hbm:s3], $0xF7A  }
0x26: {  	[smem:$0x3F92] =	sst s1;
	(tag) =	ssettag s2;
	_ =	strace s9  }
0x27: {  	s1 =	sld [smem:$0x3FA2]  }
0x28: {  	s2 =	sld [smem:$0x3FA3]  }
0x29: {  	s4 =	sld [smem:$0x3FA5]  }
0x2a: {  	p0 =	seq.s32 s5, $0x0;
	s5 =	sld [smem:$0x3FA6]  }
0x2b: {  	s6 =	sld [smem:$0x3FA7]  }
0x2c: {  	s7 =	sld [smem:$0x3FA8]  }
0x2d: {  	s3 =	simm.s32 $0x108;
	s8 =	sld [smem:$0x3FA9]  }
0x2e: {  	s3 =	simm.s32 @!p0 $0x1082;
	s9 =	sld [smem:$0x3FAA]  }
0x2f: {  	lr =	sadd.s32 s0, s3;
	s0 =	sld [smem:$0x3FA1]  }
0x30: {  	s3 =	sld [smem:$0x3FA4]  }
0x31: {  	[smem:$0x3FAD] =	sst s10  }
0x32: {  	s10 =	sld [smem:$0x3FAB];
	_ =	sdelay $0x3  }
0x33: {  	p0 =	seq.s32 s10, $0x1;
	s10 =	sld [smem:$0x3FAD];
	_ =	sdelay $0x3  }
0x34: {  	[smem:$0x3FAD] =	sst s10  }
0x35: {  	s10 =	sld [smem:$0x3FAC];
	_ =	sdelay $0x3  }
0x36: {  	p1 =	seq.s32 s10, $0x1;
	s10 =	sld [smem:$0x3FAD];
	_ =	sdelay $0x3  }
0x37: {  	[smem:$0x3FAD] =	sst s10  }
0x38: {  	s10 =	sld [smem:$0x3FAE]  }
0x39: {  	_ = 	snop;
	(pc) =	sbr.ind lr, $3  }
0x3a: {  	_ = 	snop  }
0x3b: {  	_ = 	snop  }
0x3c: {  	p2 =	seq.s32 s10, $0x1;
	s10 =	sld [smem:$0x3FAD]  }
0x3d: {  	_ =	shalt  }
0x3e: {  	_ =	shalt  }
0x3f: {  	_ =	shalt  }
0x40: {  	_ =	shalt  }
0x41: {  	_ =	shalt  }
0x42: {  	_ =	shalt  }
0x43: {  	_ =	shalt  }
0x44: {  	_ =	shalt  }
0x45: {  	_ =	shalt  }
0x46: {  	_ =	shalt  }
0x47: {  	_ =	shalt  }
0x48: {  	_ =	shalt  }
0x49: {  	_ =	shalt  }
0x4a: {  	_ =	shalt  }
0x4b: {  	_ =	shalt  }
0x4c: {  	_ =	shalt  }
0x4d: {  	_ =	shalt  }
0x4e: {  	_ =	shalt  }
0x4f: {  	_ =	shalt  }
0x50: {  	_ =	shalt  }
0x51: {  	_ =	shalt  }
0x52: {  	_ =	shalt  }
0x53: {  	_ =	shalt  }
0x54: {  	_ =	shalt  }
0x55: {  	_ =	shalt  }
0x56: {  	_ =	shalt  }
0x57: {  	_ =	shalt  }
0x58: {  	_ =	shalt  }
0x59: {  	_ =	shalt  }
0x5a: {  	_ =	shalt  }
0x5b: {  	_ =	shalt  }
0x5c: {  	_ =	shalt  }
0x5d: {  	_ =	shalt  }
0x5e: {  	_ =	shalt  }
0x5f: {  	_ =	shalt  }
0x60: {  	_ =	shalt  }
0x61: {  	_ =	shalt  }
0x62: {  	_ =	shalt  }
0x63: {  	_ =	shalt  }
0x64: {  	_ =	shalt  }
0x65: {  	_ =	shalt  }
0x66: {  	_ =	shalt  }
0x67: {  	_ =	shalt  }
0x68: {  	_ =	shalt  }
0x69: {  	_ =	shalt  }
0x6a: {  	_ =	shalt  }
0x6b: {  	_ =	shalt  }
0x6c: {  	_ =	shalt  }
0x6d: {  	_ =	shalt  }
0x6e: {  	_ =	shalt  }
0x6f: {  	_ =	shalt  }
0x70: {  	_ =	shalt  }
0x71: {  	_ =	shalt  }
0x72: {  	_ =	shalt  }
0x73: {  	_ =	shalt  }
0x74: {  	_ =	shalt  }
0x75: {  	_ =	shalt  }
0x76: {  	_ =	shalt  }
0x77: {  	_ =	shalt  }
0x78: {  	_ =	shalt  }
0x79: {  	_ =	shalt  }
0x7a: {  	_ =	shalt  }
0x7b: {  	_ =	shalt  }
0x7c: {  	_ =	shalt  }
0x7d: {  	_ =	shalt  }
0x7e: {  	_ =	shalt  }
0x7f: {  	_ =	shalt  }
0x80: {  	_ =	shalt  }
0x81: {  	_ =	shalt  }
0x82: {  	_ =	shalt  }
0x83: {  	_ =	shalt  }
0x84: {  	_ =	shalt  }
0x85: {  	_ =	shalt  }
0x86: {  	_ =	shalt  }
0x87: {  	_ =	shalt  }
.Lfunc_end0:
.L_simem_size_0:
called_computation.1_lowered:
.L_overlay_start_0:
0x88: {  	s2 =	sld [smem:$0x3FD9]  }
0x89: {  	s3 =	sld [smem:$0x3FFE];
	_ =	sdelay $0x1  }
0x8a: {  	s1 =	srdreg.scid  }
0x8b: {  	s0 =	sand.u32 $0x1, s1  }
0x8c: {  	s16 =	sshll.u32 s0, $0xA;
	s2 =	sadd.s32 s3, s2  }
0x8d: {  	s2 =	sadd.s32 s2, s16  }
0x8e: {  	[smem:$0x3FB9] =	sst s2  }
0x8f: {  	_ = 	snop  }
0x90: {  	(tm) =	ssettm $0x1  }
0x91: {  	s17 =	sld [smem:$0x3FFB];
	_ =	sdelay $0x3  }
0x92: {  	_ =	strace s17  }
0x93: {  	s2 =	sld [smem:$0x3FFC];
	_ =	sdelay $0x3  }
0x94: {  	_ =	strace s2  }
0x95: {  	s2 =	sld [smem:$0x3FFD];
	_ =	sdelay $0x3  }
0x96: {  	_ =	strace s2  }
0x97: {  	_ =	strace $0x8FFFFFFF  }
0x98: {  	s18 =	sld [smem:$0x3FDB];
	_ =	sdelay $0x1  }
0x99: {  	s19 =	simm.s32 $_scs_section_size  }
0x9a: {  	s4 =	simm.s32 $_size__tile_overlayer_lowered;
	s5 =	simm.s32 $_tile_overlayer_lowered  }
0x9b: {  	s22 =	simm.s32 $0x1BFF;
	s21 =	sshll.u32 s5, $0x1;
	s2 =	sadd.s32 s19, s18  }
0x9c: {  	s6 =	simm.s32 $0x0;
	s20 =	sshll.u32 s4, $0x1;
	s4 =	sadd.s32 s21, s2  }
0x9d: {  	[timem:s6], [sflag:s22] =	dma.local [hbm:s4], s20  }
0x9e: {  	_ =	swait.ge [sflag:s22], s20  }
0x9f: {  	s3 =	ssub.s32 $0x0, s20;
	[sflag:s22] =	ssyncset.done $0x0  }
0xa0: {  	[sflag:s22] =	ssyncadd.s32 s3;
	_ =	sdelay $0x1  }
0xa1: {  	s23 =	simm.s32 $0x1B8B  }
0xa2: {  	_ =	swait.ge [sflag:s23], $0x1  }
0xa3: {  	[sflag:s23] =	ssyncset.done $0x0  }
0xa4: {  	s25 =	simm.s32 $0x1B8E;
	s24 =	sld [smem:$0x3FFE];
	[sflag:s23] =	ssyncadd.s32 $0xFFFFFFFF  }
0xa5: {  	s26 =	simm.s32 $execute0_lowered;
	[smem:$0x3FD2] =	sst s25  }
0xa6: {  	s4 =	sshll.u32 s26, $0x1;
	_ =	strace $0x80000049;
	[dreg:$0x1] =	wrdreg $0xFFFFFFFF  }
0xa7: {  	s28 =	simm.s32 $_size_execute0_lowered;
	s2 =	sadd.s32 s2, s4;
	[dreg:$0x0] =	wrdreg $0x0  }
0xa8: {  	s4 =	sshll.u32 s28, $0x1;
	[dreg:$0x2] =	wrdreg s2  }
0xa9: {  	[dreg:$0x3] =	wrdreg s4  }
0xaa: {  	[dreg:$0x4] =	wrdreg $0xC0  }
0xab: {  	_ =	task [dreg:s6], $0x5FFFF  }
0xac: {  	[dreg:$0x1] =	wrdreg $0xFFFFFFFF  }
0xad: {  	[dreg:$0x0] =	wrdreg $0x60  }
0xae: {  	[dreg:$0x2] =	wrdreg s24  }
0xaf: {  	[dreg:$0x3] =	wrdreg $0x9  }
0xb0: {  	_ =	task.clear_ibuf [dreg:s6], $0x4FFFF;
	_ =	strace $0x90000049  }
0xb1: {  	s29 =	simm.s32 $0x9;
	_ =	strace $0x8000004B  }
0xb2: {  	_ =	swait.ge [sflag:s29], $0x1  }
0xb3: {  	[sflag:s29] =	ssyncadd.s32 $0xFFFFFFFF  }
0xb4: {  	_ =	strace $0x9000004B  }
0xb5: {  	_ =	sfence  }
0xb6: {  	s30 =	sld [smem:$0x0];
	_ =	sdelay $0x2  }
0xb7: {  	s31 =	sshll.u32 s1, $0xD;
	s1 =	sshrl.u32 s1, $0x2  }
0xb8: {  	s3 =	sand.u32 $0x4000, s31;
	s1 =	sadd.s32 s1, s30  }
0xb9: {  	s0 =	sor.u32 s3, s0;
	s1 =	sshll.u32 s1, $0x11  }
0xba: {  	s0 =	sor.u32 s1, s0  }
0xbb: {  	s0 =	sadd.s32 $0x8F2B, s0  }
0xbc: {  	[sflag:s0] =	ssyncadd.remote.s32 $0x1  }
0xbd: {  	_ =	sfence.sel $0xFFFF  }
0xbe: {  	[dreg:$0x0] =	wrdreg $0xFFFFFFFF;
	(pc) =	sbr.abs _section_cstart, $3  }
0xbf: {  	[dreg:$0x1] =	wrdreg $0xFFFFFFFF  }
0xc0: {  	_ =	task.clear_ibuf [dreg:s6], $0x2FFFF;
	_ =	strace $0x9FFFFFFF  }
0xc1: {  	(tm) =	ssettm $0x7FFFFFFF  }
tec
execute0_lowered:
.L_overlay_start_1:
0x0: {  	(tag) =	ssettag $0x1  }
0x1: {  	s4 =	rddreg [dreg:$0x0]  }
0x2: {  	s0 =	rddreg [dreg:$0x1];
	s2 =	simm.s32 $0x0;
	s3 =	srdreg.scid  }
0x3: {  	s1 =	stileid.u32;
	s16 =	simm.s32 $0x100;
	s17 =	simm.s32 $0x58  }
0x4: {  	s18 =	simm.s32 $0x3900;
	s19 =	simm.s32 $0x1;
	s20 =	simm.s32 $0x2  }
0x5: {  	s21 =	simm.s32 $0x0;
	[smem:$0x7FF] =	sst s2;
	s6 =	smul.u32 $0x3200, s1  }
0x6: {  	s5 =	sand.u32 $0x1, s3;
	s12 =	sadd.s32 $0x4C6600, s4;
	s9 =	smul.u32 $0x190000, s1  }
0x7: {  	s3 =	sadd.s32 $0x659800, s4;
	s7 =	smul.u32 $0x1900, s5;
	s8 =	ssub.s32 $0x2, s5  }
0x8: {  	s11 =	sadd.s32 $0x1A00, s4;
	s5 =	smul.u32 $0xC8000, s5;
	s10 =	sshrl.u32 s8, $0x1  }
0x9: {  	s13 =	sadd.s32 $0x7E0200, s4;
	_ =	strace $0x8000004A;
	s24 =	ssub.s32 s8, s10  }
0xa: {  	s25 =	sadd.s32 s7, s6;
	s26 =	sadd.s32 s5, s9;
	s4 =	smax.u32 s24, $0x1  }
0xb: {  	s28 =	sshrl.u32 s25, $0x3;
	s6 =	sor.u32 $0x70, s25;
	s29 =	sor.u32 $0x3800, s26  }
0xc: {  	s14 =	sshrl.u32 s26, $0x3;
	s31 =	sadd.s32 $0x32070, s25;
	s10 =	sadd.s32 $0x32000, s25  }
0xd: {  	s5 =	sadd.s32 s28, s12;
	s6 =	sshrl.u32 s6, $0x3;
	s30 =	sshrl.u32 s29, $0x3  }
0xe: {  	s8 =	sadd.s32 s14, s11;
	s15 =	sshrl.u32 s10, $0x3;
	s10 =	sadd.s32 s14, s13  }
0xf: {  	s14 =	simm.s32 $0x80;
	s6 =	sadd.s32 s6, s12;
	s7 =	sadd.s32 s30, s11  }
0x10: {  	s9 =	sadd.s32 s30, s13;
	s11 =	sshrl.u32 s31, $0x3;
	s13 =	simm.s32 $0x3  }
0x11: {  	s11 =	sadd.s32 s11, s12;
	s12 =	sadd.s32 s15, s12;
	s15 =	simm.s32 $0x70  }
.LBB2_1:
0x12: {  	s22 =	sadd.s32 $0x0, s5  }
0x13: {  	[tilespmem:s2], [sflag:$0x3] =	stream.linear.gather [hbm4b:s22+s2], $0x70, $0x38;
	[tilespmem:$0x6500] =	vst v63  }
0x14: {  	_ =	swait.ge [sflag:s13], $0x70  }
0x15: {  	[sflag:s13] =	ssyncset.done $0x0  }
0x16: {  	s31 =	sadd.s32 $0x0, s6;
	[sflag:s13] =	ssyncadd.s32 $0xFFFFFF90  }
0x17: {  	[tilespmem:s14], [sflag:$0x3] =	stream.linear.gather [hbm4b:s31+s2], $0x58, $0x38;
	[tilespmem:$0x6500] =	vst v63  }
0x18: {  	_ =	swait.ge [sflag:s13], $0x58  }
0x19: {  	[sflag:s13] =	ssyncset.done $0x0  }
0x1a: {  	[sflag:s13] =	ssyncadd.s32 $0xFFFFFFA8  }
0x1b: {  	[tilespmem:s16], [sflag:$0x1] =	stream.indirect.gather [hbm4b:s3+s15], $0x80, s2, s15, $0xb8;
	[tilespmem:$0x6500] =	vst v63  }
0x1c: {  	_ = 	snop  }
0x1d: {  	[tilespmem:s18], [sflag:$0x2] =	stream.indirect.gather [hbm4b:s3+s17], $0x80, s14, s17, $0xb8;
	[tilespmem:$0x6500] =	vst v63  }
0x1e: {  	_ =	swait.ge [sflag:s19], $0x3800  }
0x1f: {  	[sflag:s19] =	ssyncset.done $0x0  }
0x20: {  	[sflag:s19] =	ssyncadd.s32 $0xFFFFC800  }
0x21: {  	_ =	swait.ge [sflag:s20], $0x2C00  }
0x22: {  	[sflag:s20] =	ssyncset.done $0x0  }
0x23: {  	[sflag:s20] =	ssyncadd.s32 $0xFFFFD400  }
0x24: {  	[hbm4b:s8+s2] =	stream.linear.scatter [tilespmem:s16], [sflag:$0x3], $0x3800, $0x38;
	[tilespmem:$0x6500] =	vst v63  }
0x25: {  	_ =	swait.ge [sflag:s13], $0x3800  }
0x26: {  	[sflag:s13] =	ssyncset.done $0x0  }
0x27: {  	s25 =	simm.s32 $0x19;
	[sflag:s13] =	ssyncadd.s32 $0xFFFFC800  }
0x28: {  	[hbm4b:s7+s2] =	stream.linear.scatter [tilespmem:s18], [sflag:$0x3], $0x2C00, $0x38;
	[tilespmem:$0x6500] =	vst v63  }
0x29: {  	s28 =	sadd.s32 $0x19, s5;
	s26 =	simm.s32 $0x32;
	_ =	swait.ge [sflag:s13], $0x2C00  }
0x2a: {  	s23 =	sadd.s32 $0xC80, s7;
	s24 =	sadd.s32 $0xC80, s8;
	[sflag:s13] =	ssyncset.done $0x0  }
.LBB2_2:
0x2b: {  	s29 =	sadd.s32 s26, s5  }
0x2c: {  	s22 =	simm.s32 $0x0;
	[sflag:s13] =	ssyncadd.s32 $0xFFFFD400;
	s30 =	smov.u32 s26  }
0x2d: {  	[tilespmem:s22], [sflag:$0x3] =	stream.linear.gather [hbm4b:s28+s22], $0x70, $0x38;
	[tilespmem:$0x6500] =	vst v63  }
0x2e: {  	p0 =	sne.s32 s26, $0x307;
	s26 =	sadd.s32 $0x19, s26;
	_ =	swait.ge [sflag:s13], $0x70  }
0x2f: {  	s28 =	smov.u32 s29;
	[sflag:s13] =	ssyncset.done $0x0  }
0x30: {  	s29 =	sadd.s32 s25, s6;
	s25 =	smov.u32 s30;
	[sflag:s13] =	ssyncadd.s32 $0xFFFFFF90  }
0x31: {  	[tilespmem:s14], [sflag:$0x3] =	stream.linear.gather [hbm4b:s29+s22], $0x58, $0x38;
	[tilespmem:$0x6500] =	vst v63  }
0x32: {  	_ =	swait.ge [sflag:s13], $0x58  }
0x33: {  	[sflag:s13] =	ssyncset.done $0x0  }
0x34: {  	[sflag:s13] =	ssyncadd.s32 $0xFFFFFFA8  }
0x35: {  	[tilespmem:s16], [sflag:$0x1] =	stream.indirect.gather [hbm4b:s3+s15], $0x80, s22, s15, $0xb8;
	[tilespmem:$0x6500] =	vst v63  }
0x36: {  	_ = 	snop  }
0x37: {  	[tilespmem:s18], [sflag:$0x2] =	stream.indirect.gather [hbm4b:s3+s17], $0x80, s14, s17, $0xb8;
	[tilespmem:$0x6500] =	vst v63  }
0x38: {  	_ =	swait.ge [sflag:s19], $0x3800  }
0x39: {  	[sflag:s19] =	ssyncset.done $0x0  }
0x3a: {  	[sflag:s19] =	ssyncadd.s32 $0xFFFFC800  }
0x3b: {  	_ =	swait.ge [sflag:s20], $0x2C00  }
0x3c: {  	[sflag:s20] =	ssyncset.done $0x0  }
0x3d: {  	[sflag:s20] =	ssyncadd.s32 $0xFFFFD400  }
0x3e: {  	[hbm4b:s24+s22] =	stream.linear.scatter [tilespmem:s16], [sflag:$0x3], $0x3800, $0x38;
	[tilespmem:$0x6500] =	vst v63  }
0x3f: {  	_ =	swait.ge [sflag:s13], $0x3800  }
.Ltmp0:
0x40: {  	[sflag:s13] =	ssyncset.done $0x0;
	(pc) =	sbr.rel @p0 .LBB2_2-.Ltmp0, $4  }
0x41: {  	[sflag:s13] =	ssyncadd.s32 $0xFFFFC800  }
0x42: {  	[hbm4b:s23+s22] =	stream.linear.scatter [tilespmem:s18], [sflag:$0x3], $0x2C00, $0x38;
	[tilespmem:$0x6500] =	vst v63  }
0x43: {  	_ =	swait.ge [sflag:s13], $0x2C00  }
0x44: {  	s24 =	sadd.s32 $0xC80, s24;
	s23 =	sadd.s32 $0xC80, s23;
	[sflag:s13] =	ssyncset.done $0x0  }
0x45: {  	[sflag:s13] =	ssyncadd.s32 $0xFFFFD400  }
0x46: {  	[tilespmem:s22], [sflag:$0x3] =	stream.linear.gather [hbm4b:s28+s22], $0x70, $0x38;
	[tilespmem:$0x6500] =	vst v63  }
0x47: {  	_ =	swait.ge [sflag:s13], $0x70  }
0x48: {  	[sflag:s13] =	ssyncset.done $0x0  }
0x49: {  	s25 =	sadd.s32 s25, s6;
	[sflag:s13] =	ssyncadd.s32 $0xFFFFFF90  }
0x4a: {  	[tilespmem:s14], [sflag:$0x3] =	stream.linear.gather [hbm4b:s25+s22], $0x58, $0x38;
	[tilespmem:$0x6500] =	vst v63  }
0x4b: {  	_ =	swait.ge [sflag:s13], $0x58  }
0x4c: {  	[sflag:s13] =	ssyncset.done $0x0  }
0x4d: {  	[sflag:s13] =	ssyncadd.s32 $0xFFFFFFA8  }
0x4e: {  	[tilespmem:s16], [sflag:$0x1] =	stream.indirect.gather [hbm4b:s3+s15], $0x80, s22, s15, $0xb8;
	[tilespmem:$0x6500] =	vst v63  }
0x4f: {  	_ = 	snop  }
0x50: {  	[tilespmem:s18], [sflag:$0x2] =	stream.indirect.gather [hbm4b:s3+s17], $0x80, s14, s17, $0xb8;
	[tilespmem:$0x6500] =	vst v63  }
0x51: {  	_ =	swait.ge [sflag:s19], $0x3800  }
0x52: {  	[sflag:s19] =	ssyncset.done $0x0  }
0x53: {  	[sflag:s19] =	ssyncadd.s32 $0xFFFFC800  }
0x54: {  	_ =	swait.ge [sflag:s20], $0x2C00  }
0x55: {  	[sflag:s20] =	ssyncset.done $0x0  }
0x56: {  	[sflag:s20] =	ssyncadd.s32 $0xFFFFD400  }
0x57: {  	[hbm4b:s24+s22] =	stream.linear.scatter [tilespmem:s16], [sflag:$0x3], $0x3800, $0x38;
	[tilespmem:$0x6500] =	vst v63  }
0x58: {  	_ =	swait.ge [sflag:s13], $0x3800  }
0x59: {  	p1 =	por $0x1, $0x1;
	[sflag:s13] =	ssyncset.done $0x0  }
.Ltmp1:
0x5a: {  	[sflag:s13] =	ssyncadd.s32 $0xFFFFC800;
	(pc) =	sbr.rel @!p1 .LBB2_8-.Ltmp1, $4  }
0x5b: {  	[hbm4b:s23+s22] =	stream.linear.scatter [tilespmem:s18], [sflag:$0x3], $0x2C00, $0x38;
	[tilespmem:$0x6500] =	vst v63  }
0x5c: {  	_ =	swait.ge [sflag:s13], $0x2C00  }
0x5d: {  	p0 =	por $0x0, $0x0;
	s25 =	smov.u32 s10;
	[sflag:s13] =	ssyncset.done $0x0  }
0x5e: {  	s24 =	smov.u32 s9;
	s23 =	simm.s32 $0x19;
	[sflag:s13] =	ssyncadd.s32 $0xFFFFD400  }
0x5f: {  	s22 =	sadd.s32 $0x0, s12  }
0x60: {  	[tilespmem:s2], [sflag:$0x3] =	stream.linear.gather [hbm4b:s22+s2], $0x70, $0x38;
	[tilespmem:$0x6500] =	vst v63  }
0x61: {  	_ =	swait.ge [sflag:s13], $0x70  }
0x62: {  	[sflag:s13] =	ssyncset.done $0x0  }
0x63: {  	s31 =	sadd.s32 $0x0, s11;
	[sflag:s13] =	ssyncadd.s32 $0xFFFFFF90  }
0x64: {  	[tilespmem:s14], [sflag:$0x3] =	stream.linear.gather [hbm4b:s31+s2], $0x58, $0x38;
	[tilespmem:$0x6500] =	vst v63  }
0x65: {  	_ =	swait.ge [sflag:s13], $0x58  }
0x66: {  	[sflag:s13] =	ssyncset.done $0x0  }
0x67: {  	[sflag:s13] =	ssyncadd.s32 $0xFFFFFFA8  }
0x68: {  	[tilespmem:s16], [sflag:$0x1] =	stream.indirect.gather [hbm4b:s3+s15], $0x80, s2, s15, $0xb8;
	[tilespmem:$0x6500] =	vst v63  }
0x69: {  	_ = 	snop  }
0x6a: {  	[tilespmem:s18], [sflag:$0x2] =	stream.indirect.gather [hbm4b:s3+s17], $0x80, s14, s17, $0xb8;
	[tilespmem:$0x6500] =	vst v63  }
0x6b: {  	_ =	swait.ge [sflag:s19], $0x3800  }
0x6c: {  	[sflag:s19] =	ssyncset.done $0x0  }
0x6d: {  	[sflag:s19] =	ssyncadd.s32 $0xFFFFC800  }
0x6e: {  	_ =	swait.ge [sflag:s20], $0x2C00  }
0x6f: {  	[sflag:s20] =	ssyncset.done $0x0  }
0x70: {  	[sflag:s20] =	ssyncadd.s32 $0xFFFFD400  }
0x71: {  	[hbm4b:s10+s2] =	stream.linear.scatter [tilespmem:s16], [sflag:$0x3], $0x3800, $0x38;
	[tilespmem:$0x6500] =	vst v63  }
0x72: {  	p1 =	por $0x1, $0x1;
	_ =	swait.ge [sflag:s13], $0x3800  }
.Ltmp2:
0x73: {  	[sflag:s13] =	ssyncset.done $0x0;
	(pc) =	sbr.rel @!p1 .LBB2_5-.Ltmp2, $4  }
0x74: {  	[sflag:s13] =	ssyncadd.s32 $0xFFFFC800  }
0x75: {  	[hbm4b:s9+s2] =	stream.linear.scatter [tilespmem:s18], [sflag:$0x3], $0x2C00, $0x38;
	[tilespmem:$0x6500] =	vst v63  }
0x76: {  	s24 =	sadd.s32 $0xC80, s9;
	s25 =	sadd.s32 $0xC80, s10;
	_ =	swait.ge [sflag:s13], $0x2C00  }
0x77: {  	p0 =	por $0x1, $0x1;
	s22 =	simm.s32 $0x32;
	[sflag:s13] =	ssyncset.done $0x0  }
.LBB2_6:
0x78: {  	s26 =	sadd.s32 s23, s12  }
0x79: {  	[sflag:s13] =	ssyncadd.s32 $0xFFFFD400;
	s28 =	smov.u32 s22;
	s29 =	sadd.s32 $0x19, s22  }
0x7a: {  	[tilespmem:s2], [sflag:$0x3] =	stream.linear.gather [hbm4b:s26+s2], $0x70, $0x38;
	[tilespmem:$0x6500] =	vst v63  }
0x7b: {  	p1 =	sne.s32 s22, $0x307;
	_ =	swait.ge [sflag:s13], $0x70  }
0x7c: {  	[sflag:s13] =	ssyncset.done $0x0  }
0x7d: {  	s22 =	sadd.s32 s23, s11;
	s23 =	smov.u32 s28;
	[sflag:s13] =	ssyncadd.s32 $0xFFFFFF90  }
0x7e: {  	[tilespmem:s14], [sflag:$0x3] =	stream.linear.gather [hbm4b:s22+s2], $0x58, $0x38;
	[tilespmem:$0x6500] =	vst v63  }
0x7f: {  	_ =	swait.ge [sflag:s13], $0x58  }
0x80: {  	[sflag:s13] =	ssyncset.done $0x0  }
0x81: {  	[sflag:s13] =	ssyncadd.s32 $0xFFFFFFA8  }
0x82: {  	[tilespmem:s16], [sflag:$0x1] =	stream.indirect.gather [hbm4b:s3+s15], $0x80, s2, s15, $0xb8;
	[tilespmem:$0x6500] =	vst v63  }
0x83: {  	_ = 	snop  }
0x84: {  	[tilespmem:s18], [sflag:$0x2] =	stream.indirect.gather [hbm4b:s3+s17], $0x80, s14, s17, $0xb8;
	[tilespmem:$0x6500] =	vst v63  }
0x85: {  	_ =	swait.ge [sflag:s19], $0x3800  }
0x86: {  	[sflag:s19] =	ssyncset.done $0x0  }
0x87: {  	[sflag:s19] =	ssyncadd.s32 $0xFFFFC800  }
0x88: {  	_ =	swait.ge [sflag:s20], $0x2C00  }
0x89: {  	[sflag:s20] =	ssyncset.done $0x0  }
0x8a: {  	[sflag:s20] =	ssyncadd.s32 $0xFFFFD400  }
0x8b: {  	[hbm4b:s25+s2] =	stream.linear.scatter [tilespmem:s16], [sflag:$0x3], $0x3800, $0x38;
	[tilespmem:$0x6500] =	vst v63  }
0x8c: {  	_ =	swait.ge [sflag:s13], $0x3800  }
.Ltmp3:
0x8d: {  	[sflag:s13] =	ssyncset.done $0x0;
	(pc) =	sbr.rel @p1 .LBB2_6-.Ltmp3, $4  }
0x8e: {  	[sflag:s13] =	ssyncadd.s32 $0xFFFFC800  }
0x8f: {  	[hbm4b:s24+s2] =	stream.linear.scatter [tilespmem:s18], [sflag:$0x3], $0x2C00, $0x38;
	[tilespmem:$0x6500] =	vst v63  }
0x90: {  	s22 =	smov.u32 s29;
	_ =	swait.ge [sflag:s13], $0x2C00  }
0x91: {  	s25 =	sadd.s32 $0xC80, s25;
	s24 =	sadd.s32 $0xC80, s24;
	[sflag:s13] =	ssyncset.done $0x0  }
0x92: {  	s22 =	smov.u32 s23  }
.LBB2_8:
0x93: {  	s23 =	sadd.s32 s22, s12;
	[sflag:s13] =	ssyncadd.s32 @p0 $0xFFFFD400  }
0x94: {  	[tilespmem:s2], [sflag:$0x3] =	stream.linear.gather [hbm4b:s23+s2], $0x70, $0x38;
	[tilespmem:$0x6500] =	vst v63  }
0x95: {  	_ =	swait.ge [sflag:s13], $0x70  }
0x96: {  	[sflag:s13] =	ssyncset.done $0x0  }
0x97: {  	s31 =	sadd.s32 s22, s11;
	[sflag:s13] =	ssyncadd.s32 $0xFFFFFF90  }
0x98: {  	[tilespmem:s14], [sflag:$0x3] =	stream.linear.gather [hbm4b:s31+s2], $0x58, $0x38;
	[tilespmem:$0x6500] =	vst v63  }
0x99: {  	_ =	swait.ge [sflag:s13], $0x58  }
0x9a: {  	[sflag:s13] =	ssyncset.done $0x0  }
0x9b: {  	[sflag:s13] =	ssyncadd.s32 $0xFFFFFFA8  }
0x9c: {  	[tilespmem:s16], [sflag:$0x1] =	stream.indirect.gather [hbm4b:s3+s15], $0x80, s2, s15, $0xb8;
	[tilespmem:$0x6500] =	vst v63  }
0x9d: {  	_ = 	snop  }
0x9e: {  	[tilespmem:s18], [sflag:$0x2] =	stream.indirect.gather [hbm4b:s3+s17], $0x80, s14, s17, $0xb8;
	[tilespmem:$0x6500] =	vst v63  }
0x9f: {  	_ =	swait.ge [sflag:s19], $0x3800  }
0xa0: {  	[sflag:s19] =	ssyncset.done $0x0  }
0xa1: {  	[sflag:s19] =	ssyncadd.s32 $0xFFFFC800  }
0xa2: {  	_ =	swait.ge [sflag:s20], $0x2C00  }
0xa3: {  	[sflag:s20] =	ssyncset.done $0x0  }
0xa4: {  	[sflag:s20] =	ssyncadd.s32 $0xFFFFD400  }
0xa5: {  	[hbm4b:s25+s2] =	stream.linear.scatter [tilespmem:s16], [sflag:$0x3], $0x3800, $0x38;
	[tilespmem:$0x6500] =	vst v63  }
0xa6: {  	_ =	swait.ge [sflag:s13], $0x3800  }
0xa7: {  	s21 =	sadd.s32 $0x1, s21;
	[sflag:s13] =	ssyncset.done $0x0  }
0xa8: {  	p0 =	sne.s32 s21, s4;
	[sflag:s13] =	ssyncadd.s32 $0xFFFFC800  }
0xa9: {  	[hbm4b:s24+s2] =	stream.linear.scatter [tilespmem:s18], [sflag:$0x3], $0x2C00, $0x38;
	[tilespmem:$0x6500] =	vst v63  }
.Ltmp4:
0xaa: {  	_ = 	snop;
	(pc) =	sbr.rel @p0 .LBB2_1-.Ltmp4, $4  }
.Ltmp5:
0xab: {  	_ = 	snop;
	(pc) =	sbr.rel @!p0 .LBB2_9-.Ltmp5, $4  }
0xac: {  	_ =	swait.ge [sflag:s13], $0x2C00  }
0xad: {  	[sflag:s13] =	ssyncset.done $0x0  }
0xae: {  	[sflag:s13] =	ssyncadd.s32 $0xFFFFD400  }
0xaf: {  	_ = 	snop  }
.LBB2_5:
.Ltmp6:
0xb0: {  	(pc) =	sbr.rel .LBB2_8-.Ltmp6, $2  }
0xb1: {  	_ =	sdelay $0x2  }
0xb2: {  	s22 =	simm.s32 $0x19  }
.LBB2_9:
0xb3: {  	_ =	sfence.sel $0x180000  }
0xb4: {  	[bflag:$0x0] =	sbarrier.arrive $0xFFFF  }
0xb5: {  	p0 =	sne.s32 s1, $0x0;
	_ =	strace $0x9000004A  }
0xb6: {  	s0 =	sadd.s32 @!p0 $0x100000, s0;
	[bflag:$0x2] =	sbarrier.arrive $0xFFFF  }
0xb7: {  	[sflag:s0] =	ssyncadd.tile.s32 @!p0 $0x1;
	_ =	shalt  }
.Lfunc_end2:
_tile_overlayer_lowered:
.L_overlay_start_2:
0xb8: {  	(tag) =	ssettag $0x2  }
0xb9: {  	s0 =	rddreg [dreg:$0x0];
	s2 =	stileid.u32  }
0xba: {  	s1 =	rddreg [dreg:$0x1];
	p0 =	sne.s32 s2, $0x0  }
0xbb: {  	s3 =	rddreg [dreg:$0x2];
	[bflag:$0x3] =	sbarrier.arrive $0xFFFF;
	s2 =	simm.s32 @!p0 $0x1C03  }
0xbc: {  	[timem:s3], [sflag:s2] =	dma.local @!p0 [hbm:s0], s1  }
0xbd: {  	s0 =	simm.s32 @!p0 $0x3  }
0xbe: {  	_ =	swait.ge @!p0 [sflag:s0], s1  }
0xbf: {  	s1 =	ssub.s32 @!p0 $0x0, s1;
	[sflag:s0] =	ssyncset.done @!p0 $0x0  }
0xc0: {  	[sflag:s0] =	ssyncadd.s32 @!p0 s1  }
0xc1: {  	[bflag:$0x3] =	sbarrier.arrive $0xFFFF  }
0xc2: {  	_ =	shalt  }

</sc_bundles>
